<compile_context>
chip_gen: v7x
topology: tpu7x:2x2x1
jax: 0.10.2.dev20260603
libtpu: 0.0.44.dev20260713+nightly
codegen_flags: <defaults>
</compile_context>

<pallas_src>
import functools

import jax
import jax.numpy as jnp
from jax import lax
from jax.experimental import pallas as pl
from jax.experimental.pallas import tpu as pltpu
from jax.experimental.pallas import tpu_sc as plsc

_B, _C, _H, _W = 8, 96, 128, 128
_CP = 128
_N = _B * _H * _W
_MAXT = 200
_NLISTS = 40
_NSUB = 16
_CHUNK = 4096
_TRIP = 19 * _MAXT
_TPW = 240
_GRP = 40


def _transpose_body(f_ref, o_ref):
    x = f_ref[0]
    for r in range(128):
        o_ref[pl.ds(r * _W, _W), pl.ds(0, _C)] = x[:, r, :].T


def _transpose_feats(feats):
    return pl.pallas_call(
        _transpose_body,
        grid=(_B,),
        in_specs=[pl.BlockSpec((1, _C, _H, _W), lambda b: (b, 0, 0, 0))],
        out_specs=pl.BlockSpec((_H * _W, _CP), lambda b: (b, 0)),
        out_shape=jax.ShapeDtypeStruct((_N, _CP), jnp.float32),
    )(feats)


def _i32(x):
    return x.astype(jnp.int32)


def _scan_body(lab_hbm,
               lists_hbm, cl_hbm,
               labv, ribuf, lists_v, clrow, sem):
    w = lax.axis_index("s")

    los, his, exs, bases, actives = [], [], [], [], []
    for k in range(3):
        lid = w + _NSUB * k
        is_a = lid <= 18
        is_p = (lid >= 19) & (lid <= 37)
        c = jnp.where(is_a, lid + 1, jnp.where(is_p, lid - 18, 0))
        c_up = c <= 10
        lo = jnp.where(is_a, c,
                       jnp.where(is_p, jnp.where(c_up, 1, 11),
                                 jnp.where(lid == 38, 1, 11)))
        hi = jnp.where(is_a, c,
                       jnp.where(is_p, jnp.where(c_up, 10, 19),
                                 jnp.where(lid == 38, 10, 19)))
        ex = jnp.where(is_p, c, 20)
        base = jnp.where(is_a, lid * _MAXT,
                         jnp.where(is_p, _TRIP + (lid - 19) * _MAXT,
                                   jnp.where(lid == 38, 2 * _TRIP,
                                             2 * _TRIP + _MAXT)))
        active = lid <= 39
        lo = jnp.where(active, lo, 21)
        hi = jnp.where(active, hi, 20)
        los.append(_i32(lo)); his.append(_i32(hi)); exs.append(_i32(ex))
        bases.append(_i32(base)); actives.append(active)

    zero16 = jnp.zeros((16,), jnp.int32)
    for k in range(3):
        @pl.when(actives[k])
        def _(k=k):
            def zb(i, _):
                lists_v[pl.ds(bases[k] + i * 16, 16)] = zero16
                return 0
            lax.fori_loop(0, _MAXT // 16 + 1, zb, 0)

    iota16 = lax.iota(jnp.int32, 16)

    def upd(k, v16, p16, c_l):
        cond = (v16 >= los[k]) & (v16 <= his[k]) & (v16 != exs[k])
        condi = _i32(jnp.where(cond, 1, 0))
        inc = plsc.cumsum(condi)
        rank = c_l + inc - 1
        mask = cond & (rank < _MAXT)
        plsc.store_scatter(lists_v, [bases[k] + rank], p16, mask=mask)
        return c_l + inc[15]

    caps = [jnp.where(actives[k], _MAXT, 0) for k in range(3)]

    def chunk_body(ci, st):
        c0, c1, c2 = st
        notdone = jnp.logical_not(
            (c0 >= caps[0]) & (c1 >= caps[1]) & (c2 >= caps[2]))

        @pl.when(notdone)
        def _():
            for g in range(2):
                rr = ci * 32 + g * 16 + iota16
                bb = rr // 128
                yy = rr - bb * 128
                ribuf[pl.ds(g * 16, 16)] = bb * 512 + yy * 4
            pltpu.async_copy(lab_hbm.at[ribuf], labv, sem).wait()

        def cond_fn(s):
            j, c0, c1, c2 = s
            alldone = ((c0 >= caps[0]) & (c1 >= caps[1])
                       & (c2 >= caps[2]))
            return (j < _CHUNK // 16) & jnp.logical_not(alldone)

        def body_fn(s):
            j, c0, c1, c2 = s
            r = j // 8
            x0 = (j - r * 8) * 16
            row16 = jnp.zeros((16,), jnp.int32) + r
            v16 = plsc.load_gather(labv, [row16, (x0 + iota16) * 4])
            p16 = ci * _CHUNK + j * 16 + iota16
            c0 = upd(0, v16, p16, c0)
            c1 = upd(1, v16, p16, c1)
            c2 = upd(2, v16, p16, c2)
            return (j + 1, c0, c1, c2)

        _, c0, c1, c2 = lax.while_loop(
            cond_fn, body_fn, (jnp.int32(0), c0, c1, c2))
        return (c0, c1, c2)

    z = jnp.int32(0)
    c0, c1, c2 = lax.fori_loop(0, _N // _CHUNK, chunk_body, (z, z, z))

    cl0 = jnp.minimum(c0, _MAXT)
    cl1 = jnp.minimum(c1, _MAXT)
    cl2 = jnp.minimum(c2, _MAXT)
    clrow[...] = jnp.where(
        iota16 == 0, cl0,
        jnp.where(iota16 == 1, cl1,
                  jnp.where(iota16 == 2, cl2, 0))).astype(jnp.int32)
    for k in range(3):
        @pl.when(actives[k])
        def _(k=k):
            pltpu.sync_copy(lists_v.at[pl.ds(bases[k], _MAXT)],
                            lists_hbm.at[pl.ds(bases[k], _MAXT)])
    pltpu.sync_copy(clrow, cl_hbm.at[pl.ds(w * 16, 16)])


def _dot_body(lists_hbm, cl_hbm, mtv_hbm, featsT_hbm,
              loss_hbm, cc_hbm, part_hbm,
              lists_v, mtv_v, cl_v, m_v, idxv, rows_v,
              acc_v, pv, obf, obi, sem):
    w = lax.axis_index("s")
    iota16 = lax.iota(jnp.int32, 16)

    pltpu.sync_copy(lists_hbm, lists_v.at[pl.ds(0, 2 * _TRIP + 2 * _MAXT)])
    pltpu.sync_copy(cl_hbm, cl_v)
    pltpu.sync_copy(mtv_hbm, mtv_v)
    mt = jnp.minimum(mtv_v[pl.ds(0, 16)][0], _MAXT)

    row6 = cl_v[pl.ds(96, 16)]
    row7 = cl_v[pl.ds(112, 16)]
    nU = row6[2]
    nL = row7[2]

    def m_vec(cvec, lane_mask):
        lidA = cvec - 1
        lidP = 18 + cvec
        clA = plsc.load_gather(cl_v, [(lidA % _NSUB) * 16 + lidA // _NSUB])
        clP = plsc.load_gather(cl_v, [(lidP % _NSUB) * 16 + lidP // _NSUB])
        clN = jnp.where(cvec <= 10, nL, nU)
        m = jnp.minimum(jnp.minimum(clA, clP), jnp.minimum(clN, mt))
        return jnp.where(lane_mask, m, 0).astype(jnp.int32)

    m_v[pl.ds(0, 16)] = m_vec(iota16 + 1, iota16 < 16)
    m_v[pl.ds(16, 16)] = m_vec(jnp.minimum(iota16 + 17, 19), iota16 < 3)

    def idx_body(jb, _):
        j16 = jb * 16 + iota16
        t = w * _TPW + j16
        tc = jnp.minimum(t, _TRIP - 1)
        c0 = tc // _MAXT
        kk = tc - c0 * _MAXT
        ia = plsc.load_gather(lists_v, [c0 * _MAXT + kk])
        ip = plsc.load_gather(lists_v, [_TRIP + c0 * _MAXT + kk])
        nb = jnp.where(c0 <= 9, 2 * _TRIP + _MAXT, 2 * _TRIP)
        inn = plsc.load_gather(lists_v, [nb + kk])
        plsc.store_scatter(idxv, [3 * j16], ia)
        plsc.store_scatter(idxv, [3 * j16 + 1], ip)
        plsc.store_scatter(idxv, [3 * j16 + 2], inn)
        return 0
    lax.fori_loop(0, _TPW // 16, idx_body, 0)

    copies = [
        pltpu.make_async_copy(
            featsT_hbm.at[idxv.at[pl.ds(g * 3 * _GRP, 3 * _GRP)]],
            rows_v.at[pl.ds(g * 3 * _GRP, 3 * _GRP)], sem)
        for g in range(_TPW // _GRP)
    ]
    for cp in copies:
        cp.start()
    for cp in copies:
        cp.wait()

    mlo = m_v[pl.ds(0, 16)]
    mhi = m_v[pl.ds(16, 16)]

    def dot_body(j, accs):
        acc0, acc1 = accs
        r0 = 3 * j
        accP = jnp.zeros((16,), jnp.float32)
        accN = jnp.zeros((16,), jnp.float32)
        for u in range(_C // 16):
            a = rows_v[r0, pl.ds(u * 16, 16)]
            pp = rows_v[r0 + 1, pl.ds(u * 16, 16)]
            nn = rows_v[r0 + 2, pl.ds(u * 16, 16)]
            accP = accP + a * pp
            accN = accN + a * nn
        dp = jnp.sum(accP)
        dn = jnp.sum(accN)
        tl = jnp.maximum(dn - dp + jnp.float32(0.6), jnp.float32(0.0))
        t = w * _TPW + j
        tc = jnp.minimum(t, _TRIP - 1)
        c0 = tc // _MAXT
        kk = tc - c0 * _MAXT
        inrange = jnp.any(((iota16 == c0) & (kk < mlo))
                          | ((iota16 == c0 - 16) & (kk < mhi)))
        valid = (t < _TRIP) & inrange
        tl = jnp.where(valid, tl, jnp.float32(0.0))
        acc0 = acc0 + jnp.where(iota16 == c0, tl, jnp.float32(0.0))
        acc1 = acc1 + jnp.where(iota16 == c0 - 16, tl, jnp.float32(0.0))
        return (acc0, acc1)
    acc0, acc1 = lax.fori_loop(
        0, _TPW, dot_body,
        (jnp.zeros((16,), jnp.float32), jnp.zeros((16,), jnp.float32)),
        unroll=2)
    acc_v[pl.ds(0, 16)] = acc0
    acc_v[pl.ds(16, 16)] = acc1

    pltpu.sync_copy(acc_v, part_hbm.at[pl.ds(w * 32, 32)])
    plsc.subcore_barrier()

    @pl.when(w == 0)
    def _():
        pltpu.sync_copy(part_hbm, pv)

        def red_body(r, s):
            s0, s1 = s
            return (s0 + pv[pl.ds(r * 32, 16)], s1 + pv[pl.ds(r * 32 + 16, 16)])
        s0, s1 = lax.fori_loop(
            0, _NSUB, red_body,
            (jnp.zeros((16,), jnp.float32), jnp.zeros((16,), jnp.float32)))

        def per_class(svec, mvec):
            mf = jnp.maximum(mvec, 1).astype(jnp.float32)
            lvec = jnp.where(mvec > 0, svec / mf, jnp.float32(0.0))
            return jnp.sum(lvec), jnp.sum(_i32(mvec > 0))
        l0, n0 = per_class(s0, mlo)
        l1, n1 = per_class(s1, mhi)
        loss = l0 + l1
        cc = n0 + n1
        denom = jnp.zeros((16,), jnp.float32) + jnp.maximum(cc, 1).astype(
            jnp.float32)
        lossvec = jnp.where(iota16 == 0, loss, jnp.float32(0.0)) / denom
        obf[...] = jnp.where(cc > 0, lossvec, jnp.float32(0.0))
        obi[...] = jnp.where(iota16 == 0, cc, 0).astype(jnp.int32)
        pltpu.sync_copy(obf, loss_hbm)
        pltpu.sync_copy(obi, cc_hbm)


_MESH = plsc.VectorSubcoreMesh(core_axis_name="c", subcore_axis_name="s",
                               num_cores=1)
_PARAMS = pltpu.CompilerParams(needs_layout_passes=False)


@functools.partial(
    pl.kernel,
    out_type=(jax.ShapeDtypeStruct((2 * _TRIP + 2 * _MAXT,), jnp.int32),
              jax.ShapeDtypeStruct((_NSUB * 16,), jnp.int32)),
    mesh=_MESH,
    compiler_params=_PARAMS,
    scratch_types=(
        pltpu.VMEM((32, 512), jnp.int32),
        pltpu.VMEM((32,), jnp.int32),
        pltpu.VMEM((2 * _TRIP + 2 * _MAXT + 16,), jnp.int32),
        pltpu.VMEM((16,), jnp.int32),
        pltpu.SemaphoreType.DMA,
    ),
)
def _scan_kernel(lab_hbm, lists_hbm, cl_hbm, *rest):
    _scan_body(lab_hbm, lists_hbm, cl_hbm, *rest)


@functools.partial(
    pl.kernel,
    out_type=(jax.ShapeDtypeStruct((16,), jnp.float32),
              jax.ShapeDtypeStruct((16,), jnp.int32),
              jax.ShapeDtypeStruct((_NSUB * 32,), jnp.float32)),
    mesh=_MESH,
    compiler_params=_PARAMS,
    scratch_types=(
        pltpu.VMEM((2 * _TRIP + 2 * _MAXT + 16,), jnp.int32),
        pltpu.VMEM((16,), jnp.int32),
        pltpu.VMEM((_NSUB * 16,), jnp.int32),
        pltpu.VMEM((32,), jnp.int32),
        pltpu.VMEM((3 * _TPW,), jnp.int32),
        pltpu.VMEM((3 * _TPW, _CP), jnp.float32),
        pltpu.VMEM((32,), jnp.float32),
        pltpu.VMEM((_NSUB * 32,), jnp.float32),
        pltpu.VMEM((16,), jnp.float32),
        pltpu.VMEM((16,), jnp.int32),
        pltpu.SemaphoreType.DMA,
    ),
)
def _dot_kernel(lists_hbm, cl_hbm, mtv_hbm, featsT_hbm, loss_hbm, cc_hbm,
                part_hbm, *rest):
    _dot_body(lists_hbm, cl_hbm, mtv_hbm, featsT_hbm, loss_hbm, cc_hbm,
              part_hbm, *rest)


def kernel(feats, labels, max_triplet=200):
    lab_rows = labels.reshape(_B * 512, 512).astype(jnp.int32)
    featsT = _transpose_feats(feats)
    mtv = jnp.full((16,), jnp.asarray(max_triplet, jnp.int32), jnp.int32)
    lists_hbm, cl_hbm = _scan_kernel(lab_rows)
    loss_full, cc_full, _ = _dot_kernel(lists_hbm, cl_hbm, mtv, featsT)
    return (loss_full[0], cc_full[:1])

# --- scband reference (transcript-rebuilt; emitter-appended) ---
"""Pipeline reference for scband-tree-triplet-loss-19722489823690 (READ-ONLY COPY).

The authoritative reference and input builder live on the scoring server;
editing this copy changes nothing except your own understanding.
"""

import jax, jax.numpy as jnp
import numpy as np

NUM_CLASSES = 20
UPPER_IDS = [1,2,3,4,5,6,7,8,9,10]
LOWER_IDS = [11,12,13,14,15,16,17,18,19]
IGNORE = 255


def setup_inputs(seed: int = 0):
    key = jax.random.key(seed)
    k1, k2 = jax.random.split(key)
    feats = jax.random.normal(k1, (8, 96, 128, 128), dtype=jnp.float32)
    labels = jax.random.randint(k2, (8, 512, 512), 0, 20, dtype=jnp.int32)
    return {"feats": feats, "labels": labels, "max_triplet": 200}


def _nearest_resize_labels(labels_np, h, w):
    B, H, W = labels_np.shape
    ri = (np.arange(h) * H) // h
    ci = (np.arange(w) * W) // w
    return labels_np[:, ri][:, :, ci]


def reference(feats, labels, max_triplet=200):
    B, C, h, w = feats.shape
    lab = _nearest_resize_labels(labels, h, w).reshape(-1)
    feats_f = jnp.transpose(feats, (0, 2, 3, 1)).reshape(-1, C)
    MAXT = 200
    mt = jnp.minimum(jnp.asarray(max_triplet, dtype=jnp.int32), jnp.int32(MAXT))
    triplet_loss = jnp.float32(0.0)
    class_count = jnp.int32(0)
    pos_arange = jnp.arange(MAXT)
    for ii in UPPER_IDS + LOWER_IDS:
        if ii in UPPER_IDS:
            label_pos = [c for c in UPPER_IDS if c != ii]
            label_neg = list(LOWER_IDS)
        else:
            label_pos = [c for c in LOWER_IDS if c != ii]
            label_neg = list(UPPER_IDS)
        a_mask = lab == ii
        p_mask = jnp.isin(lab, jnp.array(label_pos))
        n_mask = jnp.isin(lab, jnp.array(label_neg))
        m = jnp.minimum(
            jnp.minimum(a_mask.sum().astype(jnp.int32), p_mask.sum().astype(jnp.int32)),
            jnp.minimum(n_mask.sum().astype(jnp.int32), mt),
        )
        anchor_idx = jnp.nonzero(a_mask, size=MAXT, fill_value=0)[0]
        pos_idx = jnp.nonzero(p_mask, size=MAXT, fill_value=0)[0]
        neg_idx = jnp.nonzero(n_mask, size=MAXT, fill_value=0)[0]
        fa = feats_f[anchor_idx]
        fp = feats_f[pos_idx]
        fn = feats_f[neg_idx]
        d_pos = 1.0 - jnp.sum(fa * fp, axis=1)
        d_neg = 1.0 - jnp.sum(fa * fn, axis=1)
        tl = jax.nn.relu(d_pos - d_neg + 0.6)
        sel = pos_arange < m
        tl_sum = jnp.sum(jnp.where(sel, tl, jnp.float32(0.0)))
        tl_mean = tl_sum / jnp.maximum(m, 1).astype(jnp.float32)
        triplet_loss = triplet_loss + jnp.where(m > 0, tl_mean, jnp.float32(0.0))
        class_count = class_count + (m > 0).astype(jnp.int32)
    denom = jnp.maximum(class_count, 1).astype(jnp.float32)
    loss = jnp.where(class_count > 0, triplet_loss / denom, jnp.float32(0.0))
    return (loss, class_count.reshape(1))

if __name__ == "__main__":
    import jax
    _d = setup_inputs()
    print(jax.jit(kernel)(*tuple(_d.values())))

</pallas_src>

<mosaic_0001>
#map = affine_map<(d0, d1) -> (0)>
#map1 = affine_map<(d0, d1) -> (0, 0)>
module attributes {stable_mosaic.version = 14 : i64} {
  func.func @_dot_kernel(%arg0: i32, %arg1: i32, %arg2: memref<8000xi32, #tpu.memory_space<hbm>>, %arg3: memref<256xi32, #tpu.memory_space<hbm>>, %arg4: memref<16xi32, #tpu.memory_space<hbm>>, %arg5: memref<131072x128xf32, #tpu.memory_space<hbm>>, %arg6: memref<16xf32, #tpu.memory_space<hbm>>, %arg7: memref<16xi32, #tpu.memory_space<hbm>>, %arg8: memref<512xf32, #tpu.memory_space<hbm>>, %arg9: memref<8016xi32, #tpu.memory_space<vmem>>, %arg10: memref<16xi32, #tpu.memory_space<vmem>>, %arg11: memref<256xi32, #tpu.memory_space<vmem>>, %arg12: memref<32xi32, #tpu.memory_space<vmem>>, %arg13: memref<720xi32, #tpu.memory_space<vmem>>, %arg14: memref<720x128xf32, #tpu.memory_space<vmem>>, %arg15: memref<32xf32, #tpu.memory_space<vmem>>, %arg16: memref<512xf32, #tpu.memory_space<vmem>>, %arg17: memref<16xf32, #tpu.memory_space<vmem>>, %arg18: memref<16xi32, #tpu.memory_space<vmem>>, %arg19: memref<!tpu.dma_semaphore, #tpu.memory_space<semaphore_mem>>) attributes {dimension_semantics = [#tpu.dimension_semantics<core_parallel>, #tpu.dimension_semantics<subcore_parallel>], iteration_bounds = array<i64: 1, 16>, scalar_prefetch = 0 : i64, scratch_operands = 11 : i64, tpu.core_type = #tpu.core_type<sc_vector_subcore>, window_params = [{transform_indices = #map}, {transform_indices = #map}, {transform_indices = #map}, {transform_indices = #map1}, {transform_indices = #map}, {transform_indices = #map}, {transform_indices = #map}]} {
    %iota3A = tpu.iota {dimensions = array<i32: 0>} : vector<16xi32>
    "tpu.region"() ({
      %run_scoped3A = tpu.sem_alloc : memref<!tpu.dma_semaphore, #tpu.memory_space<semaphore_mem>>
      %dma_start3A_406 = arith.constant 0 : i32
      %dma_start3A_407 = tpu.memref_slice %arg9[%dma_start3A_406] : memref<8016xi32, #tpu.memory_space<vmem>> -> memref<8000xi32, #tpu.memory_space<vmem>>
      %dma_start3A_408 = arith.constant 0 : i32
      %dma_start3A_409 = tpu.memref_slice %arg9[%dma_start3A_408] : memref<8016xi32, #tpu.memory_space<vmem>> -> memref<8000xi32, #tpu.memory_space<vmem>>
      tpu.enqueue_dma source(%arg2 : memref<8000xi32, #tpu.memory_space<hbm>>) target(%dma_start3A_409 : memref<8000xi32, #tpu.memory_space<vmem>>) target_semaphore(%run_scoped3A : memref<!tpu.dma_semaphore, #tpu.memory_space<semaphore_mem>>)
      %dma_wait3A_410 = arith.constant 0 : i32
      %dma_wait3A_411 = tpu.memref_slice %arg9[%dma_wait3A_410] : memref<8016xi32, #tpu.memory_space<vmem>> -> memref<8000xi32, #tpu.memory_space<vmem>>
      %dma_wait3A_412 = arith.constant 0 : i32
      %dma_wait3A_413 = tpu.memref_slice %arg9[%dma_wait3A_412] : memref<8016xi32, #tpu.memory_space<vmem>> -> memref<8000xi32, #tpu.memory_space<vmem>>
      tpu.wait_dma2 semaphore(%run_scoped3A : memref<!tpu.dma_semaphore, #tpu.memory_space<semaphore_mem>>) src(%arg2 : memref<8000xi32, #tpu.memory_space<hbm>>) dst(%dma_wait3A_413 : memref<8000xi32, #tpu.memory_space<vmem>>)
      tpu.yield
    }) : () -> ()
    "tpu.region"() ({
      %run_scoped3A = tpu.sem_alloc : memref<!tpu.dma_semaphore, #tpu.memory_space<semaphore_mem>>
      tpu.enqueue_dma source(%arg3 : memref<256xi32, #tpu.memory_space<hbm>>) target(%arg11 : memref<256xi32, #tpu.memory_space<vmem>>) target_semaphore(%run_scoped3A : memref<!tpu.dma_semaphore, #tpu.memory_space<semaphore_mem>>)
      tpu.wait_dma2 semaphore(%run_scoped3A : memref<!tpu.dma_semaphore, #tpu.memory_space<semaphore_mem>>) src(%arg3 : memref<256xi32, #tpu.memory_space<hbm>>) dst(%arg11 : memref<256xi32, #tpu.memory_space<vmem>>)
      tpu.yield
    }) : () -> ()
    "tpu.region"() ({
      %run_scoped3A = tpu.sem_alloc : memref<!tpu.dma_semaphore, #tpu.memory_space<semaphore_mem>>
      tpu.enqueue_dma source(%arg4 : memref<16xi32, #tpu.memory_space<hbm>>) target(%arg10 : memref<16xi32, #tpu.memory_space<vmem>>) target_semaphore(%run_scoped3A : memref<!tpu.dma_semaphore, #tpu.memory_space<semaphore_mem>>)
      tpu.wait_dma2 semaphore(%run_scoped3A : memref<!tpu.dma_semaphore, #tpu.memory_space<semaphore_mem>>) src(%arg4 : memref<16xi32, #tpu.memory_space<hbm>>) dst(%arg10 : memref<16xi32, #tpu.memory_space<vmem>>)
      tpu.yield
    }) : () -> ()
    %get3A = arith.constant 0 : index
    %get3A_0 = tpu.vector_load %arg10[%get3A] {strides = array<i32>} : memref<16xi32, #tpu.memory_space<vmem>>, vector<16xi32>,
    %slice3A = vector.extract_strided_slice %get3A_0 {offsets = [0], sizes = [1], strides = [1]} : vector<16xi32> to vector<1xi32>
    %squeeze3A = vector.extract %slice3A[0] : i32 from vector<1xi32>
    %min3A = arith.constant 200 : i32
    %min3A_1 = arith.minsi %squeeze3A, %min3A : i32
    %get3A_2 = arith.constant 96 : index
    %get3A_3 = tpu.vector_load %arg11[%get3A_2] {strides = array<i32>} : memref<256xi32, #tpu.memory_space<vmem>>, vector<16xi32>,
    %get3A_4 = arith.constant 112 : index
    %get3A_5 = tpu.vector_load %arg11[%get3A_4] {strides = array<i32>} : memref<256xi32, #tpu.memory_space<vmem>>, vector<16xi32>,
    %slice3A_6 = vector.extract_strided_slice %get3A_3 {offsets = [2], sizes = [1], strides = [1]} : vector<16xi32> to vector<1xi32>
    %squeeze3A_7 = vector.extract %slice3A_6[0] : i32 from vector<1xi32>
    %slice3A_8 = vector.extract_strided_slice %get3A_5 {offsets = [2], sizes = [1], strides = [1]} : vector<16xi32> to vector<1xi32>
    %squeeze3A_9 = vector.extract %slice3A_8[0] : i32 from vector<1xi32>
    %add3A = arith.constant 1 : i32
    %add3A_10 = vector.broadcast %add3A : i32 to vector<16xi32>
    %add3A_11 = arith.addi %iota3A, %add3A_10 : vector<16xi32>
    %lt3A = arith.constant 16 : i32
    %lt3A_12 = vector.broadcast %lt3A : i32 to vector<16xi32>
    %lt3A_13 = arith.cmpi slt, %iota3A, %lt3A_12 : vector<16xi32>
    %sub3A = arith.constant 1 : i32
    %sub3A_14 = vector.broadcast %sub3A : i32 to vector<16xi32>
    %sub3A_15 = arith.subi %add3A_11, %sub3A_14 : vector<16xi32>
    %add3A_16 = arith.constant 18 : i32
    %add3A_17 = vector.broadcast %add3A_16 : i32 to vector<16xi32>
    %add3A_18 = arith.addi %add3A_17, %add3A_11 : vector<16xi32>
    %jit3A = arith.constant 16 : i32
    %eq3A = arith.constant 0 : i32
    %eq3A_19 = arith.cmpi eq, %jit3A, %eq3A : i32
    %jit3A_20 = arith.constant 1 : i32
    %select_n3A = arith.select %eq3A_19, %jit3A_20, %jit3A : i32
    %rem3A = vector.broadcast %select_n3A : i32 to vector<16xi32>
    %rem3A_21 = arith.remsi %sub3A_15, %rem3A : vector<16xi32>
    %ne3A = arith.constant 0 : i32
    %ne3A_22 = vector.broadcast %ne3A : i32 to vector<16xi32>
    %ne3A_23 = arith.cmpi ne, %rem3A_21, %ne3A_22 : vector<16xi32>
    %lt3A_24 = arith.constant 0 : i32
    %lt3A_25 = vector.broadcast %lt3A_24 : i32 to vector<16xi32>
    %lt3A_26 = arith.cmpi slt, %rem3A_21, %lt3A_25 : vector<16xi32>
    %lt3A_27 = arith.constant 0 : i32
    %lt3A_28 = arith.cmpi slt, %select_n3A, %lt3A_27 : i32
    %ne3A_29 = vector.broadcast %lt3A_28 : i1 to vector<16xi1>
    %ne3A_30 = vector.broadcast %ne3A_29 : vector<16xi1> to vector<16xi1>
    %ne3A_31 = arith.xori %lt3A_26, %ne3A_30 : vector<16xi1>
    %and3A = arith.andi %ne3A_31, %ne3A_23 : vector<16xi1>
    %add3A_32 = vector.broadcast %select_n3A : i32 to vector<16xi32>
    %add3A_33 = arith.addi %rem3A_21, %add3A_32 : vector<16xi32>
    %select_n3A_34 = arith.select %and3A, %add3A_33, %rem3A_21 : vector<16xi1>, vector<16xi32>
    %mul3A = arith.constant 16 : i32
    %mul3A_35 = vector.broadcast %mul3A : i32 to vector<16xi32>
    %mul3A_36 = arith.muli %select_n3A_34, %mul3A_35 : vector<16xi32>
    %jit3A_37 = arith.constant 16 : i32
    %div3A = vector.broadcast %jit3A_37 : i32 to vector<16xi32>
    %div3A_38 = arith.divsi %sub3A_15, %div3A : vector<16xi32>
    %sign3A = arith.constant 0 : i32
    %sign3A_39 = vector.broadcast %sign3A : i32 to vector<16xi32>
    %sign3A_40 = arith.cmpi sgt, %sub3A_15, %sign3A_39 : vector<16xi32>
    %sign3A_41 = arith.extui %sign3A_40 : vector<16xi1> to vector<16xi32>
    %sign3A_42 = arith.constant 0 : i32
    %sign3A_43 = vector.broadcast %sign3A_42 : i32 to vector<16xi32>
    %sign3A_44 = arith.cmpi slt, %sub3A_15, %sign3A_43 : vector<16xi32>
    %sign3A_45 = arith.extui %sign3A_44 : vector<16xi1> to vector<16xi32>
    %sign3A_46 = arith.subi %sign3A_41, %sign3A_45 : vector<16xi32>
    %sign3A_47 = arith.constant 0 : i32
    %sign3A_48 = arith.cmpi sgt, %jit3A_37, %sign3A_47 : i32
    %sign3A_49 = arith.extui %sign3A_48 : i1 to i32
    %sign3A_50 = arith.constant 0 : i32
    %sign3A_51 = arith.cmpi slt, %jit3A_37, %sign3A_50 : i32
    %sign3A_52 = arith.extui %sign3A_51 : i1 to i32
    %sign3A_53 = arith.subi %sign3A_49, %sign3A_52 : i32
    %ne3A_54 = vector.broadcast %sign3A_53 : i32 to vector<16xi32>
    %ne3A_55 = arith.cmpi ne, %sign3A_46, %ne3A_54 : vector<16xi32>
    %rem3A_56 = vector.broadcast %jit3A_37 : i32 to vector<16xi32>
    %rem3A_57 = arith.remsi %sub3A_15, %rem3A_56 : vector<16xi32>
    %ne3A_58 = arith.constant 0 : i32
    %ne3A_59 = vector.broadcast %ne3A_58 : i32 to vector<16xi32>
    %ne3A_60 = arith.cmpi ne, %rem3A_57, %ne3A_59 : vector<16xi32>
    %and3A_61 = arith.andi %ne3A_55, %ne3A_60 : vector<16xi1>
    %sub3A_62 = arith.constant 1 : i32
    %sub3A_63 = vector.broadcast %sub3A_62 : i32 to vector<16xi32>
    %sub3A_64 = arith.subi %div3A_38, %sub3A_63 : vector<16xi32>
    %select_n3A_65 = arith.select %and3A_61, %sub3A_64, %div3A_38 : vector<16xi1>, vector<16xi32>
    %add3A_66 = arith.addi %mul3A_36, %select_n3A_65 : vector<16xi32>
    %gather3A = tpu.vector_load_idx %arg11[%add3A_66] : memref<256xi32, #tpu.memory_space<vmem>>[vector<16xi32>], vector<16xi32>,
    %jit3A_67 = arith.constant 16 : i32
    %eq3A_68 = arith.constant 0 : i32
    %eq3A_69 = arith.cmpi eq, %jit3A_67, %eq3A_68 : i32
    %jit3A_70 = arith.constant 1 : i32
    %select_n3A_71 = arith.select %eq3A_69, %jit3A_70, %jit3A_67 : i32
    %rem3A_72 = vector.broadcast %select_n3A_71 : i32 to vector<16xi32>
    %rem3A_73 = arith.remsi %add3A_18, %rem3A_72 : vector<16xi32>
    %ne3A_74 = arith.constant 0 : i32
    %ne3A_75 = vector.broadcast %ne3A_74 : i32 to vector<16xi32>
    %ne3A_76 = arith.cmpi ne, %rem3A_73, %ne3A_75 : vector<16xi32>
    %lt3A_77 = arith.constant 0 : i32
    %lt3A_78 = vector.broadcast %lt3A_77 : i32 to vector<16xi32>
    %lt3A_79 = arith.cmpi slt, %rem3A_73, %lt3A_78 : vector<16xi32>
    %lt3A_80 = arith.constant 0 : i32
    %lt3A_81 = arith.cmpi slt, %select_n3A_71, %lt3A_80 : i32
    %ne3A_82 = vector.broadcast %lt3A_81 : i1 to vector<16xi1>
    %ne3A_83 = vector.broadcast %ne3A_82 : vector<16xi1> to vector<16xi1>
    %ne3A_84 = arith.xori %lt3A_79, %ne3A_83 : vector<16xi1>
    %and3A_85 = arith.andi %ne3A_84, %ne3A_76 : vector<16xi1>
    %add3A_86 = vector.broadcast %select_n3A_71 : i32 to vector<16xi32>
    %add3A_87 = arith.addi %rem3A_73, %add3A_86 : vector<16xi32>
    %select_n3A_88 = arith.select %and3A_85, %add3A_87, %rem3A_73 : vector<16xi1>, vector<16xi32>
    %mul3A_89 = arith.constant 16 : i32
    %mul3A_90 = vector.broadcast %mul3A_89 : i32 to vector<16xi32>
    %mul3A_91 = arith.muli %select_n3A_88, %mul3A_90 : vector<16xi32>
    %jit3A_92 = arith.constant 16 : i32
    %div3A_93 = vector.broadcast %jit3A_92 : i32 to vector<16xi32>
    %div3A_94 = arith.divsi %add3A_18, %div3A_93 : vector<16xi32>
    %sign3A_95 = arith.constant 0 : i32
    %sign3A_96 = vector.broadcast %sign3A_95 : i32 to vector<16xi32>
    %sign3A_97 = arith.cmpi sgt, %add3A_18, %sign3A_96 : vector<16xi32>
    %sign3A_98 = arith.extui %sign3A_97 : vector<16xi1> to vector<16xi32>
    %sign3A_99 = arith.constant 0 : i32
    %sign3A_100 = vector.broadcast %sign3A_99 : i32 to vector<16xi32>
    %sign3A_101 = arith.cmpi slt, %add3A_18, %sign3A_100 : vector<16xi32>
    %sign3A_102 = arith.extui %sign3A_101 : vector<16xi1> to vector<16xi32>
    %sign3A_103 = arith.subi %sign3A_98, %sign3A_102 : vector<16xi32>
    %sign3A_104 = arith.constant 0 : i32
    %sign3A_105 = arith.cmpi sgt, %jit3A_92, %sign3A_104 : i32
    %sign3A_106 = arith.extui %sign3A_105 : i1 to i32
    %sign3A_107 = arith.constant 0 : i32
    %sign3A_108 = arith.cmpi slt, %jit3A_92, %sign3A_107 : i32
    %sign3A_109 = arith.extui %sign3A_108 : i1 to i32
    %sign3A_110 = arith.subi %sign3A_106, %sign3A_109 : i32
    %ne3A_111 = vector.broadcast %sign3A_110 : i32 to vector<16xi32>
    %ne3A_112 = arith.cmpi ne, %sign3A_103, %ne3A_111 : vector<16xi32>
    %rem3A_113 = vector.broadcast %jit3A_92 : i32 to vector<16xi32>
    %rem3A_114 = arith.remsi %add3A_18, %rem3A_113 : vector<16xi32>
    %ne3A_115 = arith.constant 0 : i32
    %ne3A_116 = vector.broadcast %ne3A_115 : i32 to vector<16xi32>
    %ne3A_117 = arith.cmpi ne, %rem3A_114, %ne3A_116 : vector<16xi32>
    %and3A_118 = arith.andi %ne3A_112, %ne3A_117 : vector<16xi1>
    %sub3A_119 = arith.constant 1 : i32
    %sub3A_120 = vector.broadcast %sub3A_119 : i32 to vector<16xi32>
    %sub3A_121 = arith.subi %div3A_94, %sub3A_120 : vector<16xi32>
    %select_n3A_122 = arith.select %and3A_118, %sub3A_121, %div3A_94 : vector<16xi1>, vector<16xi32>
    %add3A_123 = arith.addi %mul3A_91, %select_n3A_122 : vector<16xi32>
    %gather3A_124 = tpu.vector_load_idx %arg11[%add3A_123] : memref<256xi32, #tpu.memory_space<vmem>>[vector<16xi32>], vector<16xi32>,
    %le3A = arith.constant 10 : i32
    %le3A_125 = vector.broadcast %le3A : i32 to vector<16xi32>
    %le3A_126 = arith.cmpi sle, %add3A_11, %le3A_125 : vector<16xi32>
    %broadcast_in_dim3A = vector.broadcast %squeeze3A_9 : i32 to vector<16xi32>
    %broadcast_in_dim3A_127 = vector.broadcast %squeeze3A_7 : i32 to vector<16xi32>
    %select_n3A_128 = arith.select %le3A_126, %broadcast_in_dim3A, %broadcast_in_dim3A_127 : vector<16xi1>, vector<16xi32>
    %min3A_129 = arith.minsi %gather3A, %gather3A_124 : vector<16xi32>
    %min3A_130 = vector.broadcast %min3A_1 : i32 to vector<16xi32>
    %min3A_131 = arith.minsi %select_n3A_128, %min3A_130 : vector<16xi32>
    %min3A_132 = arith.minsi %min3A_129, %min3A_131 : vector<16xi32>
    %jit3A_133 = arith.constant 0 : i32
    %broadcast_in_dim3A_134 = vector.broadcast %jit3A_133 : i32 to vector<16xi32>
    %select_n3A_135 = arith.select %lt3A_13, %min3A_132, %broadcast_in_dim3A_134 : vector<16xi1>, vector<16xi32>
    %swap3A = arith.constant 0 : index
    %swap3A_136 = tpu.vector_load %arg12[%swap3A] {strides = array<i32>} : memref<32xi32, #tpu.memory_space<vmem>>, vector<16xi32>,
    tpu.vector_store %arg12[%swap3A], %select_n3A_135 {strides = array<i32>} : memref<32xi32, #tpu.memory_space<vmem>>, vector<16xi32>,
    %add3A_137 = arith.constant 17 : i32
    %add3A_138 = vector.broadcast %add3A_137 : i32 to vector<16xi32>
    %add3A_139 = arith.addi %iota3A, %add3A_138 : vector<16xi32>
    %min3A_140 = arith.constant 19 : i32
    %min3A_141 = vector.broadcast %min3A_140 : i32 to vector<16xi32>
    %min3A_142 = arith.minsi %add3A_139, %min3A_141 : vector<16xi32>
    %lt3A_143 = arith.constant 3 : i32
    %lt3A_144 = vector.broadcast %lt3A_143 : i32 to vector<16xi32>
    %lt3A_145 = arith.cmpi slt, %iota3A, %lt3A_144 : vector<16xi32>
    %sub3A_146 = arith.constant 1 : i32
    %sub3A_147 = vector.broadcast %sub3A_146 : i32 to vector<16xi32>
    %sub3A_148 = arith.subi %min3A_142, %sub3A_147 : vector<16xi32>
    %add3A_149 = arith.constant 18 : i32
    %add3A_150 = vector.broadcast %add3A_149 : i32 to vector<16xi32>
    %add3A_151 = arith.addi %add3A_150, %min3A_142 : vector<16xi32>
    %jit3A_152 = arith.constant 16 : i32
    %eq3A_153 = arith.constant 0 : i32
    %eq3A_154 = arith.cmpi eq, %jit3A_152, %eq3A_153 : i32
    %jit3A_155 = arith.constant 1 : i32
    %select_n3A_156 = arith.select %eq3A_154, %jit3A_155, %jit3A_152 : i32
    %rem3A_157 = vector.broadcast %select_n3A_156 : i32 to vector<16xi32>
    %rem3A_158 = arith.remsi %sub3A_148, %rem3A_157 : vector<16xi32>
    %ne3A_159 = arith.constant 0 : i32
    %ne3A_160 = vector.broadcast %ne3A_159 : i32 to vector<16xi32>
    %ne3A_161 = arith.cmpi ne, %rem3A_158, %ne3A_160 : vector<16xi32>
    %lt3A_162 = arith.constant 0 : i32
    %lt3A_163 = vector.broadcast %lt3A_162 : i32 to vector<16xi32>
    %lt3A_164 = arith.cmpi slt, %rem3A_158, %lt3A_163 : vector<16xi32>
    %lt3A_165 = arith.constant 0 : i32
    %lt3A_166 = arith.cmpi slt, %select_n3A_156, %lt3A_165 : i32
    %ne3A_167 = vector.broadcast %lt3A_166 : i1 to vector<16xi1>
    %ne3A_168 = vector.broadcast %ne3A_167 : vector<16xi1> to vector<16xi1>
    %ne3A_169 = arith.xori %lt3A_164, %ne3A_168 : vector<16xi1>
    %and3A_170 = arith.andi %ne3A_169, %ne3A_161 : vector<16xi1>
    %add3A_171 = vector.broadcast %select_n3A_156 : i32 to vector<16xi32>
    %add3A_172 = arith.addi %rem3A_158, %add3A_171 : vector<16xi32>
    %select_n3A_173 = arith.select %and3A_170, %add3A_172, %rem3A_158 : vector<16xi1>, vector<16xi32>
    %mul3A_174 = arith.constant 16 : i32
    %mul3A_175 = vector.broadcast %mul3A_174 : i32 to vector<16xi32>
    %mul3A_176 = arith.muli %select_n3A_173, %mul3A_175 : vector<16xi32>
    %jit3A_177 = arith.constant 16 : i32
    %div3A_178 = vector.broadcast %jit3A_177 : i32 to vector<16xi32>
    %div3A_179 = arith.divsi %sub3A_148, %div3A_178 : vector<16xi32>
    %sign3A_180 = arith.constant 0 : i32
    %sign3A_181 = vector.broadcast %sign3A_180 : i32 to vector<16xi32>
    %sign3A_182 = arith.cmpi sgt, %sub3A_148, %sign3A_181 : vector<16xi32>
    %sign3A_183 = arith.extui %sign3A_182 : vector<16xi1> to vector<16xi32>
    %sign3A_184 = arith.constant 0 : i32
    %sign3A_185 = vector.broadcast %sign3A_184 : i32 to vector<16xi32>
    %sign3A_186 = arith.cmpi slt, %sub3A_148, %sign3A_185 : vector<16xi32>
    %sign3A_187 = arith.extui %sign3A_186 : vector<16xi1> to vector<16xi32>
    %sign3A_188 = arith.subi %sign3A_183, %sign3A_187 : vector<16xi32>
    %sign3A_189 = arith.constant 0 : i32
    %sign3A_190 = arith.cmpi sgt, %jit3A_177, %sign3A_189 : i32
    %sign3A_191 = arith.extui %sign3A_190 : i1 to i32
    %sign3A_192 = arith.constant 0 : i32
    %sign3A_193 = arith.cmpi slt, %jit3A_177, %sign3A_192 : i32
    %sign3A_194 = arith.extui %sign3A_193 : i1 to i32
    %sign3A_195 = arith.subi %sign3A_191, %sign3A_194 : i32
    %ne3A_196 = vector.broadcast %sign3A_195 : i32 to vector<16xi32>
    %ne3A_197 = arith.cmpi ne, %sign3A_188, %ne3A_196 : vector<16xi32>
    %rem3A_198 = vector.broadcast %jit3A_177 : i32 to vector<16xi32>
    %rem3A_199 = arith.remsi %sub3A_148, %rem3A_198 : vector<16xi32>
    %ne3A_200 = arith.constant 0 : i32
    %ne3A_201 = vector.broadcast %ne3A_200 : i32 to vector<16xi32>
    %ne3A_202 = arith.cmpi ne, %rem3A_199, %ne3A_201 : vector<16xi32>
    %and3A_203 = arith.andi %ne3A_197, %ne3A_202 : vector<16xi1>
    %sub3A_204 = arith.constant 1 : i32
    %sub3A_205 = vector.broadcast %sub3A_204 : i32 to vector<16xi32>
    %sub3A_206 = arith.subi %div3A_179, %sub3A_205 : vector<16xi32>
    %select_n3A_207 = arith.select %and3A_203, %sub3A_206, %div3A_179 : vector<16xi1>, vector<16xi32>
    %add3A_208 = arith.addi %mul3A_176, %select_n3A_207 : vector<16xi32>
    %gather3A_209 = tpu.vector_load_idx %arg11[%add3A_208] : memref<256xi32, #tpu.memory_space<vmem>>[vector<16xi32>], vector<16xi32>,
    %jit3A_210 = arith.constant 16 : i32
    %eq3A_211 = arith.constant 0 : i32
    %eq3A_212 = arith.cmpi eq, %jit3A_210, %eq3A_211 : i32
    %jit3A_213 = arith.constant 1 : i32
    %select_n3A_214 = arith.select %eq3A_212, %jit3A_213, %jit3A_210 : i32
    %rem3A_215 = vector.broadcast %select_n3A_214 : i32 to vector<16xi32>
    %rem3A_216 = arith.remsi %add3A_151, %rem3A_215 : vector<16xi32>
    %ne3A_217 = arith.constant 0 : i32
    %ne3A_218 = vector.broadcast %ne3A_217 : i32 to vector<16xi32>
    %ne3A_219 = arith.cmpi ne, %rem3A_216, %ne3A_218 : vector<16xi32>
    %lt3A_220 = arith.constant 0 : i32
    %lt3A_221 = vector.broadcast %lt3A_220 : i32 to vector<16xi32>
    %lt3A_222 = arith.cmpi slt, %rem3A_216, %lt3A_221 : vector<16xi32>
    %lt3A_223 = arith.constant 0 : i32
    %lt3A_224 = arith.cmpi slt, %select_n3A_214, %lt3A_223 : i32
    %ne3A_225 = vector.broadcast %lt3A_224 : i1 to vector<16xi1>
    %ne3A_226 = vector.broadcast %ne3A_225 : vector<16xi1> to vector<16xi1>
    %ne3A_227 = arith.xori %lt3A_222, %ne3A_226 : vector<16xi1>
    %and3A_228 = arith.andi %ne3A_227, %ne3A_219 : vector<16xi1>
    %add3A_229 = vector.broadcast %select_n3A_214 : i32 to vector<16xi32>
    %add3A_230 = arith.addi %rem3A_216, %add3A_229 : vector<16xi32>
    %select_n3A_231 = arith.select %and3A_228, %add3A_230, %rem3A_216 : vector<16xi1>, vector<16xi32>
    %mul3A_232 = arith.constant 16 : i32
    %mul3A_233 = vector.broadcast %mul3A_232 : i32 to vector<16xi32>
    %mul3A_234 = arith.muli %select_n3A_231, %mul3A_233 : vector<16xi32>
    %jit3A_235 = arith.constant 16 : i32
    %div3A_236 = vector.broadcast %jit3A_235 : i32 to vector<16xi32>
    %div3A_237 = arith.divsi %add3A_151, %div3A_236 : vector<16xi32>
    %sign3A_238 = arith.constant 0 : i32
    %sign3A_239 = vector.broadcast %sign3A_238 : i32 to vector<16xi32>
    %sign3A_240 = arith.cmpi sgt, %add3A_151, %sign3A_239 : vector<16xi32>
    %sign3A_241 = arith.extui %sign3A_240 : vector<16xi1> to vector<16xi32>
    %sign3A_242 = arith.constant 0 : i32
    %sign3A_243 = vector.broadcast %sign3A_242 : i32 to vector<16xi32>
    %sign3A_244 = arith.cmpi slt, %add3A_151, %sign3A_243 : vector<16xi32>
    %sign3A_245 = arith.extui %sign3A_244 : vector<16xi1> to vector<16xi32>
    %sign3A_246 = arith.subi %sign3A_241, %sign3A_245 : vector<16xi32>
    %sign3A_247 = arith.constant 0 : i32
    %sign3A_248 = arith.cmpi sgt, %jit3A_235, %sign3A_247 : i32
    %sign3A_249 = arith.extui %sign3A_248 : i1 to i32
    %sign3A_250 = arith.constant 0 : i32
    %sign3A_251 = arith.cmpi slt, %jit3A_235, %sign3A_250 : i32
    %sign3A_252 = arith.extui %sign3A_251 : i1 to i32
    %sign3A_253 = arith.subi %sign3A_249, %sign3A_252 : i32
    %ne3A_254 = vector.broadcast %sign3A_253 : i32 to vector<16xi32>
    %ne3A_255 = arith.cmpi ne, %sign3A_246, %ne3A_254 : vector<16xi32>
    %rem3A_256 = vector.broadcast %jit3A_235 : i32 to vector<16xi32>
    %rem3A_257 = arith.remsi %add3A_151, %rem3A_256 : vector<16xi32>
    %ne3A_258 = arith.constant 0 : i32
    %ne3A_259 = vector.broadcast %ne3A_258 : i32 to vector<16xi32>
    %ne3A_260 = arith.cmpi ne, %rem3A_257, %ne3A_259 : vector<16xi32>
    %and3A_261 = arith.andi %ne3A_255, %ne3A_260 : vector<16xi1>
    %sub3A_262 = arith.constant 1 : i32
    %sub3A_263 = vector.broadcast %sub3A_262 : i32 to vector<16xi32>
    %sub3A_264 = arith.subi %div3A_237, %sub3A_263 : vector<16xi32>
    %select_n3A_265 = arith.select %and3A_261, %sub3A_264, %div3A_237 : vector<16xi1>, vector<16xi32>
    %add3A_266 = arith.addi %mul3A_234, %select_n3A_265 : vector<16xi32>
    %gather3A_267 = tpu.vector_load_idx %arg11[%add3A_266] : memref<256xi32, #tpu.memory_space<vmem>>[vector<16xi32>], vector<16xi32>,
    %le3A_268 = arith.constant 10 : i32
    %le3A_269 = vector.broadcast %le3A_268 : i32 to vector<16xi32>
    %le3A_270 = arith.cmpi sle, %min3A_142, %le3A_269 : vector<16xi32>
    %broadcast_in_dim3A_271 = vector.broadcast %squeeze3A_9 : i32 to vector<16xi32>
    %broadcast_in_dim3A_272 = vector.broadcast %squeeze3A_7 : i32 to vector<16xi32>
    %select_n3A_273 = arith.select %le3A_270, %broadcast_in_dim3A_271, %broadcast_in_dim3A_272 : vector<16xi1>, vector<16xi32>
    %min3A_274 = arith.minsi %gather3A_209, %gather3A_267 : vector<16xi32>
    %min3A_275 = vector.broadcast %min3A_1 : i32 to vector<16xi32>
    %min3A_276 = arith.minsi %select_n3A_273, %min3A_275 : vector<16xi32>
    %min3A_277 = arith.minsi %min3A_274, %min3A_276 : vector<16xi32>
    %jit3A_278 = arith.constant 0 : i32
    %broadcast_in_dim3A_279 = vector.broadcast %jit3A_278 : i32 to vector<16xi32>
    %select_n3A_280 = arith.select %lt3A_145, %min3A_277, %broadcast_in_dim3A_279 : vector<16xi1>, vector<16xi32>
    %swap3A_281 = arith.constant 16 : index
    %swap3A_282 = tpu.vector_load %arg12[%swap3A_281] {strides = array<i32>} : memref<32xi32, #tpu.memory_space<vmem>>, vector<16xi32>,
    tpu.vector_store %arg12[%swap3A_281], %select_n3A_280 {strides = array<i32>} : memref<32xi32, #tpu.memory_space<vmem>>, vector<16xi32>,
    %scan3A = arith.constant 0 : i32
    %scan3A_283 = arith.constant 0 : i32
    %scan3A_284 = arith.constant 15 : i32
    %scan3A_285 = arith.addi %scan3A_283, %scan3A_284 : i32
    %scan3A_286 = arith.constant 1 : i32
    %scan3A_287 = scf.for %scan3A_406 = %scan3A_283 to %scan3A_285 step %scan3A_286 iter_args(%scan3A_407 = %scan3A) -> (i32)  : i32 {
      %mul3A_408 = arith.constant 16 : i32
      %mul3A_409 = arith.muli %scan3A_406, %mul3A_408 : i32
      %add3A_410 = vector.broadcast %mul3A_409 : i32 to vector<16xi32>
      %add3A_411 = arith.addi %add3A_410, %iota3A : vector<16xi32>
      %mul3A_412 = arith.constant 240 : i32
      %mul3A_413 = arith.muli %arg1, %mul3A_412 : i32
      %add3A_414 = vector.broadcast %mul3A_413 : i32 to vector<16xi32>
      %add3A_415 = arith.addi %add3A_414, %add3A_411 : vector<16xi32>
      %min3A_416 = arith.constant 3799 : i32
      %min3A_417 = vector.broadcast %min3A_416 : i32 to vector<16xi32>
      %min3A_418 = arith.minsi %add3A_415, %min3A_417 : vector<16xi32>
      %jit3A_419 = arith.constant 200 : i32
      %div3A_420 = vector.broadcast %jit3A_419 : i32 to vector<16xi32>
      %div3A_421 = arith.divsi %min3A_418, %div3A_420 : vector<16xi32>
      %sign3A_422 = arith.constant 0 : i32
      %sign3A_423 = vector.broadcast %sign3A_422 : i32 to vector<16xi32>
      %sign3A_424 = arith.cmpi sgt, %min3A_418, %sign3A_423 : vector<16xi32>
      %sign3A_425 = arith.extui %sign3A_424 : vector<16xi1> to vector<16xi32>
      %sign3A_426 = arith.constant 0 : i32
      %sign3A_427 = vector.broadcast %sign3A_426 : i32 to vector<16xi32>
      %sign3A_428 = arith.cmpi slt, %min3A_418, %sign3A_427 : vector<16xi32>
      %sign3A_429 = arith.extui %sign3A_428 : vector<16xi1> to vector<16xi32>
      %sign3A_430 = arith.subi %sign3A_425, %sign3A_429 : vector<16xi32>
      %sign3A_431 = arith.constant 0 : i32
      %sign3A_432 = arith.cmpi sgt, %jit3A_419, %sign3A_431 : i32
      %sign3A_433 = arith.extui %sign3A_432 : i1 to i32
      %sign3A_434 = arith.constant 0 : i32
      %sign3A_435 = arith.cmpi slt, %jit3A_419, %sign3A_434 : i32
      %sign3A_436 = arith.extui %sign3A_435 : i1 to i32
      %sign3A_437 = arith.subi %sign3A_433, %sign3A_436 : i32
      %ne3A_438 = vector.broadcast %sign3A_437 : i32 to vector<16xi32>
      %ne3A_439 = arith.cmpi ne, %sign3A_430, %ne3A_438 : vector<16xi32>
      %rem3A_440 = vector.broadcast %jit3A_419 : i32 to vector<16xi32>
      %rem3A_441 = arith.remsi %min3A_418, %rem3A_440 : vector<16xi32>
      %ne3A_442 = arith.constant 0 : i32
      %ne3A_443 = vector.broadcast %ne3A_442 : i32 to vector<16xi32>
      %ne3A_444 = arith.cmpi ne, %rem3A_441, %ne3A_443 : vector<16xi32>
      %and3A_445 = arith.andi %ne3A_439, %ne3A_444 : vector<16xi1>
      %sub3A_446 = arith.constant 1 : i32
      %sub3A_447 = vector.broadcast %sub3A_446 : i32 to vector<16xi32>
      %sub3A_448 = arith.subi %div3A_421, %sub3A_447 : vector<16xi32>
      %select_n3A_449 = arith.select %and3A_445, %sub3A_448, %div3A_421 : vector<16xi1>, vector<16xi32>
      %mul3A_450 = arith.constant 200 : i32
      %mul3A_451 = vector.broadcast %mul3A_450 : i32 to vector<16xi32>
      %mul3A_452 = arith.muli %select_n3A_449, %mul3A_451 : vector<16xi32>
      %sub3A_453 = arith.subi %min3A_418, %mul3A_452 : vector<16xi32>
      %mul3A_454 = arith.constant 200 : i32
      %mul3A_455 = vector.broadcast %mul3A_454 : i32 to vector<16xi32>
      %mul3A_456 = arith.muli %select_n3A_449, %mul3A_455 : vector<16xi32>
      %add3A_457 = arith.addi %mul3A_456, %sub3A_453 : vector<16xi32>
      %gather3A_458 = tpu.vector_load_idx %arg9[%add3A_457] : memref<8016xi32, #tpu.memory_space<vmem>>[vector<16xi32>], vector<16xi32>,
      %mul3A_459 = arith.constant 200 : i32
      %mul3A_460 = vector.broadcast %mul3A_459 : i32 to vector<16xi32>
      %mul3A_461 = arith.muli %select_n3A_449, %mul3A_460 : vector<16xi32>
      %add3A_462 = arith.constant 3800 : i32
      %add3A_463 = vector.broadcast %add3A_462 : i32 to vector<16xi32>
      %add3A_464 = arith.addi %add3A_463, %mul3A_461 : vector<16xi32>
      %add3A_465 = arith.addi %add3A_464, %sub3A_453 : vector<16xi32>
      %gather3A_466 = tpu.vector_load_idx %arg9[%add3A_465] : memref<8016xi32, #tpu.memory_space<vmem>>[vector<16xi32>], vector<16xi32>,
      %le3A_467 = arith.constant 9 : i32
      %le3A_468 = vector.broadcast %le3A_467 : i32 to vector<16xi32>
      %le3A_469 = arith.cmpi sle, %select_n3A_449, %le3A_468 : vector<16xi32>
      %jit3A_470 = arith.constant 7800 : i32
      %jit3A_471 = arith.constant 7600 : i32
      %broadcast_in_dim3A_472 = vector.broadcast %jit3A_470 : i32 to vector<16xi32>
      %broadcast_in_dim3A_473 = vector.broadcast %jit3A_471 : i32 to vector<16xi32>
      %select_n3A_474 = arith.select %le3A_469, %broadcast_in_dim3A_472, %broadcast_in_dim3A_473 : vector<16xi1>, vector<16xi32>
      %add3A_475 = arith.addi %select_n3A_474, %sub3A_453 : vector<16xi32>
      %gather3A_476 = tpu.vector_load_idx %arg9[%add3A_475] : memref<8016xi32, #tpu.memory_space<vmem>>[vector<16xi32>], vector<16xi32>,
      %mul3A_477 = arith.constant 3 : i32
      %mul3A_478 = vector.broadcast %mul3A_477 : i32 to vector<16xi32>
      %mul3A_479 = arith.muli %mul3A_478, %add3A_411 : vector<16xi32>
      tpu.vector_store_idx %arg13[%mul3A_479], %gather3A_458 : memref<720xi32, #tpu.memory_space<vmem>>[vector<16xi32>], vector<16xi32>,
      %mul3A_480 = arith.constant 3 : i32
      %mul3A_481 = vector.broadcast %mul3A_480 : i32 to vector<16xi32>
      %mul3A_482 = arith.muli %mul3A_481, %add3A_411 : vector<16xi32>
      %add3A_483 = arith.constant 1 : i32
      %add3A_484 = vector.broadcast %add3A_483 : i32 to vector<16xi32>
      %add3A_485 = arith.addi %mul3A_482, %add3A_484 : vector<16xi32>
      tpu.vector_store_idx %arg13[%add3A_485], %gather3A_466 : memref<720xi32, #tpu.memory_space<vmem>>[vector<16xi32>], vector<16xi32>,
      %mul3A_486 = arith.constant 3 : i32
      %mul3A_487 = vector.broadcast %mul3A_486 : i32 to vector<16xi32>
      %mul3A_488 = arith.muli %mul3A_487, %add3A_411 : vector<16xi32>
      %add3A_489 = arith.constant 2 : i32
      %add3A_490 = vector.broadcast %add3A_489 : i32 to vector<16xi32>
      %add3A_491 = arith.addi %mul3A_488, %add3A_490 : vector<16xi32>
      tpu.vector_store_idx %arg13[%add3A_491], %gather3A_476 : memref<720xi32, #tpu.memory_space<vmem>>[vector<16xi32>], vector<16xi32>,
      %scan3A_492 = arith.constant 0 : i32
      scf.yield %scan3A_492 : i32
    }
    %scan3A_288 = arith.constant 15 : i32
    %dma_start3A = arith.constant 0 : i32
    %dma_start3A_289 = arith.constant 0 : i32
    %dma_start3A_290 = tpu.memref_slice %arg14[%dma_start3A, %dma_start3A_289] : memref<720x128xf32, #tpu.memory_space<vmem>> -> memref<120x128xf32, #tpu.memory_space<vmem>>
    %dma_start3A_291 = arith.constant 0 : i32
    %dma_start3A_292 = tpu.memref_slice %arg13[%dma_start3A_291] : memref<720xi32, #tpu.memory_space<vmem>> -> memref<120xi32, #tpu.memory_space<vmem>>
    %dma_start3A_293 = arith.constant 0 : i32
    %dma_start3A_294 = arith.constant 0 : i32
    %dma_start3A_295 = tpu.memref_slice %arg5[%dma_start3A_293, %dma_start3A_294] : memref<131072x128xf32, #tpu.memory_space<hbm>> -> memref<131072x128xf32, #tpu.memory_space<hbm>>
    tpu.enqueue_indirect_dma source(%dma_start3A_295 : memref<131072x128xf32, #tpu.memory_space<hbm>>) target(%dma_start3A_290 : memref<120x128xf32, #tpu.memory_space<vmem>>) offsets(%dma_start3A_292 : memref<120xi32, #tpu.memory_space<vmem>>) semaphore(%arg19 : memref<!tpu.dma_semaphore, #tpu.memory_space<semaphore_mem>>)
    %dma_start3A_296 = arith.constant 120 : i32
    %dma_start3A_297 = arith.constant 0 : i32
    %dma_start3A_298 = tpu.memref_slice %arg14[%dma_start3A_296, %dma_start3A_297] : memref<720x128xf32, #tpu.memory_space<vmem>> -> memref<120x128xf32, #tpu.memory_space<vmem>>
    %dma_start3A_299 = arith.constant 120 : i32
    %dma_start3A_300 = tpu.memref_slice %arg13[%dma_start3A_299] : memref<720xi32, #tpu.memory_space<vmem>> -> memref<120xi32, #tpu.memory_space<vmem>>
    %dma_start3A_301 = arith.constant 0 : i32
    %dma_start3A_302 = arith.constant 0 : i32
    %dma_start3A_303 = tpu.memref_slice %arg5[%dma_start3A_301, %dma_start3A_302] : memref<131072x128xf32, #tpu.memory_space<hbm>> -> memref<131072x128xf32, #tpu.memory_space<hbm>>
    tpu.enqueue_indirect_dma source(%dma_start3A_303 : memref<131072x128xf32, #tpu.memory_space<hbm>>) target(%dma_start3A_298 : memref<120x128xf32, #tpu.memory_space<vmem>>) offsets(%dma_start3A_300 : memref<120xi32, #tpu.memory_space<vmem>>) semaphore(%arg19 : memref<!tpu.dma_semaphore, #tpu.memory_space<semaphore_mem>>)
    %dma_start3A_304 = arith.constant 240 : i32
    %dma_start3A_305 = arith.constant 0 : i32
    %dma_start3A_306 = tpu.memref_slice %arg14[%dma_start3A_304, %dma_start3A_305] : memref<720x128xf32, #tpu.memory_space<vmem>> -> memref<120x128xf32, #tpu.memory_space<vmem>>
    %dma_start3A_307 = arith.constant 240 : i32
    %dma_start3A_308 = tpu.memref_slice %arg13[%dma_start3A_307] : memref<720xi32, #tpu.memory_space<vmem>> -> memref<120xi32, #tpu.memory_space<vmem>>
    %dma_start3A_309 = arith.constant 0 : i32
    %dma_start3A_310 = arith.constant 0 : i32
    %dma_start3A_311 = tpu.memref_slice %arg5[%dma_start3A_309, %dma_start3A_310] : memref<131072x128xf32, #tpu.memory_space<hbm>> -> memref<131072x128xf32, #tpu.memory_space<hbm>>
    tpu.enqueue_indirect_dma source(%dma_start3A_311 : memref<131072x128xf32, #tpu.memory_space<hbm>>) target(%dma_start3A_306 : memref<120x128xf32, #tpu.memory_space<vmem>>) offsets(%dma_start3A_308 : memref<120xi32, #tpu.memory_space<vmem>>) semaphore(%arg19 : memref<!tpu.dma_semaphore, #tpu.memory_space<semaphore_mem>>)
    %dma_start3A_312 = arith.constant 360 : i32
    %dma_start3A_313 = arith.constant 0 : i32
    %dma_start3A_314 = tpu.memref_slice %arg14[%dma_start3A_312, %dma_start3A_313] : memref<720x128xf32, #tpu.memory_space<vmem>> -> memref<120x128xf32, #tpu.memory_space<vmem>>
    %dma_start3A_315 = arith.constant 360 : i32
    %dma_start3A_316 = tpu.memref_slice %arg13[%dma_start3A_315] : memref<720xi32, #tpu.memory_space<vmem>> -> memref<120xi32, #tpu.memory_space<vmem>>
    %dma_start3A_317 = arith.constant 0 : i32
    %dma_start3A_318 = arith.constant 0 : i32
    %dma_start3A_319 = tpu.memref_slice %arg5[%dma_start3A_317, %dma_start3A_318] : memref<131072x128xf32, #tpu.memory_space<hbm>> -> memref<131072x128xf32, #tpu.memory_space<hbm>>
    tpu.enqueue_indirect_dma source(%dma_start3A_319 : memref<131072x128xf32, #tpu.memory_space<hbm>>) target(%dma_start3A_314 : memref<120x128xf32, #tpu.memory_space<vmem>>) offsets(%dma_start3A_316 : memref<120xi32, #tpu.memory_space<vmem>>) semaphore(%arg19 : memref<!tpu.dma_semaphore, #tpu.memory_space<semaphore_mem>>)
    %dma_start3A_320 = arith.constant 480 : i32
    %dma_start3A_321 = arith.constant 0 : i32
    %dma_start3A_322 = tpu.memref_slice %arg14[%dma_start3A_320, %dma_start3A_321] : memref<720x128xf32, #tpu.memory_space<vmem>> -> memref<120x128xf32, #tpu.memory_space<vmem>>
    %dma_start3A_323 = arith.constant 480 : i32
    %dma_start3A_324 = tpu.memref_slice %arg13[%dma_start3A_323] : memref<720xi32, #tpu.memory_space<vmem>> -> memref<120xi32, #tpu.memory_space<vmem>>
    %dma_start3A_325 = arith.constant 0 : i32
    %dma_start3A_326 = arith.constant 0 : i32
    %dma_start3A_327 = tpu.memref_slice %arg5[%dma_start3A_325, %dma_start3A_326] : memref<131072x128xf32, #tpu.memory_space<hbm>> -> memref<131072x128xf32, #tpu.memory_space<hbm>>
    tpu.enqueue_indirect_dma source(%dma_start3A_327 : memref<131072x128xf32, #tpu.memory_space<hbm>>) target(%dma_start3A_322 : memref<120x128xf32, #tpu.memory_space<vmem>>) offsets(%dma_start3A_324 : memref<120xi32, #tpu.memory_space<vmem>>) semaphore(%arg19 : memref<!tpu.dma_semaphore, #tpu.memory_space<semaphore_mem>>)
    %dma_start3A_328 = arith.constant 600 : i32
    %dma_start3A_329 = arith.constant 0 : i32
    %dma_start3A_330 = tpu.memref_slice %arg14[%dma_start3A_328, %dma_start3A_329] : memref<720x128xf32, #tpu.memory_space<vmem>> -> memref<120x128xf32, #tpu.memory_space<vmem>>
    %dma_start3A_331 = arith.constant 600 : i32
    %dma_start3A_332 = tpu.memref_slice %arg13[%dma_start3A_331] : memref<720xi32, #tpu.memory_space<vmem>> -> memref<120xi32, #tpu.memory_space<vmem>>
    %dma_start3A_333 = arith.constant 0 : i32
    %dma_start3A_334 = arith.constant 0 : i32
    %dma_start3A_335 = tpu.memref_slice %arg5[%dma_start3A_333, %dma_start3A_334] : memref<131072x128xf32, #tpu.memory_space<hbm>> -> memref<131072x128xf32, #tpu.memory_space<hbm>>
    tpu.enqueue_indirect_dma source(%dma_start3A_335 : memref<131072x128xf32, #tpu.memory_space<hbm>>) target(%dma_start3A_330 : memref<120x128xf32, #tpu.memory_space<vmem>>) offsets(%dma_start3A_332 : memref<120xi32, #tpu.memory_space<vmem>>) semaphore(%arg19 : memref<!tpu.dma_semaphore, #tpu.memory_space<semaphore_mem>>)
    %dma_wait3A = arith.constant 0 : i32
    %dma_wait3A_336 = arith.constant 0 : i32
    %dma_wait3A_337 = tpu.memref_slice %arg14[%dma_wait3A, %dma_wait3A_336] : memref<720x128xf32, #tpu.memory_space<vmem>> -> memref<120x128xf32, #tpu.memory_space<vmem>>
    %dma_wait3A_338 = arith.constant 0 : i32
    %dma_wait3A_339 = tpu.memref_slice %arg13[%dma_wait3A_338] : memref<720xi32, #tpu.memory_space<vmem>> -> memref<120xi32, #tpu.memory_space<vmem>>
    %dma_wait3A_340 = arith.constant 0 : i32
    %dma_wait3A_341 = arith.constant 0 : i32
    %dma_wait3A_342 = tpu.memref_slice %arg5[%dma_wait3A_340, %dma_wait3A_341] : memref<131072x128xf32, #tpu.memory_space<hbm>> -> memref<131072x128xf32, #tpu.memory_space<hbm>>
    tpu.wait_indirect_dma semaphore(%arg19 : memref<!tpu.dma_semaphore, #tpu.memory_space<semaphore_mem>>) src(%dma_wait3A_342 : memref<131072x128xf32, #tpu.memory_space<hbm>>) dst(%dma_wait3A_337 : memref<120x128xf32, #tpu.memory_space<vmem>>)
    %dma_wait3A_343 = arith.constant 120 : i32
    %dma_wait3A_344 = arith.constant 0 : i32
    %dma_wait3A_345 = tpu.memref_slice %arg14[%dma_wait3A_343, %dma_wait3A_344] : memref<720x128xf32, #tpu.memory_space<vmem>> -> memref<120x128xf32, #tpu.memory_space<vmem>>
    %dma_wait3A_346 = arith.constant 120 : i32
    %dma_wait3A_347 = tpu.memref_slice %arg13[%dma_wait3A_346] : memref<720xi32, #tpu.memory_space<vmem>> -> memref<120xi32, #tpu.memory_space<vmem>>
    %dma_wait3A_348 = arith.constant 0 : i32
    %dma_wait3A_349 = arith.constant 0 : i32
    %dma_wait3A_350 = tpu.memref_slice %arg5[%dma_wait3A_348, %dma_wait3A_349] : memref<131072x128xf32, #tpu.memory_space<hbm>> -> memref<131072x128xf32, #tpu.memory_space<hbm>>
    tpu.wait_indirect_dma semaphore(%arg19 : memref<!tpu.dma_semaphore, #tpu.memory_space<semaphore_mem>>) src(%dma_wait3A_350 : memref<131072x128xf32, #tpu.memory_space<hbm>>) dst(%dma_wait3A_345 : memref<120x128xf32, #tpu.memory_space<vmem>>)
    %dma_wait3A_351 = arith.constant 240 : i32
    %dma_wait3A_352 = arith.constant 0 : i32
    %dma_wait3A_353 = tpu.memref_slice %arg14[%dma_wait3A_351, %dma_wait3A_352] : memref<720x128xf32, #tpu.memory_space<vmem>> -> memref<120x128xf32, #tpu.memory_space<vmem>>
    %dma_wait3A_354 = arith.constant 240 : i32
    %dma_wait3A_355 = tpu.memref_slice %arg13[%dma_wait3A_354] : memref<720xi32, #tpu.memory_space<vmem>> -> memref<120xi32, #tpu.memory_space<vmem>>
    %dma_wait3A_356 = arith.constant 0 : i32
    %dma_wait3A_357 = arith.constant 0 : i32
    %dma_wait3A_358 = tpu.memref_slice %arg5[%dma_wait3A_356, %dma_wait3A_357] : memref<131072x128xf32, #tpu.memory_space<hbm>> -> memref<131072x128xf32, #tpu.memory_space<hbm>>
    tpu.wait_indirect_dma semaphore(%arg19 : memref<!tpu.dma_semaphore, #tpu.memory_space<semaphore_mem>>) src(%dma_wait3A_358 : memref<131072x128xf32, #tpu.memory_space<hbm>>) dst(%dma_wait3A_353 : memref<120x128xf32, #tpu.memory_space<vmem>>)
    %dma_wait3A_359 = arith.constant 360 : i32
    %dma_wait3A_360 = arith.constant 0 : i32
    %dma_wait3A_361 = tpu.memref_slice %arg14[%dma_wait3A_359, %dma_wait3A_360] : memref<720x128xf32, #tpu.memory_space<vmem>> -> memref<120x128xf32, #tpu.memory_space<vmem>>
    %dma_wait3A_362 = arith.constant 360 : i32
    %dma_wait3A_363 = tpu.memref_slice %arg13[%dma_wait3A_362] : memref<720xi32, #tpu.memory_space<vmem>> -> memref<120xi32, #tpu.memory_space<vmem>>
    %dma_wait3A_364 = arith.constant 0 : i32
    %dma_wait3A_365 = arith.constant 0 : i32
    %dma_wait3A_366 = tpu.memref_slice %arg5[%dma_wait3A_364, %dma_wait3A_365] : memref<131072x128xf32, #tpu.memory_space<hbm>> -> memref<131072x128xf32, #tpu.memory_space<hbm>>
    tpu.wait_indirect_dma semaphore(%arg19 : memref<!tpu.dma_semaphore, #tpu.memory_space<semaphore_mem>>) src(%dma_wait3A_366 : memref<131072x128xf32, #tpu.memory_space<hbm>>) dst(%dma_wait3A_361 : memref<120x128xf32, #tpu.memory_space<vmem>>)
    %dma_wait3A_367 = arith.constant 480 : i32
    %dma_wait3A_368 = arith.constant 0 : i32
    %dma_wait3A_369 = tpu.memref_slice %arg14[%dma_wait3A_367, %dma_wait3A_368] : memref<720x128xf32, #tpu.memory_space<vmem>> -> memref<120x128xf32, #tpu.memory_space<vmem>>
    %dma_wait3A_370 = arith.constant 480 : i32
    %dma_wait3A_371 = tpu.memref_slice %arg13[%dma_wait3A_370] : memref<720xi32, #tpu.memory_space<vmem>> -> memref<120xi32, #tpu.memory_space<vmem>>
    %dma_wait3A_372 = arith.constant 0 : i32
    %dma_wait3A_373 = arith.constant 0 : i32
    %dma_wait3A_374 = tpu.memref_slice %arg5[%dma_wait3A_372, %dma_wait3A_373] : memref<131072x128xf32, #tpu.memory_space<hbm>> -> memref<131072x128xf32, #tpu.memory_space<hbm>>
    tpu.wait_indirect_dma semaphore(%arg19 : memref<!tpu.dma_semaphore, #tpu.memory_space<semaphore_mem>>) src(%dma_wait3A_374 : memref<131072x128xf32, #tpu.memory_space<hbm>>) dst(%dma_wait3A_369 : memref<120x128xf32, #tpu.memory_space<vmem>>)
    %dma_wait3A_375 = arith.constant 600 : i32
    %dma_wait3A_376 = arith.constant 0 : i32
    %dma_wait3A_377 = tpu.memref_slice %arg14[%dma_wait3A_375, %dma_wait3A_376] : memref<720x128xf32, #tpu.memory_space<vmem>> -> memref<120x128xf32, #tpu.memory_space<vmem>>
    %dma_wait3A_378 = arith.constant 600 : i32
    %dma_wait3A_379 = tpu.memref_slice %arg13[%dma_wait3A_378] : memref<720xi32, #tpu.memory_space<vmem>> -> memref<120xi32, #tpu.memory_space<vmem>>
    %dma_wait3A_380 = arith.constant 0 : i32
    %dma_wait3A_381 = arith.constant 0 : i32
    %dma_wait3A_382 = tpu.memref_slice %arg5[%dma_wait3A_380, %dma_wait3A_381] : memref<131072x128xf32, #tpu.memory_space<hbm>> -> memref<131072x128xf32, #tpu.memory_space<hbm>>
    tpu.wait_indirect_dma semaphore(%arg19 : memref<!tpu.dma_semaphore, #tpu.memory_space<semaphore_mem>>) src(%dma_wait3A_382 : memref<131072x128xf32, #tpu.memory_space<hbm>>) dst(%dma_wait3A_377 : memref<120x128xf32, #tpu.memory_space<vmem>>)
    %get3A_383 = arith.constant 0 : index
    %get3A_384 = tpu.vector_load %arg12[%get3A_383] {strides = array<i32>} : memref<32xi32, #tpu.memory_space<vmem>>, vector<16xi32>,
    %get3A_385 = arith.constant 16 : index
    %get3A_386 = tpu.vector_load %arg12[%get3A_385] {strides = array<i32>} : memref<32xi32, #tpu.memory_space<vmem>>, vector<16xi32>,
    %broadcast_in_dim3A_387 = arith.constant 0.000000e+00 : f32
    %broadcast_in_dim3A_388 = vector.broadcast %broadcast_in_dim3A_387 : f32 to vector<16xf32>
    %broadcast_in_dim3A_389 = arith.constant 0.000000e+00 : f32
    %broadcast_in_dim3A_390 = vector.broadcast %broadcast_in_dim3A_389 : f32 to vector<16xf32>
    %scan3A_391 = arith.constant 0 : i32
    %scan3A_392 = arith.constant 240 : i32
    %scan3A_393 = arith.addi %scan3A_391, %scan3A_392 : i32
    %scan3A_394 = arith.constant 2 : i32
    %scan3A_395:2 = scf.for %scan3A_406 = %scan3A_391 to %scan3A_393 step %scan3A_394 iter_args(%scan3A_407 = %broadcast_in_dim3A_388, %scan3A_408 = %broadcast_in_dim3A_390) -> (vector<16xf32>, vector<16xf32>)  : i32 {
      %mul3A_409 = arith.constant 3 : i32
      %mul3A_410 = arith.muli %mul3A_409, %scan3A_406 : i32
      %broadcast_in_dim3A_411 = arith.constant 0.000000e+00 : f32
      %broadcast_in_dim3A_412 = vector.broadcast %broadcast_in_dim3A_411 : f32 to vector<16xf32>
      %broadcast_in_dim3A_413 = arith.constant 0.000000e+00 : f32
      %broadcast_in_dim3A_414 = vector.broadcast %broadcast_in_dim3A_413 : f32 to vector<16xf32>
      %get3A_415 = arith.index_cast %mul3A_410 : i32 to index
      %get3A_416 = arith.constant 0 : index
      %get3A_417 = tpu.vector_load %arg14[%get3A_415, %get3A_416] {strides = array<i32>} : memref<720x128xf32, #tpu.memory_space<vmem>>, vector<16xf32>,
      %add3A_418 = arith.constant 1 : i32
      %add3A_419 = arith.addi %mul3A_410, %add3A_418 : i32
      %get3A_420 = arith.index_cast %add3A_419 : i32 to index
      %get3A_421 = arith.constant 0 : index
      %get3A_422 = tpu.vector_load %arg14[%get3A_420, %get3A_421] {strides = array<i32>} : memref<720x128xf32, #tpu.memory_space<vmem>>, vector<16xf32>,
      %add3A_423 = arith.constant 2 : i32
      %add3A_424 = arith.addi %mul3A_410, %add3A_423 : i32
      %get3A_425 = arith.index_cast %add3A_424 : i32 to index
      %get3A_426 = arith.constant 0 : index
      %get3A_427 = tpu.vector_load %arg14[%get3A_425, %get3A_426] {strides = array<i32>} : memref<720x128xf32, #tpu.memory_space<vmem>>, vector<16xf32>,
      %mul3A_428 = arith.mulf %get3A_417, %get3A_422 : vector<16xf32>
      %add3A_429 = arith.addf %broadcast_in_dim3A_412, %mul3A_428 : vector<16xf32>
      %mul3A_430 = arith.mulf %get3A_417, %get3A_427 : vector<16xf32>
      %add3A_431 = arith.addf %broadcast_in_dim3A_414, %mul3A_430 : vector<16xf32>
      %get3A_432 = arith.index_cast %mul3A_410 : i32 to index
      %get3A_433 = arith.constant 16 : index
      %get3A_434 = tpu.vector_load %arg14[%get3A_432, %get3A_433] {strides = array<i32>} : memref<720x128xf32, #tpu.memory_space<vmem>>, vector<16xf32>,
      %add3A_435 = arith.constant 1 : i32
      %add3A_436 = arith.addi %mul3A_410, %add3A_435 : i32
      %get3A_437 = arith.index_cast %add3A_436 : i32 to index
      %get3A_438 = arith.constant 16 : index
      %get3A_439 = tpu.vector_load %arg14[%get3A_437, %get3A_438] {strides = array<i32>} : memref<720x128xf32, #tpu.memory_space<vmem>>, vector<16xf32>,
      %add3A_440 = arith.constant 2 : i32
      %add3A_441 = arith.addi %mul3A_410, %add3A_440 : i32
      %get3A_442 = arith.index_cast %add3A_441 : i32 to index
      %get3A_443 = arith.constant 16 : index
      %get3A_444 = tpu.vector_load %arg14[%get3A_442, %get3A_443] {strides = array<i32>} : memref<720x128xf32, #tpu.memory_space<vmem>>, vector<16xf32>,
      %mul3A_445 = arith.mulf %get3A_434, %get3A_439 : vector<16xf32>
      %add3A_446 = arith.addf %add3A_429, %mul3A_445 : vector<16xf32>
      %mul3A_447 = arith.mulf %get3A_434, %get3A_444 : vector<16xf32>
      %add3A_448 = arith.addf %add3A_431, %mul3A_447 : vector<16xf32>
      %get3A_449 = arith.index_cast %mul3A_410 : i32 to index
      %get3A_450 = arith.constant 32 : index
      %get3A_451 = tpu.vector_load %arg14[%get3A_449, %get3A_450] {strides = array<i32>} : memref<720x128xf32, #tpu.memory_space<vmem>>, vector<16xf32>,
      %add3A_452 = arith.constant 1 : i32
      %add3A_453 = arith.addi %mul3A_410, %add3A_452 : i32
      %get3A_454 = arith.index_cast %add3A_453 : i32 to index
      %get3A_455 = arith.constant 32 : index
      %get3A_456 = tpu.vector_load %arg14[%get3A_454, %get3A_455] {strides = array<i32>} : memref<720x128xf32, #tpu.memory_space<vmem>>, vector<16xf32>,
      %add3A_457 = arith.constant 2 : i32
      %add3A_458 = arith.addi %mul3A_410, %add3A_457 : i32
      %get3A_459 = arith.index_cast %add3A_458 : i32 to index
      %get3A_460 = arith.constant 32 : index
      %get3A_461 = tpu.vector_load %arg14[%get3A_459, %get3A_460] {strides = array<i32>} : memref<720x128xf32, #tpu.memory_space<vmem>>, vector<16xf32>,
      %mul3A_462 = arith.mulf %get3A_451, %get3A_456 : vector<16xf32>
      %add3A_463 = arith.addf %add3A_446, %mul3A_462 : vector<16xf32>
      %mul3A_464 = arith.mulf %get3A_451, %get3A_461 : vector<16xf32>
      %add3A_465 = arith.addf %add3A_448, %mul3A_464 : vector<16xf32>
      %get3A_466 = arith.index_cast %mul3A_410 : i32 to index
      %get3A_467 = arith.constant 48 : index
      %get3A_468 = tpu.vector_load %arg14[%get3A_466, %get3A_467] {strides = array<i32>} : memref<720x128xf32, #tpu.memory_space<vmem>>, vector<16xf32>,
      %add3A_469 = arith.constant 1 : i32
      %add3A_470 = arith.addi %mul3A_410, %add3A_469 : i32
      %get3A_471 = arith.index_cast %add3A_470 : i32 to index
      %get3A_472 = arith.constant 48 : index
      %get3A_473 = tpu.vector_load %arg14[%get3A_471, %get3A_472] {strides = array<i32>} : memref<720x128xf32, #tpu.memory_space<vmem>>, vector<16xf32>,
      %add3A_474 = arith.constant 2 : i32
      %add3A_475 = arith.addi %mul3A_410, %add3A_474 : i32
      %get3A_476 = arith.index_cast %add3A_475 : i32 to index
      %get3A_477 = arith.constant 48 : index
      %get3A_478 = tpu.vector_load %arg14[%get3A_476, %get3A_477] {strides = array<i32>} : memref<720x128xf32, #tpu.memory_space<vmem>>, vector<16xf32>,
      %mul3A_479 = arith.mulf %get3A_468, %get3A_473 : vector<16xf32>
      %add3A_480 = arith.addf %add3A_463, %mul3A_479 : vector<16xf32>
      %mul3A_481 = arith.mulf %get3A_468, %get3A_478 : vector<16xf32>
      %add3A_482 = arith.addf %add3A_465, %mul3A_481 : vector<16xf32>
      %get3A_483 = arith.index_cast %mul3A_410 : i32 to index
      %get3A_484 = arith.constant 64 : index
      %get3A_485 = tpu.vector_load %arg14[%get3A_483, %get3A_484] {strides = array<i32>} : memref<720x128xf32, #tpu.memory_space<vmem>>, vector<16xf32>,
      %add3A_486 = arith.constant 1 : i32
      %add3A_487 = arith.addi %mul3A_410, %add3A_486 : i32
      %get3A_488 = arith.index_cast %add3A_487 : i32 to index
      %get3A_489 = arith.constant 64 : index
      %get3A_490 = tpu.vector_load %arg14[%get3A_488, %get3A_489] {strides = array<i32>} : memref<720x128xf32, #tpu.memory_space<vmem>>, vector<16xf32>,
      %add3A_491 = arith.constant 2 : i32
      %add3A_492 = arith.addi %mul3A_410, %add3A_491 : i32
      %get3A_493 = arith.index_cast %add3A_492 : i32 to index
      %get3A_494 = arith.constant 64 : index
      %get3A_495 = tpu.vector_load %arg14[%get3A_493, %get3A_494] {strides = array<i32>} : memref<720x128xf32, #tpu.memory_space<vmem>>, vector<16xf32>,
      %mul3A_496 = arith.mulf %get3A_485, %get3A_490 : vector<16xf32>
      %add3A_497 = arith.addf %add3A_480, %mul3A_496 : vector<16xf32>
      %mul3A_498 = arith.mulf %get3A_485, %get3A_495 : vector<16xf32>
      %add3A_499 = arith.addf %add3A_482, %mul3A_498 : vector<16xf32>
      %get3A_500 = arith.index_cast %mul3A_410 : i32 to index
      %get3A_501 = arith.constant 80 : index
      %get3A_502 = tpu.vector_load %arg14[%get3A_500, %get3A_501] {strides = array<i32>} : memref<720x128xf32, #tpu.memory_space<vmem>>, vector<16xf32>,
      %add3A_503 = arith.constant 1 : i32
      %add3A_504 = arith.addi %mul3A_410, %add3A_503 : i32
      %get3A_505 = arith.index_cast %add3A_504 : i32 to index
      %get3A_506 = arith.constant 80 : index
      %get3A_507 = tpu.vector_load %arg14[%get3A_505, %get3A_506] {strides = array<i32>} : memref<720x128xf32, #tpu.memory_space<vmem>>, vector<16xf32>,
      %add3A_508 = arith.constant 2 : i32
      %add3A_509 = arith.addi %mul3A_410, %add3A_508 : i32
      %get3A_510 = arith.index_cast %add3A_509 : i32 to index
      %get3A_511 = arith.constant 80 : index
      %get3A_512 = tpu.vector_load %arg14[%get3A_510, %get3A_511] {strides = array<i32>} : memref<720x128xf32, #tpu.memory_space<vmem>>, vector<16xf32>,
      %mul3A_513 = arith.mulf %get3A_502, %get3A_507 : vector<16xf32>
      %add3A_514 = arith.addf %add3A_497, %mul3A_513 : vector<16xf32>
      %mul3A_515 = arith.mulf %get3A_502, %get3A_512 : vector<16xf32>
      %add3A_516 = arith.addf %add3A_499, %mul3A_515 : vector<16xf32>
      %reduce_sum3A = arith.constant true
      %reduce_sum3A_517 = vector.broadcast %reduce_sum3A : i1 to vector<16xi1>
      %reduce_sum3A_518 = tpu.scan <sum>, %add3A_514 masked %reduce_sum3A_517 : vector<16xf32>, vector<16xi1> -> vector<16xf32>
      %reduce_sum3A_519 = vector.extract %reduce_sum3A_518[15] : f32 from vector<16xf32>
      %reduce_sum3A_520 = arith.constant true
      %reduce_sum3A_521 = vector.broadcast %reduce_sum3A_520 : i1 to vector<16xi1>
      %reduce_sum3A_522 = tpu.scan <sum>, %add3A_516 masked %reduce_sum3A_521 : vector<16xf32>, vector<16xi1> -> vector<16xf32>
      %reduce_sum3A_523 = vector.extract %reduce_sum3A_522[15] : f32 from vector<16xf32>
      %sub3A_524 = arith.subf %reduce_sum3A_523, %reduce_sum3A_519 : f32
      %add3A_525 = arith.constant 6.000000e-01 : f32
      %add3A_526 = arith.addf %sub3A_524, %add3A_525 : f32
      %max3A = arith.constant 0.000000e+00 : f32
      %max3A_527 = arith.maximumf %add3A_526, %max3A : f32
      %mul3A_528 = arith.constant 240 : i32
      %mul3A_529 = arith.muli %arg1, %mul3A_528 : i32
      %add3A_530 = arith.addi %mul3A_529, %scan3A_406 : i32
      %min3A_531 = arith.constant 3799 : i32
      %min3A_532 = arith.minsi %add3A_530, %min3A_531 : i32
      %jit3A_533 = arith.constant 200 : i32
      %div3A_534 = arith.divsi %min3A_532, %jit3A_533 : i32
      %sign3A_535 = arith.constant 0 : i32
      %sign3A_536 = arith.cmpi sgt, %min3A_532, %sign3A_535 : i32
      %sign3A_537 = arith.extui %sign3A_536 : i1 to i32
      %sign3A_538 = arith.constant 0 : i32
      %sign3A_539 = arith.cmpi slt, %min3A_532, %sign3A_538 : i32
      %sign3A_540 = arith.extui %sign3A_539 : i1 to i32
      %sign3A_541 = arith.subi %sign3A_537, %sign3A_540 : i32
      %sign3A_542 = arith.constant 0 : i32
      %sign3A_543 = arith.cmpi sgt, %jit3A_533, %sign3A_542 : i32
      %sign3A_544 = arith.extui %sign3A_543 : i1 to i32
      %sign3A_545 = arith.constant 0 : i32
      %sign3A_546 = arith.cmpi slt, %jit3A_533, %sign3A_545 : i32
      %sign3A_547 = arith.extui %sign3A_546 : i1 to i32
      %sign3A_548 = arith.subi %sign3A_544, %sign3A_547 : i32
      %ne3A_549 = arith.cmpi ne, %sign3A_541, %sign3A_548 : i32
      %rem3A_550 = arith.remsi %min3A_532, %jit3A_533 : i32
      %ne3A_551 = arith.constant 0 : i32
      %ne3A_552 = arith.cmpi ne, %rem3A_550, %ne3A_551 : i32
      %and3A_553 = arith.andi %ne3A_549, %ne3A_552 : i1
      %sub3A_554 = arith.constant 1 : i32
      %sub3A_555 = arith.subi %div3A_534, %sub3A_554 : i32
      %select_n3A_556 = arith.select %and3A_553, %sub3A_555, %div3A_534 : i32
      %mul3A_557 = arith.constant 200 : i32
      %mul3A_558 = arith.muli %select_n3A_556, %mul3A_557 : i32
      %sub3A_559 = arith.subi %min3A_532, %mul3A_558 : i32
      %eq3A_560 = vector.broadcast %select_n3A_556 : i32 to vector<16xi32>
      %eq3A_561 = arith.cmpi eq, %iota3A, %eq3A_560 : vector<16xi32>
      %lt3A_562 = vector.broadcast %sub3A_559 : i32 to vector<16xi32>
      %lt3A_563 = arith.cmpi slt, %lt3A_562, %get3A_384 : vector<16xi32>
      %and3A_564 = arith.andi %eq3A_561, %lt3A_563 : vector<16xi1>
      %sub3A_565 = arith.constant 16 : i32
      %sub3A_566 = arith.subi %select_n3A_556, %sub3A_565 : i32
      %eq3A_567 = vector.broadcast %sub3A_566 : i32 to vector<16xi32>
      %eq3A_568 = arith.cmpi eq, %iota3A, %eq3A_567 : vector<16xi32>
      %lt3A_569 = vector.broadcast %sub3A_559 : i32 to vector<16xi32>
      %lt3A_570 = arith.cmpi slt, %lt3A_569, %get3A_386 : vector<16xi32>
      %and3A_571 = arith.andi %eq3A_568, %lt3A_570 : vector<16xi1>
      %or3A = arith.ori %and3A_564, %and3A_571 : vector<16xi1>
      %reduce_or3A = arith.constant 1.000000e+00 : f32
      %reduce_or3A_572 = arith.constant 0.000000e+00 : f32
      %reduce_or3A_573 = vector.broadcast %reduce_or3A : f32 to vector<16xf32>
      %reduce_or3A_574 = vector.broadcast %reduce_or3A_572 : f32 to vector<16xf32>
      %reduce_or3A_575 = arith.select %or3A, %reduce_or3A_573, %reduce_or3A_574 : vector<16xi1>, vector<16xf32>
      %reduce_or3A_576 = arith.constant true
      %reduce_or3A_577 = vector.broadcast %reduce_or3A_576 : i1 to vector<16xi1>
      %reduce_or3A_578 = tpu.scan <max>, %reduce_or3A_575 masked %reduce_or3A_577 : vector<16xf32>, vector<16xi1> -> vector<16xf32>
      %reduce_or3A_579 = vector.extract %reduce_or3A_578[15] : f32 from vector<16xf32>
      %reduce_or3A_580 = arith.constant 0.000000e+00 : f32
      %reduce_or3A_581 = arith.cmpf ogt, %reduce_or3A_579, %reduce_or3A_580 : f32
      %lt3A_582 = arith.constant 3800 : i32
      %lt3A_583 = arith.cmpi slt, %add3A_530, %lt3A_582 : i32
      %and3A_584 = arith.andi %lt3A_583, %reduce_or3A_581 : i1
      %jit3A_585 = arith.constant 0.000000e+00 : f32
      %select_n3A_586 = arith.select %and3A_584, %max3A_527, %jit3A_585 : f32
      %eq3A_587 = vector.broadcast %select_n3A_556 : i32 to vector<16xi32>
      %eq3A_588 = arith.cmpi eq, %iota3A, %eq3A_587 : vector<16xi32>
      %jit3A_589 = arith.constant 0.000000e+00 : f32
      %broadcast_in_dim3A_590 = vector.broadcast %select_n3A_586 : f32 to vector<16xf32>
      %broadcast_in_dim3A_591 = vector.broadcast %jit3A_589 : f32 to vector<16xf32>
      %select_n3A_592 = arith.select %eq3A_588, %broadcast_in_dim3A_590, %broadcast_in_dim3A_591 : vector<16xi1>, vector<16xf32>
      %add3A_593 = arith.addf %scan3A_407, %select_n3A_592 : vector<16xf32>
      %sub3A_594 = arith.constant 16 : i32
      %sub3A_595 = arith.subi %select_n3A_556, %sub3A_594 : i32
      %eq3A_596 = vector.broadcast %sub3A_595 : i32 to vector<16xi32>
      %eq3A_597 = arith.cmpi eq, %iota3A, %eq3A_596 : vector<16xi32>
      %jit3A_598 = arith.constant 0.000000e+00 : f32
      %broadcast_in_dim3A_599 = vector.broadcast %select_n3A_586 : f32 to vector<16xf32>
      %broadcast_in_dim3A_600 = vector.broadcast %jit3A_598 : f32 to vector<16xf32>
      %select_n3A_601 = arith.select %eq3A_597, %broadcast_in_dim3A_599, %broadcast_in_dim3A_600 : vector<16xi1>, vector<16xf32>
      %add3A_602 = arith.addf %scan3A_408, %select_n3A_601 : vector<16xf32>
      %scan3A_603 = arith.constant 1 : i32
      %scan3A_604 = arith.addi %scan3A_406, %scan3A_603 : i32
      %mul3A_605 = arith.constant 3 : i32
      %mul3A_606 = arith.muli %mul3A_605, %scan3A_604 : i32
      %broadcast_in_dim3A_607 = arith.constant 0.000000e+00 : f32
      %broadcast_in_dim3A_608 = vector.broadcast %broadcast_in_dim3A_607 : f32 to vector<16xf32>
      %broadcast_in_dim3A_609 = arith.constant 0.000000e+00 : f32
      %broadcast_in_dim3A_610 = vector.broadcast %broadcast_in_dim3A_609 : f32 to vector<16xf32>
      %get3A_611 = arith.index_cast %mul3A_606 : i32 to index
      %get3A_612 = arith.constant 0 : index
      %get3A_613 = tpu.vector_load %arg14[%get3A_611, %get3A_612] {strides = array<i32>} : memref<720x128xf32, #tpu.memory_space<vmem>>, vector<16xf32>,
      %add3A_614 = arith.constant 1 : i32
      %add3A_615 = arith.addi %mul3A_606, %add3A_614 : i32
      %get3A_616 = arith.index_cast %add3A_615 : i32 to index
      %get3A_617 = arith.constant 0 : index
      %get3A_618 = tpu.vector_load %arg14[%get3A_616, %get3A_617] {strides = array<i32>} : memref<720x128xf32, #tpu.memory_space<vmem>>, vector<16xf32>,
      %add3A_619 = arith.constant 2 : i32
      %add3A_620 = arith.addi %mul3A_606, %add3A_619 : i32
      %get3A_621 = arith.index_cast %add3A_620 : i32 to index
      %get3A_622 = arith.constant 0 : index
      %get3A_623 = tpu.vector_load %arg14[%get3A_621, %get3A_622] {strides = array<i32>} : memref<720x128xf32, #tpu.memory_space<vmem>>, vector<16xf32>,
      %mul3A_624 = arith.mulf %get3A_613, %get3A_618 : vector<16xf32>
      %add3A_625 = arith.addf %broadcast_in_dim3A_608, %mul3A_624 : vector<16xf32>
      %mul3A_626 = arith.mulf %get3A_613, %get3A_623 : vector<16xf32>
      %add3A_627 = arith.addf %broadcast_in_dim3A_610, %mul3A_626 : vector<16xf32>
      %get3A_628 = arith.index_cast %mul3A_606 : i32 to index
      %get3A_629 = arith.constant 16 : index
      %get3A_630 = tpu.vector_load %arg14[%get3A_628, %get3A_629] {strides = array<i32>} : memref<720x128xf32, #tpu.memory_space<vmem>>, vector<16xf32>,
      %add3A_631 = arith.constant 1 : i32
      %add3A_632 = arith.addi %mul3A_606, %add3A_631 : i32
      %get3A_633 = arith.index_cast %add3A_632 : i32 to index
      %get3A_634 = arith.constant 16 : index
      %get3A_635 = tpu.vector_load %arg14[%get3A_633, %get3A_634] {strides = array<i32>} : memref<720x128xf32, #tpu.memory_space<vmem>>, vector<16xf32>,
      %add3A_636 = arith.constant 2 : i32
      %add3A_637 = arith.addi %mul3A_606, %add3A_636 : i32
      %get3A_638 = arith.index_cast %add3A_637 : i32 to index
      %get3A_639 = arith.constant 16 : index
      %get3A_640 = tpu.vector_load %arg14[%get3A_638, %get3A_639] {strides = array<i32>} : memref<720x128xf32, #tpu.memory_space<vmem>>, vector<16xf32>,
      %mul3A_641 = arith.mulf %get3A_630, %get3A_635 : vector<16xf32>
      %add3A_642 = arith.addf %add3A_625, %mul3A_641 : vector<16xf32>
      %mul3A_643 = arith.mulf %get3A_630, %get3A_640 : vector<16xf32>
      %add3A_644 = arith.addf %add3A_627, %mul3A_643 : vector<16xf32>
      %get3A_645 = arith.index_cast %mul3A_606 : i32 to index
      %get3A_646 = arith.constant 32 : index
      %get3A_647 = tpu.vector_load %arg14[%get3A_645, %get3A_646] {strides = array<i32>} : memref<720x128xf32, #tpu.memory_space<vmem>>, vector<16xf32>,
      %add3A_648 = arith.constant 1 : i32
      %add3A_649 = arith.addi %mul3A_606, %add3A_648 : i32
      %get3A_650 = arith.index_cast %add3A_649 : i32 to index
      %get3A_651 = arith.constant 32 : index
      %get3A_652 = tpu.vector_load %arg14[%get3A_650, %get3A_651] {strides = array<i32>} : memref<720x128xf32, #tpu.memory_space<vmem>>, vector<16xf32>,
      %add3A_653 = arith.constant 2 : i32
      %add3A_654 = arith.addi %mul3A_606, %add3A_653 : i32
      %get3A_655 = arith.index_cast %add3A_654 : i32 to index
      %get3A_656 = arith.constant 32 : index
      %get3A_657 = tpu.vector_load %arg14[%get3A_655, %get3A_656] {strides = array<i32>} : memref<720x128xf32, #tpu.memory_space<vmem>>, vector<16xf32>,
      %mul3A_658 = arith.mulf %get3A_647, %get3A_652 : vector<16xf32>
      %add3A_659 = arith.addf %add3A_642, %mul3A_658 : vector<16xf32>
      %mul3A_660 = arith.mulf %get3A_647, %get3A_657 : vector<16xf32>
      %add3A_661 = arith.addf %add3A_644, %mul3A_660 : vector<16xf32>
      %get3A_662 = arith.index_cast %mul3A_606 : i32 to index
      %get3A_663 = arith.constant 48 : index
      %get3A_664 = tpu.vector_load %arg14[%get3A_662, %get3A_663] {strides = array<i32>} : memref<720x128xf32, #tpu.memory_space<vmem>>, vector<16xf32>,
      %add3A_665 = arith.constant 1 : i32
      %add3A_666 = arith.addi %mul3A_606, %add3A_665 : i32
      %get3A_667 = arith.index_cast %add3A_666 : i32 to index
      %get3A_668 = arith.constant 48 : index
      %get3A_669 = tpu.vector_load %arg14[%get3A_667, %get3A_668] {strides = array<i32>} : memref<720x128xf32, #tpu.memory_space<vmem>>, vector<16xf32>,
      %add3A_670 = arith.constant 2 : i32
      %add3A_671 = arith.addi %mul3A_606, %add3A_670 : i32
      %get3A_672 = arith.index_cast %add3A_671 : i32 to index
      %get3A_673 = arith.constant 48 : index
      %get3A_674 = tpu.vector_load %arg14[%get3A_672, %get3A_673] {strides = array<i32>} : memref<720x128xf32, #tpu.memory_space<vmem>>, vector<16xf32>,
      %mul3A_675 = arith.mulf %get3A_664, %get3A_669 : vector<16xf32>
      %add3A_676 = arith.addf %add3A_659, %mul3A_675 : vector<16xf32>
      %mul3A_677 = arith.mulf %get3A_664, %get3A_674 : vector<16xf32>
      %add3A_678 = arith.addf %add3A_661, %mul3A_677 : vector<16xf32>
      %get3A_679 = arith.index_cast %mul3A_606 : i32 to index
      %get3A_680 = arith.constant 64 : index
      %get3A_681 = tpu.vector_load %arg14[%get3A_679, %get3A_680] {strides = array<i32>} : memref<720x128xf32, #tpu.memory_space<vmem>>, vector<16xf32>,
      %add3A_682 = arith.constant 1 : i32
      %add3A_683 = arith.addi %mul3A_606, %add3A_682 : i32
      %get3A_684 = arith.index_cast %add3A_683 : i32 to index
      %get3A_685 = arith.constant 64 : index
      %get3A_686 = tpu.vector_load %arg14[%get3A_684, %get3A_685] {strides = array<i32>} : memref<720x128xf32, #tpu.memory_space<vmem>>, vector<16xf32>,
      %add3A_687 = arith.constant 2 : i32
      %add3A_688 = arith.addi %mul3A_606, %add3A_687 : i32
      %get3A_689 = arith.index_cast %add3A_688 : i32 to index
      %get3A_690 = arith.constant 64 : index
      %get3A_691 = tpu.vector_load %arg14[%get3A_689, %get3A_690] {strides = array<i32>} : memref<720x128xf32, #tpu.memory_space<vmem>>, vector<16xf32>,
      %mul3A_692 = arith.mulf %get3A_681, %get3A_686 : vector<16xf32>
      %add3A_693 = arith.addf %add3A_676, %mul3A_692 : vector<16xf32>
      %mul3A_694 = arith.mulf %get3A_681, %get3A_691 : vector<16xf32>
      %add3A_695 = arith.addf %add3A_678, %mul3A_694 : vector<16xf32>
      %get3A_696 = arith.index_cast %mul3A_606 : i32 to index
      %get3A_697 = arith.constant 80 : index
      %get3A_698 = tpu.vector_load %arg14[%get3A_696, %get3A_697] {strides = array<i32>} : memref<720x128xf32, #tpu.memory_space<vmem>>, vector<16xf32>,
      %add3A_699 = arith.constant 1 : i32
      %add3A_700 = arith.addi %mul3A_606, %add3A_699 : i32
      %get3A_701 = arith.index_cast %add3A_700 : i32 to index
      %get3A_702 = arith.constant 80 : index
      %get3A_703 = tpu.vector_load %arg14[%get3A_701, %get3A_702] {strides = array<i32>} : memref<720x128xf32, #tpu.memory_space<vmem>>, vector<16xf32>,
      %add3A_704 = arith.constant 2 : i32
      %add3A_705 = arith.addi %mul3A_606, %add3A_704 : i32
      %get3A_706 = arith.index_cast %add3A_705 : i32 to index
      %get3A_707 = arith.constant 80 : index
      %get3A_708 = tpu.vector_load %arg14[%get3A_706, %get3A_707] {strides = array<i32>} : memref<720x128xf32, #tpu.memory_space<vmem>>, vector<16xf32>,
      %mul3A_709 = arith.mulf %get3A_698, %get3A_703 : vector<16xf32>
      %add3A_710 = arith.addf %add3A_693, %mul3A_709 : vector<16xf32>
      %mul3A_711 = arith.mulf %get3A_698, %get3A_708 : vector<16xf32>
      %add3A_712 = arith.addf %add3A_695, %mul3A_711 : vector<16xf32>
      %reduce_sum3A_713 = arith.constant true
      %reduce_sum3A_714 = vector.broadcast %reduce_sum3A_713 : i1 to vector<16xi1>
      %reduce_sum3A_715 = tpu.scan <sum>, %add3A_710 masked %reduce_sum3A_714 : vector<16xf32>, vector<16xi1> -> vector<16xf32>
      %reduce_sum3A_716 = vector.extract %reduce_sum3A_715[15] : f32 from vector<16xf32>
      %reduce_sum3A_717 = arith.constant true
      %reduce_sum3A_718 = vector.broadcast %reduce_sum3A_717 : i1 to vector<16xi1>
      %reduce_sum3A_719 = tpu.scan <sum>, %add3A_712 masked %reduce_sum3A_718 : vector<16xf32>, vector<16xi1> -> vector<16xf32>
      %reduce_sum3A_720 = vector.extract %reduce_sum3A_719[15] : f32 from vector<16xf32>
      %sub3A_721 = arith.subf %reduce_sum3A_720, %reduce_sum3A_716 : f32
      %add3A_722 = arith.constant 6.000000e-01 : f32
      %add3A_723 = arith.addf %sub3A_721, %add3A_722 : f32
      %max3A_724 = arith.constant 0.000000e+00 : f32
      %max3A_725 = arith.maximumf %add3A_723, %max3A_724 : f32
      %mul3A_726 = arith.constant 240 : i32
      %mul3A_727 = arith.muli %arg1, %mul3A_726 : i32
      %add3A_728 = arith.addi %mul3A_727, %scan3A_604 : i32
      %min3A_729 = arith.constant 3799 : i32
      %min3A_730 = arith.minsi %add3A_728, %min3A_729 : i32
      %jit3A_731 = arith.constant 200 : i32
      %div3A_732 = arith.divsi %min3A_730, %jit3A_731 : i32
      %sign3A_733 = arith.constant 0 : i32
      %sign3A_734 = arith.cmpi sgt, %min3A_730, %sign3A_733 : i32
      %sign3A_735 = arith.extui %sign3A_734 : i1 to i32
      %sign3A_736 = arith.constant 0 : i32
      %sign3A_737 = arith.cmpi slt, %min3A_730, %sign3A_736 : i32
      %sign3A_738 = arith.extui %sign3A_737 : i1 to i32
      %sign3A_739 = arith.subi %sign3A_735, %sign3A_738 : i32
      %sign3A_740 = arith.constant 0 : i32
      %sign3A_741 = arith.cmpi sgt, %jit3A_731, %sign3A_740 : i32
      %sign3A_742 = arith.extui %sign3A_741 : i1 to i32
      %sign3A_743 = arith.constant 0 : i32
      %sign3A_744 = arith.cmpi slt, %jit3A_731, %sign3A_743 : i32
      %sign3A_745 = arith.extui %sign3A_744 : i1 to i32
      %sign3A_746 = arith.subi %sign3A_742, %sign3A_745 : i32
      %ne3A_747 = arith.cmpi ne, %sign3A_739, %sign3A_746 : i32
      %rem3A_748 = arith.remsi %min3A_730, %jit3A_731 : i32
      %ne3A_749 = arith.constant 0 : i32
      %ne3A_750 = arith.cmpi ne, %rem3A_748, %ne3A_749 : i32
      %and3A_751 = arith.andi %ne3A_747, %ne3A_750 : i1
      %sub3A_752 = arith.constant 1 : i32
      %sub3A_753 = arith.subi %div3A_732, %sub3A_752 : i32
      %select_n3A_754 = arith.select %and3A_751, %sub3A_753, %div3A_732 : i32
      %mul3A_755 = arith.constant 200 : i32
      %mul3A_756 = arith.muli %select_n3A_754, %mul3A_755 : i32
      %sub3A_757 = arith.subi %min3A_730, %mul3A_756 : i32
      %eq3A_758 = vector.broadcast %select_n3A_754 : i32 to vector<16xi32>
      %eq3A_759 = arith.cmpi eq, %iota3A, %eq3A_758 : vector<16xi32>
      %lt3A_760 = vector.broadcast %sub3A_757 : i32 to vector<16xi32>
      %lt3A_761 = arith.cmpi slt, %lt3A_760, %get3A_384 : vector<16xi32>
      %and3A_762 = arith.andi %eq3A_759, %lt3A_761 : vector<16xi1>
      %sub3A_763 = arith.constant 16 : i32
      %sub3A_764 = arith.subi %select_n3A_754, %sub3A_763 : i32
      %eq3A_765 = vector.broadcast %sub3A_764 : i32 to vector<16xi32>
      %eq3A_766 = arith.cmpi eq, %iota3A, %eq3A_765 : vector<16xi32>
      %lt3A_767 = vector.broadcast %sub3A_757 : i32 to vector<16xi32>
      %lt3A_768 = arith.cmpi slt, %lt3A_767, %get3A_386 : vector<16xi32>
      %and3A_769 = arith.andi %eq3A_766, %lt3A_768 : vector<16xi1>
      %or3A_770 = arith.ori %and3A_762, %and3A_769 : vector<16xi1>
      %reduce_or3A_771 = arith.constant 1.000000e+00 : f32
      %reduce_or3A_772 = arith.constant 0.000000e+00 : f32
      %reduce_or3A_773 = vector.broadcast %reduce_or3A_771 : f32 to vector<16xf32>
      %reduce_or3A_774 = vector.broadcast %reduce_or3A_772 : f32 to vector<16xf32>
      %reduce_or3A_775 = arith.select %or3A_770, %reduce_or3A_773, %reduce_or3A_774 : vector<16xi1>, vector<16xf32>
      %reduce_or3A_776 = arith.constant true
      %reduce_or3A_777 = vector.broadcast %reduce_or3A_776 : i1 to vector<16xi1>
      %reduce_or3A_778 = tpu.scan <max>, %reduce_or3A_775 masked %reduce_or3A_777 : vector<16xf32>, vector<16xi1> -> vector<16xf32>
      %reduce_or3A_779 = vector.extract %reduce_or3A_778[15] : f32 from vector<16xf32>
      %reduce_or3A_780 = arith.constant 0.000000e+00 : f32
      %reduce_or3A_781 = arith.cmpf ogt, %reduce_or3A_779, %reduce_or3A_780 : f32
      %lt3A_782 = arith.constant 3800 : i32
      %lt3A_783 = arith.cmpi slt, %add3A_728, %lt3A_782 : i32
      %and3A_784 = arith.andi %lt3A_783, %reduce_or3A_781 : i1
      %jit3A_785 = arith.constant 0.000000e+00 : f32
      %select_n3A_786 = arith.select %and3A_784, %max3A_725, %jit3A_785 : f32
      %eq3A_787 = vector.broadcast %select_n3A_754 : i32 to vector<16xi32>
      %eq3A_788 = arith.cmpi eq, %iota3A, %eq3A_787 : vector<16xi32>
      %jit3A_789 = arith.constant 0.000000e+00 : f32
      %broadcast_in_dim3A_790 = vector.broadcast %select_n3A_786 : f32 to vector<16xf32>
      %broadcast_in_dim3A_791 = vector.broadcast %jit3A_789 : f32 to vector<16xf32>
      %select_n3A_792 = arith.select %eq3A_788, %broadcast_in_dim3A_790, %broadcast_in_dim3A_791 : vector<16xi1>, vector<16xf32>
      %add3A_793 = arith.addf %add3A_593, %select_n3A_792 : vector<16xf32>
      %sub3A_794 = arith.constant 16 : i32
      %sub3A_795 = arith.subi %select_n3A_754, %sub3A_794 : i32
      %eq3A_796 = vector.broadcast %sub3A_795 : i32 to vector<16xi32>
      %eq3A_797 = arith.cmpi eq, %iota3A, %eq3A_796 : vector<16xi32>
      %jit3A_798 = arith.constant 0.000000e+00 : f32
      %broadcast_in_dim3A_799 = vector.broadcast %select_n3A_786 : f32 to vector<16xf32>
      %broadcast_in_dim3A_800 = vector.broadcast %jit3A_798 : f32 to vector<16xf32>
      %select_n3A_801 = arith.select %eq3A_797, %broadcast_in_dim3A_799, %broadcast_in_dim3A_800 : vector<16xi1>, vector<16xf32>
      %add3A_802 = arith.addf %add3A_602, %select_n3A_801 : vector<16xf32>
      scf.yield %add3A_793, %add3A_802 : vector<16xf32>, vector<16xf32>
    }
    %scan3A_396 = arith.constant 240 : i32
    %swap3A_397 = arith.constant 0 : index
    %swap3A_398 = tpu.vector_load %arg15[%swap3A_397] {strides = array<i32>} : memref<32xf32, #tpu.memory_space<vmem>>, vector<16xf32>,
    tpu.vector_store %arg15[%swap3A_397], %scan3A_395#0 {strides = array<i32>} : memref<32xf32, #tpu.memory_space<vmem>>, vector<16xf32>,
    %swap3A_399 = arith.constant 16 : index
    %swap3A_400 = tpu.vector_load %arg15[%swap3A_399] {strides = array<i32>} : memref<32xf32, #tpu.memory_space<vmem>>, vector<16xf32>,
    tpu.vector_store %arg15[%swap3A_399], %scan3A_395#1 {strides = array<i32>} : memref<32xf32, #tpu.memory_space<vmem>>, vector<16xf32>,
    %mul3A_401 = arith.constant 32 : i32
    %mul3A_402 = arith.muli %arg1, %mul3A_401 : i32
    "tpu.region"() ({
      %run_scoped3A = tpu.sem_alloc : memref<!tpu.dma_semaphore, #tpu.memory_space<semaphore_mem>>
      %dma_start3A_406 = tpu.memref_slice %arg8[%mul3A_402] : memref<512xf32, #tpu.memory_space<hbm>> -> memref<32xf32, #tpu.memory_space<hbm>>
      %dma_start3A_407 = tpu.memref_slice %arg8[%mul3A_402] : memref<512xf32, #tpu.memory_space<hbm>> -> memref<32xf32, #tpu.memory_space<hbm>>
      tpu.enqueue_dma source(%arg15 : memref<32xf32, #tpu.memory_space<vmem>>) target(%dma_start3A_407 : memref<32xf32, #tpu.memory_space<hbm>>) target_semaphore(%run_scoped3A : memref<!tpu.dma_semaphore, #tpu.memory_space<semaphore_mem>>)
      %dma_wait3A_408 = tpu.memref_slice %arg8[%mul3A_402] : memref<512xf32, #tpu.memory_space<hbm>> -> memref<32xf32, #tpu.memory_space<hbm>>
      %dma_wait3A_409 = tpu.memref_slice %arg8[%mul3A_402] : memref<512xf32, #tpu.memory_space<hbm>> -> memref<32xf32, #tpu.memory_space<hbm>>
      tpu.wait_dma2 semaphore(%run_scoped3A : memref<!tpu.dma_semaphore, #tpu.memory_space<semaphore_mem>>) src(%arg15 : memref<32xf32, #tpu.memory_space<vmem>>) dst(%dma_wait3A_409 : memref<32xf32, #tpu.memory_space<hbm>>)
      tpu.yield
    }) : () -> ()
    %barrier3A = arith.constant 0 : index
    tpu.barrier barrier_id(%barrier3A)
    %eq3A_403 = arith.constant 0 : i32
    %eq3A_404 = arith.cmpi eq, %arg1, %eq3A_403 : i32
    %convert_element_type3A = arith.extui %eq3A_404 : i1 to i32
    %cond3A = arith.constant 0 : i32
    %cond3A_405 = arith.cmpi ne, %convert_element_type3A, %cond3A : i32
    scf.if %cond3A_405 {
      "tpu.region"() ({
        %run_scoped3A = tpu.sem_alloc : memref<!tpu.dma_semaphore, #tpu.memory_space<semaphore_mem>>
        tpu.enqueue_dma source(%arg8 : memref<512xf32, #tpu.memory_space<hbm>>) target(%arg16 : memref<512xf32, #tpu.memory_space<vmem>>) target_semaphore(%run_scoped3A : memref<!tpu.dma_semaphore, #tpu.memory_space<semaphore_mem>>)
        tpu.wait_dma2 semaphore(%run_scoped3A : memref<!tpu.dma_semaphore, #tpu.memory_space<semaphore_mem>>) src(%arg8 : memref<512xf32, #tpu.memory_space<hbm>>) dst(%arg16 : memref<512xf32, #tpu.memory_space<vmem>>)
        tpu.yield
      }) : () -> ()
      %broadcast_in_dim3A_406 = arith.constant 0.000000e+00 : f32
      %broadcast_in_dim3A_407 = vector.broadcast %broadcast_in_dim3A_406 : f32 to vector<16xf32>
      %broadcast_in_dim3A_408 = arith.constant 0.000000e+00 : f32
      %broadcast_in_dim3A_409 = vector.broadcast %broadcast_in_dim3A_408 : f32 to vector<16xf32>
      %scan3A_410 = arith.constant 0 : i32
      %scan3A_411 = arith.constant 16 : i32
      %scan3A_412 = arith.addi %scan3A_410, %scan3A_411 : i32
      %scan3A_413 = arith.constant 1 : i32
      %scan3A_414:2 = scf.for %scan3A_492 = %scan3A_410 to %scan3A_412 step %scan3A_413 iter_args(%scan3A_493 = %broadcast_in_dim3A_407, %scan3A_494 = %broadcast_in_dim3A_409) -> (vector<16xf32>, vector<16xf32>)  : i32 {
        %mul3A_495 = arith.constant 32 : i32
        %mul3A_496 = arith.muli %scan3A_492, %mul3A_495 : i32
        %get3A_497 = arith.index_cast %mul3A_496 : i32 to index
        %get3A_498 = tpu.vector_load %arg16[%get3A_497] {strides = array<i32>} : memref<512xf32, #tpu.memory_space<vmem>>, vector<16xf32>,
        %add3A_499 = arith.addf %scan3A_493, %get3A_498 : vector<16xf32>
        %mul3A_500 = arith.constant 32 : i32
        %mul3A_501 = arith.muli %scan3A_492, %mul3A_500 : i32
        %add3A_502 = arith.constant 16 : i32
        %add3A_503 = arith.addi %mul3A_501, %add3A_502 : i32
        %get3A_504 = arith.index_cast %add3A_503 : i32 to index
        %get3A_505 = tpu.vector_load %arg16[%get3A_504] {strides = array<i32>} : memref<512xf32, #tpu.memory_space<vmem>>, vector<16xf32>,
        %add3A_506 = arith.addf %scan3A_494, %get3A_505 : vector<16xf32>
        scf.yield %add3A_499, %add3A_506 : vector<16xf32>, vector<16xf32>
      }
      %scan3A_415 = arith.constant 16 : i32
      %max3A = arith.constant 1 : i32
      %max3A_416 = vector.broadcast %max3A : i32 to vector<16xi32>
      %max3A_417 = arith.maxsi %get3A_384, %max3A_416 : vector<16xi32>
      %convert_element_type3A_418 = arith.sitofp %max3A_417 : vector<16xi32> to vector<16xf32>
      %gt3A = arith.constant 0 : i32
      %gt3A_419 = vector.broadcast %gt3A : i32 to vector<16xi32>
      %gt3A_420 = arith.cmpi sgt, %get3A_384, %gt3A_419 : vector<16xi32>
      %div3A_421 = arith.divf %scan3A_414#0, %convert_element_type3A_418 : vector<16xf32>
      %jit3A_422 = arith.constant 0.000000e+00 : f32
      %broadcast_in_dim3A_423 = vector.broadcast %jit3A_422 : f32 to vector<16xf32>
      %select_n3A_424 = arith.select %gt3A_420, %div3A_421, %broadcast_in_dim3A_423 : vector<16xi1>, vector<16xf32>
      %reduce_sum3A = arith.constant true
      %reduce_sum3A_425 = vector.broadcast %reduce_sum3A : i1 to vector<16xi1>
      %reduce_sum3A_426 = tpu.scan <sum>, %select_n3A_424 masked %reduce_sum3A_425 : vector<16xf32>, vector<16xi1> -> vector<16xf32>
      %reduce_sum3A_427 = vector.extract %reduce_sum3A_426[15] : f32 from vector<16xf32>
      %gt3A_428 = arith.constant 0 : i32
      %gt3A_429 = vector.broadcast %gt3A_428 : i32 to vector<16xi32>
      %gt3A_430 = arith.cmpi sgt, %get3A_384, %gt3A_429 : vector<16xi32>
      %convert_element_type3A_431 = arith.extui %gt3A_430 : vector<16xi1> to vector<16xi32>
      %reduce_sum3A_432 = arith.constant true
      %reduce_sum3A_433 = vector.broadcast %reduce_sum3A_432 : i1 to vector<16xi1>
      %reduce_sum3A_434 = tpu.scan <sum>, %convert_element_type3A_431 masked %reduce_sum3A_433 : vector<16xi32>, vector<16xi1> -> vector<16xi32>
      %reduce_sum3A_435 = vector.extract %reduce_sum3A_434[15] : i32 from vector<16xi32>
      %max3A_436 = arith.constant 1 : i32
      %max3A_437 = vector.broadcast %max3A_436 : i32 to vector<16xi32>
      %max3A_438 = arith.maxsi %get3A_386, %max3A_437 : vector<16xi32>
      %convert_element_type3A_439 = arith.sitofp %max3A_438 : vector<16xi32> to vector<16xf32>
      %gt3A_440 = arith.constant 0 : i32
      %gt3A_441 = vector.broadcast %gt3A_440 : i32 to vector<16xi32>
      %gt3A_442 = arith.cmpi sgt, %get3A_386, %gt3A_441 : vector<16xi32>
      %div3A_443 = arith.divf %scan3A_414#1, %convert_element_type3A_439 : vector<16xf32>
      %jit3A_444 = arith.constant 0.000000e+00 : f32
      %broadcast_in_dim3A_445 = vector.broadcast %jit3A_444 : f32 to vector<16xf32>
      %select_n3A_446 = arith.select %gt3A_442, %div3A_443, %broadcast_in_dim3A_445 : vector<16xi1>, vector<16xf32>
      %reduce_sum3A_447 = arith.constant true
      %reduce_sum3A_448 = vector.broadcast %reduce_sum3A_447 : i1 to vector<16xi1>
      %reduce_sum3A_449 = tpu.scan <sum>, %select_n3A_446 masked %reduce_sum3A_448 : vector<16xf32>, vector<16xi1> -> vector<16xf32>
      %reduce_sum3A_450 = vector.extract %reduce_sum3A_449[15] : f32 from vector<16xf32>
      %gt3A_451 = arith.constant 0 : i32
      %gt3A_452 = vector.broadcast %gt3A_451 : i32 to vector<16xi32>
      %gt3A_453 = arith.cmpi sgt, %get3A_386, %gt3A_452 : vector<16xi32>
      %convert_element_type3A_454 = arith.extui %gt3A_453 : vector<16xi1> to vector<16xi32>
      %reduce_sum3A_455 = arith.constant true
      %reduce_sum3A_456 = vector.broadcast %reduce_sum3A_455 : i1 to vector<16xi1>
      %reduce_sum3A_457 = tpu.scan <sum>, %convert_element_type3A_454 masked %reduce_sum3A_456 : vector<16xi32>, vector<16xi1> -> vector<16xi32>
      %reduce_sum3A_458 = vector.extract %reduce_sum3A_457[15] : i32 from vector<16xi32>
      %add3A_459 = arith.addf %reduce_sum3A_427, %reduce_sum3A_450 : f32
      %add3A_460 = arith.addi %reduce_sum3A_435, %reduce_sum3A_458 : i32
      %broadcast_in_dim3A_461 = arith.constant 0.000000e+00 : f32
      %broadcast_in_dim3A_462 = vector.broadcast %broadcast_in_dim3A_461 : f32 to vector<16xf32>
      %max3A_463 = arith.constant 1 : i32
      %max3A_464 = arith.maxsi %add3A_460, %max3A_463 : i32
      %convert_element_type3A_465 = arith.sitofp %max3A_464 : i32 to f32
      %add3A_466 = vector.broadcast %convert_element_type3A_465 : f32 to vector<16xf32>
      %add3A_467 = arith.addf %broadcast_in_dim3A_462, %add3A_466 : vector<16xf32>
      %eq3A_468 = arith.constant 0 : i32
      %eq3A_469 = vector.broadcast %eq3A_468 : i32 to vector<16xi32>
      %eq3A_470 = arith.cmpi eq, %iota3A, %eq3A_469 : vector<16xi32>
      %jit3A_471 = arith.constant 0.000000e+00 : f32
      %broadcast_in_dim3A_472 = vector.broadcast %add3A_459 : f32 to vector<16xf32>
      %broadcast_in_dim3A_473 = vector.broadcast %jit3A_471 : f32 to vector<16xf32>
      %select_n3A_474 = arith.select %eq3A_470, %broadcast_in_dim3A_472, %broadcast_in_dim3A_473 : vector<16xi1>, vector<16xf32>
      %div3A_475 = arith.divf %select_n3A_474, %add3A_467 : vector<16xf32>
      %gt3A_476 = arith.constant 0 : i32
      %gt3A_477 = arith.cmpi sgt, %add3A_460, %gt3A_476 : i32
      %jit3A_478 = arith.constant 0.000000e+00 : f32
      %broadcast_in_dim3A_479 = vector.broadcast %jit3A_478 : f32 to vector<16xf32>
      %select_n3A_480 = arith.select %gt3A_477, %div3A_475, %broadcast_in_dim3A_479 : vector<16xf32>
      %swap3A_481 = arith.constant 0 : index
      %swap3A_482 = tpu.vector_load %arg17[%swap3A_481] {strides = array<i32>} : memref<16xf32, #tpu.memory_space<vmem>>, vector<16xf32>,
      tpu.vector_store %arg17[%swap3A_481], %select_n3A_480 {strides = array<i32>} : memref<16xf32, #tpu.memory_space<vmem>>, vector<16xf32>,
      %eq3A_483 = arith.constant 0 : i32
      %eq3A_484 = vector.broadcast %eq3A_483 : i32 to vector<16xi32>
      %eq3A_485 = arith.cmpi eq, %iota3A, %eq3A_484 : vector<16xi32>
      %jit3A_486 = arith.constant 0 : i32
      %broadcast_in_dim3A_487 = vector.broadcast %add3A_460 : i32 to vector<16xi32>
      %broadcast_in_dim3A_488 = vector.broadcast %jit3A_486 : i32 to vector<16xi32>
      %select_n3A_489 = arith.select %eq3A_485, %broadcast_in_dim3A_487, %broadcast_in_dim3A_488 : vector<16xi1>, vector<16xi32>
      %swap3A_490 = arith.constant 0 : index
      %swap3A_491 = tpu.vector_load %arg18[%swap3A_490] {strides = array<i32>} : memref<16xi32, #tpu.memory_space<vmem>>, vector<16xi32>,
      tpu.vector_store %arg18[%swap3A_490], %select_n3A_489 {strides = array<i32>} : memref<16xi32, #tpu.memory_space<vmem>>, vector<16xi32>,
      "tpu.region"() ({
        %run_scoped3A = tpu.sem_alloc : memref<!tpu.dma_semaphore, #tpu.memory_space<semaphore_mem>>
        tpu.enqueue_dma source(%arg17 : memref<16xf32, #tpu.memory_space<vmem>>) target(%arg6 : memref<16xf32, #tpu.memory_space<hbm>>) target_semaphore(%run_scoped3A : memref<!tpu.dma_semaphore, #tpu.memory_space<semaphore_mem>>)
        tpu.wait_dma2 semaphore(%run_scoped3A : memref<!tpu.dma_semaphore, #tpu.memory_space<semaphore_mem>>) src(%arg17 : memref<16xf32, #tpu.memory_space<vmem>>) dst(%arg6 : memref<16xf32, #tpu.memory_space<hbm>>)
        tpu.yield
      }) : () -> ()
      "tpu.region"() ({
        %run_scoped3A = tpu.sem_alloc : memref<!tpu.dma_semaphore, #tpu.memory_space<semaphore_mem>>
        tpu.enqueue_dma source(%arg18 : memref<16xi32, #tpu.memory_space<vmem>>) target(%arg7 : memref<16xi32, #tpu.memory_space<hbm>>) target_semaphore(%run_scoped3A : memref<!tpu.dma_semaphore, #tpu.memory_space<semaphore_mem>>)
        tpu.wait_dma2 semaphore(%run_scoped3A : memref<!tpu.dma_semaphore, #tpu.memory_space<semaphore_mem>>) src(%arg18 : memref<16xi32, #tpu.memory_space<vmem>>) dst(%arg7 : memref<16xi32, #tpu.memory_space<hbm>>)
        tpu.yield
      }) : () -> ()
    } else {
    }
    return
  }
}

#map = affine_map<(d0, d1) -> (0, 0)>
#map1 = affine_map<(d0, d1) -> (0)>
module attributes {stable_mosaic.version = 14 : i64} {
  func.func @_scan_kernel(%arg0: i32, %arg1: i32, %arg2: memref<4096x512xi32, #tpu.memory_space<hbm>>, %arg3: memref<8000xi32, #tpu.memory_space<hbm>>, %arg4: memref<256xi32, #tpu.memory_space<hbm>>, %arg5: memref<32x512xi32, #tpu.memory_space<vmem>>, %arg6: memref<32xi32, #tpu.memory_space<vmem>>, %arg7: memref<8016xi32, #tpu.memory_space<vmem>>, %arg8: memref<16xi32, #tpu.memory_space<vmem>>, %arg9: memref<!tpu.dma_semaphore, #tpu.memory_space<semaphore_mem>>) attributes {dimension_semantics = [#tpu.dimension_semantics<core_parallel>, #tpu.dimension_semantics<subcore_parallel>], iteration_bounds = array<i64: 1, 16>, scalar_prefetch = 0 : i64, scratch_operands = 5 : i64, tpu.core_type = #tpu.core_type<sc_vector_subcore>, window_params = [{transform_indices = #map}, {transform_indices = #map1}, {transform_indices = #map1}]} {
    %add3A = arith.constant 0 : i32
    %add3A_0 = arith.addi %arg1, %add3A : i32
    %le3A = arith.constant 18 : i32
    %le3A_1 = arith.cmpi sle, %add3A_0, %le3A : i32
    %ge3A = arith.constant 19 : i32
    %ge3A_2 = arith.cmpi sge, %add3A_0, %ge3A : i32
    %le3A_3 = arith.constant 37 : i32
    %le3A_4 = arith.cmpi sle, %add3A_0, %le3A_3 : i32
    %and3A = arith.andi %ge3A_2, %le3A_4 : i1
    %add3A_5 = arith.constant 1 : i32
    %add3A_6 = arith.addi %add3A_0, %add3A_5 : i32
    %sub3A = arith.constant 18 : i32
    %sub3A_7 = arith.subi %add3A_0, %sub3A : i32
    %jit3A = arith.constant 0 : i32
    %select_n3A = arith.select %and3A, %sub3A_7, %jit3A : i32
    %select_n3A_8 = arith.select %le3A_1, %add3A_6, %select_n3A : i32
    %le3A_9 = arith.constant 10 : i32
    %le3A_10 = arith.cmpi sle, %select_n3A_8, %le3A_9 : i32
    %jit3A_11 = arith.constant 1 : i32
    %jit3A_12 = arith.constant 11 : i32
    %select_n3A_13 = arith.select %le3A_10, %jit3A_11, %jit3A_12 : i32
    %eq3A = arith.constant 38 : i32
    %eq3A_14 = arith.cmpi eq, %add3A_0, %eq3A : i32
    %jit3A_15 = arith.constant 1 : i32
    %jit3A_16 = arith.constant 11 : i32
    %select_n3A_17 = arith.select %eq3A_14, %jit3A_15, %jit3A_16 : i32
    %select_n3A_18 = arith.select %and3A, %select_n3A_13, %select_n3A_17 : i32
    %select_n3A_19 = arith.select %le3A_1, %select_n3A_8, %select_n3A_18 : i32
    %jit3A_20 = arith.constant 10 : i32
    %jit3A_21 = arith.constant 19 : i32
    %select_n3A_22 = arith.select %le3A_10, %jit3A_20, %jit3A_21 : i32
    %eq3A_23 = arith.constant 38 : i32
    %eq3A_24 = arith.cmpi eq, %add3A_0, %eq3A_23 : i32
    %jit3A_25 = arith.constant 10 : i32
    %jit3A_26 = arith.constant 19 : i32
    %select_n3A_27 = arith.select %eq3A_24, %jit3A_25, %jit3A_26 : i32
    %select_n3A_28 = arith.select %and3A, %select_n3A_22, %select_n3A_27 : i32
    %select_n3A_29 = arith.select %le3A_1, %select_n3A_8, %select_n3A_28 : i32
    %jit3A_30 = arith.constant 20 : i32
    %select_n3A_31 = arith.select %and3A, %select_n3A_8, %jit3A_30 : i32
    %mul3A = arith.constant 200 : i32
    %mul3A_32 = arith.muli %add3A_0, %mul3A : i32
    %sub3A_33 = arith.constant 19 : i32
    %sub3A_34 = arith.subi %add3A_0, %sub3A_33 : i32
    %mul3A_35 = arith.constant 200 : i32
    %mul3A_36 = arith.muli %sub3A_34, %mul3A_35 : i32
    %add3A_37 = arith.constant 3800 : i32
    %add3A_38 = arith.addi %add3A_37, %mul3A_36 : i32
    %eq3A_39 = arith.constant 38 : i32
    %eq3A_40 = arith.cmpi eq, %add3A_0, %eq3A_39 : i32
    %jit3A_41 = arith.constant 7600 : i32
    %jit3A_42 = arith.constant 7800 : i32
    %select_n3A_43 = arith.select %eq3A_40, %jit3A_41, %jit3A_42 : i32
    %select_n3A_44 = arith.select %and3A, %add3A_38, %select_n3A_43 : i32
    %select_n3A_45 = arith.select %le3A_1, %mul3A_32, %select_n3A_44 : i32
    %le3A_46 = arith.constant 39 : i32
    %le3A_47 = arith.cmpi sle, %add3A_0, %le3A_46 : i32
    %jit3A_48 = arith.constant 21 : i32
    %select_n3A_49 = arith.select %le3A_47, %select_n3A_19, %jit3A_48 : i32
    %jit3A_50 = arith.constant 20 : i32
    %select_n3A_51 = arith.select %le3A_47, %select_n3A_29, %jit3A_50 : i32
    %add3A_52 = arith.constant 16 : i32
    %add3A_53 = arith.addi %arg1, %add3A_52 : i32
    %le3A_54 = arith.constant 18 : i32
    %le3A_55 = arith.cmpi sle, %add3A_53, %le3A_54 : i32
    %ge3A_56 = arith.constant 19 : i32
    %ge3A_57 = arith.cmpi sge, %add3A_53, %ge3A_56 : i32
    %le3A_58 = arith.constant 37 : i32
    %le3A_59 = arith.cmpi sle, %add3A_53, %le3A_58 : i32
    %and3A_60 = arith.andi %ge3A_57, %le3A_59 : i1
    %add3A_61 = arith.constant 1 : i32
    %add3A_62 = arith.addi %add3A_53, %add3A_61 : i32
    %sub3A_63 = arith.constant 18 : i32
    %sub3A_64 = arith.subi %add3A_53, %sub3A_63 : i32
    %jit3A_65 = arith.constant 0 : i32
    %select_n3A_66 = arith.select %and3A_60, %sub3A_64, %jit3A_65 : i32
    %select_n3A_67 = arith.select %le3A_55, %add3A_62, %select_n3A_66 : i32
    %le3A_68 = arith.constant 10 : i32
    %le3A_69 = arith.cmpi sle, %select_n3A_67, %le3A_68 : i32
    %jit3A_70 = arith.constant 1 : i32
    %jit3A_71 = arith.constant 11 : i32
    %select_n3A_72 = arith.select %le3A_69, %jit3A_70, %jit3A_71 : i32
    %eq3A_73 = arith.constant 38 : i32
    %eq3A_74 = arith.cmpi eq, %add3A_53, %eq3A_73 : i32
    %jit3A_75 = arith.constant 1 : i32
    %jit3A_76 = arith.constant 11 : i32
    %select_n3A_77 = arith.select %eq3A_74, %jit3A_75, %jit3A_76 : i32
    %select_n3A_78 = arith.select %and3A_60, %select_n3A_72, %select_n3A_77 : i32
    %select_n3A_79 = arith.select %le3A_55, %select_n3A_67, %select_n3A_78 : i32
    %jit3A_80 = arith.constant 10 : i32
    %jit3A_81 = arith.constant 19 : i32
    %select_n3A_82 = arith.select %le3A_69, %jit3A_80, %jit3A_81 : i32
    %eq3A_83 = arith.constant 38 : i32
    %eq3A_84 = arith.cmpi eq, %add3A_53, %eq3A_83 : i32
    %jit3A_85 = arith.constant 10 : i32
    %jit3A_86 = arith.constant 19 : i32
    %select_n3A_87 = arith.select %eq3A_84, %jit3A_85, %jit3A_86 : i32
    %select_n3A_88 = arith.select %and3A_60, %select_n3A_82, %select_n3A_87 : i32
    %select_n3A_89 = arith.select %le3A_55, %select_n3A_67, %select_n3A_88 : i32
    %jit3A_90 = arith.constant 20 : i32
    %select_n3A_91 = arith.select %and3A_60, %select_n3A_67, %jit3A_90 : i32
    %mul3A_92 = arith.constant 200 : i32
    %mul3A_93 = arith.muli %add3A_53, %mul3A_92 : i32
    %sub3A_94 = arith.constant 19 : i32
    %sub3A_95 = arith.subi %add3A_53, %sub3A_94 : i32
    %mul3A_96 = arith.constant 200 : i32
    %mul3A_97 = arith.muli %sub3A_95, %mul3A_96 : i32
    %add3A_98 = arith.constant 3800 : i32
    %add3A_99 = arith.addi %add3A_98, %mul3A_97 : i32
    %eq3A_100 = arith.constant 38 : i32
    %eq3A_101 = arith.cmpi eq, %add3A_53, %eq3A_100 : i32
    %jit3A_102 = arith.constant 7600 : i32
    %jit3A_103 = arith.constant 7800 : i32
    %select_n3A_104 = arith.select %eq3A_101, %jit3A_102, %jit3A_103 : i32
    %select_n3A_105 = arith.select %and3A_60, %add3A_99, %select_n3A_104 : i32
    %select_n3A_106 = arith.select %le3A_55, %mul3A_93, %select_n3A_105 : i32
    %le3A_107 = arith.constant 39 : i32
    %le3A_108 = arith.cmpi sle, %add3A_53, %le3A_107 : i32
    %jit3A_109 = arith.constant 21 : i32
    %select_n3A_110 = arith.select %le3A_108, %select_n3A_79, %jit3A_109 : i32
    %jit3A_111 = arith.constant 20 : i32
    %select_n3A_112 = arith.select %le3A_108, %select_n3A_89, %jit3A_111 : i32
    %add3A_113 = arith.constant 32 : i32
    %add3A_114 = arith.addi %arg1, %add3A_113 : i32
    %le3A_115 = arith.constant 18 : i32
    %le3A_116 = arith.cmpi sle, %add3A_114, %le3A_115 : i32
    %ge3A_117 = arith.constant 19 : i32
    %ge3A_118 = arith.cmpi sge, %add3A_114, %ge3A_117 : i32
    %le3A_119 = arith.constant 37 : i32
    %le3A_120 = arith.cmpi sle, %add3A_114, %le3A_119 : i32
    %and3A_121 = arith.andi %ge3A_118, %le3A_120 : i1
    %add3A_122 = arith.constant 1 : i32
    %add3A_123 = arith.addi %add3A_114, %add3A_122 : i32
    %sub3A_124 = arith.constant 18 : i32
    %sub3A_125 = arith.subi %add3A_114, %sub3A_124 : i32
    %jit3A_126 = arith.constant 0 : i32
    %select_n3A_127 = arith.select %and3A_121, %sub3A_125, %jit3A_126 : i32
    %select_n3A_128 = arith.select %le3A_116, %add3A_123, %select_n3A_127 : i32
    %le3A_129 = arith.constant 10 : i32
    %le3A_130 = arith.cmpi sle, %select_n3A_128, %le3A_129 : i32
    %jit3A_131 = arith.constant 1 : i32
    %jit3A_132 = arith.constant 11 : i32
    %select_n3A_133 = arith.select %le3A_130, %jit3A_131, %jit3A_132 : i32
    %eq3A_134 = arith.constant 38 : i32
    %eq3A_135 = arith.cmpi eq, %add3A_114, %eq3A_134 : i32
    %jit3A_136 = arith.constant 1 : i32
    %jit3A_137 = arith.constant 11 : i32
    %select_n3A_138 = arith.select %eq3A_135, %jit3A_136, %jit3A_137 : i32
    %select_n3A_139 = arith.select %and3A_121, %select_n3A_133, %select_n3A_138 : i32
    %select_n3A_140 = arith.select %le3A_116, %select_n3A_128, %select_n3A_139 : i32
    %jit3A_141 = arith.constant 10 : i32
    %jit3A_142 = arith.constant 19 : i32
    %select_n3A_143 = arith.select %le3A_130, %jit3A_141, %jit3A_142 : i32
    %eq3A_144 = arith.constant 38 : i32
    %eq3A_145 = arith.cmpi eq, %add3A_114, %eq3A_144 : i32
    %jit3A_146 = arith.constant 10 : i32
    %jit3A_147 = arith.constant 19 : i32
    %select_n3A_148 = arith.select %eq3A_145, %jit3A_146, %jit3A_147 : i32
    %select_n3A_149 = arith.select %and3A_121, %select_n3A_143, %select_n3A_148 : i32
    %select_n3A_150 = arith.select %le3A_116, %select_n3A_128, %select_n3A_149 : i32
    %jit3A_151 = arith.constant 20 : i32
    %select_n3A_152 = arith.select %and3A_121, %select_n3A_128, %jit3A_151 : i32
    %mul3A_153 = arith.constant 200 : i32
    %mul3A_154 = arith.muli %add3A_114, %mul3A_153 : i32
    %sub3A_155 = arith.constant 19 : i32
    %sub3A_156 = arith.subi %add3A_114, %sub3A_155 : i32
    %mul3A_157 = arith.constant 200 : i32
    %mul3A_158 = arith.muli %sub3A_156, %mul3A_157 : i32
    %add3A_159 = arith.constant 3800 : i32
    %add3A_160 = arith.addi %add3A_159, %mul3A_158 : i32
    %eq3A_161 = arith.constant 38 : i32
    %eq3A_162 = arith.cmpi eq, %add3A_114, %eq3A_161 : i32
    %jit3A_163 = arith.constant 7600 : i32
    %jit3A_164 = arith.constant 7800 : i32
    %select_n3A_165 = arith.select %eq3A_162, %jit3A_163, %jit3A_164 : i32
    %select_n3A_166 = arith.select %and3A_121, %add3A_160, %select_n3A_165 : i32
    %select_n3A_167 = arith.select %le3A_116, %mul3A_154, %select_n3A_166 : i32
    %le3A_168 = arith.constant 39 : i32
    %le3A_169 = arith.cmpi sle, %add3A_114, %le3A_168 : i32
    %jit3A_170 = arith.constant 21 : i32
    %select_n3A_171 = arith.select %le3A_169, %select_n3A_140, %jit3A_170 : i32
    %jit3A_172 = arith.constant 20 : i32
    %select_n3A_173 = arith.select %le3A_169, %select_n3A_150, %jit3A_172 : i32
    %broadcast_in_dim3A = arith.constant 0 : i32
    %broadcast_in_dim3A_174 = vector.broadcast %broadcast_in_dim3A : i32 to vector<16xi32>
    %convert_element_type3A = arith.extui %le3A_47 : i1 to i32
    %cond3A = arith.constant 0 : i32
    %cond3A_175 = arith.cmpi ne, %convert_element_type3A, %cond3A : i32
    scf.if %cond3A_175 {
      %scan3A_233 = arith.constant 0 : i32
      %scan3A_234 = arith.constant 0 : i32
      %scan3A_235 = arith.constant 13 : i32
      %scan3A_236 = arith.addi %scan3A_234, %scan3A_235 : i32
      %scan3A_237 = arith.constant 1 : i32
      %scan3A_238 = scf.for %scan3A_240 = %scan3A_234 to %scan3A_236 step %scan3A_237 iter_args(%scan3A_241 = %scan3A_233) -> (i32)  : i32 {
        %mul3A_242 = arith.constant 16 : i32
        %mul3A_243 = arith.muli %scan3A_240, %mul3A_242 : i32
        %add3A_244 = arith.addi %select_n3A_45, %mul3A_243 : i32
        %swap3A_245 = arith.index_cast %add3A_244 : i32 to index
        %swap3A_246 = tpu.vector_load %arg7[%swap3A_245] {strides = array<i32>} : memref<8016xi32, #tpu.memory_space<vmem>>, vector<16xi32>,
        tpu.vector_store %arg7[%swap3A_245], %broadcast_in_dim3A_174 {strides = array<i32>} : memref<8016xi32, #tpu.memory_space<vmem>>, vector<16xi32>,
        %scan3A_247 = arith.constant 0 : i32
        scf.yield %scan3A_247 : i32
      }
      %scan3A_239 = arith.constant 13 : i32
    } else {
    }
    %convert_element_type3A_176 = arith.extui %le3A_108 : i1 to i32
    %cond3A_177 = arith.constant 0 : i32
    %cond3A_178 = arith.cmpi ne, %convert_element_type3A_176, %cond3A_177 : i32
    scf.if %cond3A_178 {
      %scan3A_233 = arith.constant 0 : i32
      %scan3A_234 = arith.constant 0 : i32
      %scan3A_235 = arith.constant 13 : i32
      %scan3A_236 = arith.addi %scan3A_234, %scan3A_235 : i32
      %scan3A_237 = arith.constant 1 : i32
      %scan3A_238 = scf.for %scan3A_240 = %scan3A_234 to %scan3A_236 step %scan3A_237 iter_args(%scan3A_241 = %scan3A_233) -> (i32)  : i32 {
        %mul3A_242 = arith.constant 16 : i32
        %mul3A_243 = arith.muli %scan3A_240, %mul3A_242 : i32
        %add3A_244 = arith.addi %select_n3A_106, %mul3A_243 : i32
        %swap3A_245 = arith.index_cast %add3A_244 : i32 to index
        %swap3A_246 = tpu.vector_load %arg7[%swap3A_245] {strides = array<i32>} : memref<8016xi32, #tpu.memory_space<vmem>>, vector<16xi32>,
        tpu.vector_store %arg7[%swap3A_245], %broadcast_in_dim3A_174 {strides = array<i32>} : memref<8016xi32, #tpu.memory_space<vmem>>, vector<16xi32>,
        %scan3A_247 = arith.constant 0 : i32
        scf.yield %scan3A_247 : i32
      }
      %scan3A_239 = arith.constant 13 : i32
    } else {
    }
    %convert_element_type3A_179 = arith.extui %le3A_169 : i1 to i32
    %cond3A_180 = arith.constant 0 : i32
    %cond3A_181 = arith.cmpi ne, %convert_element_type3A_179, %cond3A_180 : i32
    scf.if %cond3A_181 {
      %scan3A_233 = arith.constant 0 : i32
      %scan3A_234 = arith.constant 0 : i32
      %scan3A_235 = arith.constant 13 : i32
      %scan3A_236 = arith.addi %scan3A_234, %scan3A_235 : i32
      %scan3A_237 = arith.constant 1 : i32
      %scan3A_238 = scf.for %scan3A_240 = %scan3A_234 to %scan3A_236 step %scan3A_237 iter_args(%scan3A_241 = %scan3A_233) -> (i32)  : i32 {
        %mul3A_242 = arith.constant 16 : i32
        %mul3A_243 = arith.muli %scan3A_240, %mul3A_242 : i32
        %add3A_244 = arith.addi %select_n3A_167, %mul3A_243 : i32
        %swap3A_245 = arith.index_cast %add3A_244 : i32 to index
        %swap3A_246 = tpu.vector_load %arg7[%swap3A_245] {strides = array<i32>} : memref<8016xi32, #tpu.memory_space<vmem>>, vector<16xi32>,
        tpu.vector_store %arg7[%swap3A_245], %broadcast_in_dim3A_174 {strides = array<i32>} : memref<8016xi32, #tpu.memory_space<vmem>>, vector<16xi32>,
        %scan3A_247 = arith.constant 0 : i32
        scf.yield %scan3A_247 : i32
      }
      %scan3A_239 = arith.constant 13 : i32
    } else {
    }
    %iota3A = tpu.iota {dimensions = array<i32: 0>} : vector<16xi32>
    %jit3A_182 = arith.constant 200 : i32
    %jit3A_183 = arith.constant 0 : i32
    %select_n3A_184 = arith.select %le3A_47, %jit3A_182, %jit3A_183 : i32
    %jit3A_185 = arith.constant 200 : i32
    %jit3A_186 = arith.constant 0 : i32
    %select_n3A_187 = arith.select %le3A_108, %jit3A_185, %jit3A_186 : i32
    %jit3A_188 = arith.constant 200 : i32
    %jit3A_189 = arith.constant 0 : i32
    %select_n3A_190 = arith.select %le3A_169, %jit3A_188, %jit3A_189 : i32
    %scan3A = arith.constant 0 : i32
    %scan3A_191 = arith.constant 0 : i32
    %scan3A_192 = arith.constant 0 : i32
    %scan3A_193 = arith.constant 0 : i32
    %scan3A_194 = arith.constant 32 : i32
    %scan3A_195 = arith.addi %scan3A_193, %scan3A_194 : i32
    %scan3A_196 = arith.constant 1 : i32
    %scan3A_197:3 = scf.for %scan3A_233 = %scan3A_193 to %scan3A_195 step %scan3A_196 iter_args(%scan3A_234 = %scan3A, %scan3A_235 = %scan3A_191, %scan3A_236 = %scan3A_192) -> (i32, i32, i32)  : i32 {
      %ge3A_237 = arith.cmpi sge, %scan3A_234, %select_n3A_184 : i32
      %ge3A_238 = arith.cmpi sge, %scan3A_235, %select_n3A_187 : i32
      %and3A_239 = arith.andi %ge3A_237, %ge3A_238 : i1
      %ge3A_240 = arith.cmpi sge, %scan3A_236, %select_n3A_190 : i32
      %and3A_241 = arith.andi %and3A_239, %ge3A_240 : i1
      %not3A = arith.constant true
      %not3A_242 = arith.xori %and3A_241, %not3A : i1
      %convert_element_type3A_243 = arith.extui %not3A_242 : i1 to i32
      %cond3A_244 = arith.constant 0 : i32
      %cond3A_245 = arith.cmpi ne, %convert_element_type3A_243, %cond3A_244 : i32
      scf.if %cond3A_245 {
        %mul3A_247 = arith.constant 32 : i32
        %mul3A_248 = arith.muli %scan3A_233, %mul3A_247 : i32
        %add3A_249 = arith.constant 0 : i32
        %add3A_250 = arith.addi %mul3A_248, %add3A_249 : i32
        %add3A_251 = vector.broadcast %add3A_250 : i32 to vector<16xi32>
        %add3A_252 = arith.addi %add3A_251, %iota3A : vector<16xi32>
        %jit3A_253 = arith.constant 128 : i32
        %div3A = vector.broadcast %jit3A_253 : i32 to vector<16xi32>
        %div3A_254 = arith.divsi %add3A_252, %div3A : vector<16xi32>
        %sign3A = arith.constant 0 : i32
        %sign3A_255 = vector.broadcast %sign3A : i32 to vector<16xi32>
        %sign3A_256 = arith.cmpi sgt, %add3A_252, %sign3A_255 : vector<16xi32>
        %sign3A_257 = arith.extui %sign3A_256 : vector<16xi1> to vector<16xi32>
        %sign3A_258 = arith.constant 0 : i32
        %sign3A_259 = vector.broadcast %sign3A_258 : i32 to vector<16xi32>
        %sign3A_260 = arith.cmpi slt, %add3A_252, %sign3A_259 : vector<16xi32>
        %sign3A_261 = arith.extui %sign3A_260 : vector<16xi1> to vector<16xi32>
        %sign3A_262 = arith.subi %sign3A_257, %sign3A_261 : vector<16xi32>
        %sign3A_263 = arith.constant 0 : i32
        %sign3A_264 = arith.cmpi sgt, %jit3A_253, %sign3A_263 : i32
        %sign3A_265 = arith.extui %sign3A_264 : i1 to i32
        %sign3A_266 = arith.constant 0 : i32
        %sign3A_267 = arith.cmpi slt, %jit3A_253, %sign3A_266 : i32
        %sign3A_268 = arith.extui %sign3A_267 : i1 to i32
        %sign3A_269 = arith.subi %sign3A_265, %sign3A_268 : i32
        %ne3A = vector.broadcast %sign3A_269 : i32 to vector<16xi32>
        %ne3A_270 = arith.cmpi ne, %sign3A_262, %ne3A : vector<16xi32>
        %rem3A = vector.broadcast %jit3A_253 : i32 to vector<16xi32>
        %rem3A_271 = arith.remsi %add3A_252, %rem3A : vector<16xi32>
        %ne3A_272 = arith.constant 0 : i32
        %ne3A_273 = vector.broadcast %ne3A_272 : i32 to vector<16xi32>
        %ne3A_274 = arith.cmpi ne, %rem3A_271, %ne3A_273 : vector<16xi32>
        %and3A_275 = arith.andi %ne3A_270, %ne3A_274 : vector<16xi1>
        %sub3A_276 = arith.constant 1 : i32
        %sub3A_277 = vector.broadcast %sub3A_276 : i32 to vector<16xi32>
        %sub3A_278 = arith.subi %div3A_254, %sub3A_277 : vector<16xi32>
        %select_n3A_279 = arith.select %and3A_275, %sub3A_278, %div3A_254 : vector<16xi1>, vector<16xi32>
        %mul3A_280 = arith.constant 128 : i32
        %mul3A_281 = vector.broadcast %mul3A_280 : i32 to vector<16xi32>
        %mul3A_282 = arith.muli %select_n3A_279, %mul3A_281 : vector<16xi32>
        %sub3A_283 = arith.subi %add3A_252, %mul3A_282 : vector<16xi32>
        %mul3A_284 = arith.constant 512 : i32
        %mul3A_285 = vector.broadcast %mul3A_284 : i32 to vector<16xi32>
        %mul3A_286 = arith.muli %select_n3A_279, %mul3A_285 : vector<16xi32>
        %mul3A_287 = arith.constant 4 : i32
        %mul3A_288 = vector.broadcast %mul3A_287 : i32 to vector<16xi32>
        %mul3A_289 = arith.muli %sub3A_283, %mul3A_288 : vector<16xi32>
        %add3A_290 = arith.addi %mul3A_286, %mul3A_289 : vector<16xi32>
        %swap3A_291 = arith.constant 0 : index
        %swap3A_292 = tpu.vector_load %arg6[%swap3A_291] {strides = array<i32>} : memref<32xi32, #tpu.memory_space<vmem>>, vector<16xi32>,
        tpu.vector_store %arg6[%swap3A_291], %add3A_290 {strides = array<i32>} : memref<32xi32, #tpu.memory_space<vmem>>, vector<16xi32>,
        %mul3A_293 = arith.constant 32 : i32
        %mul3A_294 = arith.muli %scan3A_233, %mul3A_293 : i32
        %add3A_295 = arith.constant 16 : i32
        %add3A_296 = arith.addi %mul3A_294, %add3A_295 : i32
        %add3A_297 = vector.broadcast %add3A_296 : i32 to vector<16xi32>
        %add3A_298 = arith.addi %add3A_297, %iota3A : vector<16xi32>
        %jit3A_299 = arith.constant 128 : i32
        %div3A_300 = vector.broadcast %jit3A_299 : i32 to vector<16xi32>
        %div3A_301 = arith.divsi %add3A_298, %div3A_300 : vector<16xi32>
        %sign3A_302 = arith.constant 0 : i32
        %sign3A_303 = vector.broadcast %sign3A_302 : i32 to vector<16xi32>
        %sign3A_304 = arith.cmpi sgt, %add3A_298, %sign3A_303 : vector<16xi32>
        %sign3A_305 = arith.extui %sign3A_304 : vector<16xi1> to vector<16xi32>
        %sign3A_306 = arith.constant 0 : i32
        %sign3A_307 = vector.broadcast %sign3A_306 : i32 to vector<16xi32>
        %sign3A_308 = arith.cmpi slt, %add3A_298, %sign3A_307 : vector<16xi32>
        %sign3A_309 = arith.extui %sign3A_308 : vector<16xi1> to vector<16xi32>
        %sign3A_310 = arith.subi %sign3A_305, %sign3A_309 : vector<16xi32>
        %sign3A_311 = arith.constant 0 : i32
        %sign3A_312 = arith.cmpi sgt, %jit3A_299, %sign3A_311 : i32
        %sign3A_313 = arith.extui %sign3A_312 : i1 to i32
        %sign3A_314 = arith.constant 0 : i32
        %sign3A_315 = arith.cmpi slt, %jit3A_299, %sign3A_314 : i32
        %sign3A_316 = arith.extui %sign3A_315 : i1 to i32
        %sign3A_317 = arith.subi %sign3A_313, %sign3A_316 : i32
        %ne3A_318 = vector.broadcast %sign3A_317 : i32 to vector<16xi32>
        %ne3A_319 = arith.cmpi ne, %sign3A_310, %ne3A_318 : vector<16xi32>
        %rem3A_320 = vector.broadcast %jit3A_299 : i32 to vector<16xi32>
        %rem3A_321 = arith.remsi %add3A_298, %rem3A_320 : vector<16xi32>
        %ne3A_322 = arith.constant 0 : i32
        %ne3A_323 = vector.broadcast %ne3A_322 : i32 to vector<16xi32>
        %ne3A_324 = arith.cmpi ne, %rem3A_321, %ne3A_323 : vector<16xi32>
        %and3A_325 = arith.andi %ne3A_319, %ne3A_324 : vector<16xi1>
        %sub3A_326 = arith.constant 1 : i32
        %sub3A_327 = vector.broadcast %sub3A_326 : i32 to vector<16xi32>
        %sub3A_328 = arith.subi %div3A_301, %sub3A_327 : vector<16xi32>
        %select_n3A_329 = arith.select %and3A_325, %sub3A_328, %div3A_301 : vector<16xi1>, vector<16xi32>
        %mul3A_330 = arith.constant 128 : i32
        %mul3A_331 = vector.broadcast %mul3A_330 : i32 to vector<16xi32>
        %mul3A_332 = arith.muli %select_n3A_329, %mul3A_331 : vector<16xi32>
        %sub3A_333 = arith.subi %add3A_298, %mul3A_332 : vector<16xi32>
        %mul3A_334 = arith.constant 512 : i32
        %mul3A_335 = vector.broadcast %mul3A_334 : i32 to vector<16xi32>
        %mul3A_336 = arith.muli %select_n3A_329, %mul3A_335 : vector<16xi32>
        %mul3A_337 = arith.constant 4 : i32
        %mul3A_338 = vector.broadcast %mul3A_337 : i32 to vector<16xi32>
        %mul3A_339 = arith.muli %sub3A_333, %mul3A_338 : vector<16xi32>
        %add3A_340 = arith.addi %mul3A_336, %mul3A_339 : vector<16xi32>
        %swap3A_341 = arith.constant 16 : index
        %swap3A_342 = tpu.vector_load %arg6[%swap3A_341] {strides = array<i32>} : memref<32xi32, #tpu.memory_space<vmem>>, vector<16xi32>,
        tpu.vector_store %arg6[%swap3A_341], %add3A_340 {strides = array<i32>} : memref<32xi32, #tpu.memory_space<vmem>>, vector<16xi32>,
        %dma_start3A = arith.constant 0 : i32
        %dma_start3A_343 = arith.constant 0 : i32
        %dma_start3A_344 = tpu.memref_slice %arg2[%dma_start3A, %dma_start3A_343] : memref<4096x512xi32, #tpu.memory_space<hbm>> -> memref<4096x512xi32, #tpu.memory_space<hbm>>
        tpu.enqueue_indirect_dma source(%dma_start3A_344 : memref<4096x512xi32, #tpu.memory_space<hbm>>) target(%arg5 : memref<32x512xi32, #tpu.memory_space<vmem>>) offsets(%arg6 : memref<32xi32, #tpu.memory_space<vmem>>) semaphore(%arg9 : memref<!tpu.dma_semaphore, #tpu.memory_space<semaphore_mem>>)
        %dma_wait3A = arith.constant 0 : i32
        %dma_wait3A_345 = arith.constant 0 : i32
        %dma_wait3A_346 = tpu.memref_slice %arg2[%dma_wait3A, %dma_wait3A_345] : memref<4096x512xi32, #tpu.memory_space<hbm>> -> memref<4096x512xi32, #tpu.memory_space<hbm>>
        tpu.wait_indirect_dma semaphore(%arg9 : memref<!tpu.dma_semaphore, #tpu.memory_space<semaphore_mem>>) src(%dma_wait3A_346 : memref<4096x512xi32, #tpu.memory_space<hbm>>) dst(%arg5 : memref<32x512xi32, #tpu.memory_space<vmem>>)
      } else {
      }
      %while3A = arith.constant 0 : i32
      %while3A_246:4 = scf.while (%while3A_247 = %while3A, %while3A_248 = %scan3A_234, %while3A_249 = %scan3A_235, %while3A_250 = %scan3A_236) : (i32, i32, i32, i32) -> (i32, i32, i32, i32) {
        %ge3A_251 = arith.cmpi sge, %while3A_248, %select_n3A_184 : i32
        %ge3A_252 = arith.cmpi sge, %while3A_249, %select_n3A_187 : i32
        %and3A_253 = arith.andi %ge3A_251, %ge3A_252 : i1
        %ge3A_254 = arith.cmpi sge, %while3A_250, %select_n3A_190 : i32
        %and3A_255 = arith.andi %and3A_253, %ge3A_254 : i1
        %lt3A = arith.constant 256 : i32
        %lt3A_256 = arith.cmpi slt, %while3A_247, %lt3A : i32
        %not3A_257 = arith.constant true
        %not3A_258 = arith.xori %and3A_255, %not3A_257 : i1
        %and3A_259 = arith.andi %lt3A_256, %not3A_258 : i1
        scf.condition(%and3A_259) %while3A_247, %while3A_248, %while3A_249, %while3A_250 : i32, i32, i32, i32
      } do {
      ^bb0(%while3A_247: i32, %while3A_248: i32, %while3A_249: i32, %while3A_250: i32):
        %jit3A_251 = arith.constant 8 : i32
        %div3A = arith.divsi %while3A_247, %jit3A_251 : i32
        %sign3A = arith.constant 0 : i32
        %sign3A_252 = arith.cmpi sgt, %while3A_247, %sign3A : i32
        %sign3A_253 = arith.extui %sign3A_252 : i1 to i32
        %sign3A_254 = arith.constant 0 : i32
        %sign3A_255 = arith.cmpi slt, %while3A_247, %sign3A_254 : i32
        %sign3A_256 = arith.extui %sign3A_255 : i1 to i32
        %sign3A_257 = arith.subi %sign3A_253, %sign3A_256 : i32
        %sign3A_258 = arith.constant 0 : i32
        %sign3A_259 = arith.cmpi sgt, %jit3A_251, %sign3A_258 : i32
        %sign3A_260 = arith.extui %sign3A_259 : i1 to i32
        %sign3A_261 = arith.constant 0 : i32
        %sign3A_262 = arith.cmpi slt, %jit3A_251, %sign3A_261 : i32
        %sign3A_263 = arith.extui %sign3A_262 : i1 to i32
        %sign3A_264 = arith.subi %sign3A_260, %sign3A_263 : i32
        %ne3A = arith.cmpi ne, %sign3A_257, %sign3A_264 : i32
        %rem3A = arith.remsi %while3A_247, %jit3A_251 : i32
        %ne3A_265 = arith.constant 0 : i32
        %ne3A_266 = arith.cmpi ne, %rem3A, %ne3A_265 : i32
        %and3A_267 = arith.andi %ne3A, %ne3A_266 : i1
        %sub3A_268 = arith.constant 1 : i32
        %sub3A_269 = arith.subi %div3A, %sub3A_268 : i32
        %select_n3A_270 = arith.select %and3A_267, %sub3A_269, %div3A : i32
        %mul3A_271 = arith.constant 8 : i32
        %mul3A_272 = arith.muli %select_n3A_270, %mul3A_271 : i32
        %sub3A_273 = arith.subi %while3A_247, %mul3A_272 : i32
        %mul3A_274 = arith.constant 16 : i32
        %mul3A_275 = arith.muli %sub3A_273, %mul3A_274 : i32
        %broadcast_in_dim3A_276 = arith.constant 0 : i32
        %broadcast_in_dim3A_277 = vector.broadcast %broadcast_in_dim3A_276 : i32 to vector<16xi32>
        %add3A_278 = vector.broadcast %select_n3A_270 : i32 to vector<16xi32>
        %add3A_279 = arith.addi %broadcast_in_dim3A_277, %add3A_278 : vector<16xi32>
        %add3A_280 = vector.broadcast %mul3A_275 : i32 to vector<16xi32>
        %add3A_281 = arith.addi %add3A_280, %iota3A : vector<16xi32>
        %mul3A_282 = arith.constant 4 : i32
        %mul3A_283 = vector.broadcast %mul3A_282 : i32 to vector<16xi32>
        %mul3A_284 = arith.muli %add3A_281, %mul3A_283 : vector<16xi32>
        %gather3A = tpu.vector_load_idx %arg5[%add3A_279, %mul3A_284] : memref<32x512xi32, #tpu.memory_space<vmem>>[vector<16xi32>, vector<16xi32>], vector<16xi32>,
        %mul3A_285 = arith.constant 4096 : i32
        %mul3A_286 = arith.muli %scan3A_233, %mul3A_285 : i32
        %mul3A_287 = arith.constant 16 : i32
        %mul3A_288 = arith.muli %while3A_247, %mul3A_287 : i32
        %add3A_289 = arith.addi %mul3A_286, %mul3A_288 : i32
        %add3A_290 = vector.broadcast %add3A_289 : i32 to vector<16xi32>
        %add3A_291 = arith.addi %add3A_290, %iota3A : vector<16xi32>
        %ge3A_292 = vector.broadcast %select_n3A_49 : i32 to vector<16xi32>
        %ge3A_293 = arith.cmpi sge, %gather3A, %ge3A_292 : vector<16xi32>
        %le3A_294 = vector.broadcast %select_n3A_51 : i32 to vector<16xi32>
        %le3A_295 = arith.cmpi sle, %gather3A, %le3A_294 : vector<16xi32>
        %and3A_296 = arith.andi %ge3A_293, %le3A_295 : vector<16xi1>
        %ne3A_297 = vector.broadcast %select_n3A_31 : i32 to vector<16xi32>
        %ne3A_298 = arith.cmpi ne, %gather3A, %ne3A_297 : vector<16xi32>
        %and3A_299 = arith.andi %and3A_296, %ne3A_298 : vector<16xi1>
        %jit3A_300 = arith.constant 1 : i32
        %jit3A_301 = arith.constant 0 : i32
        %broadcast_in_dim3A_302 = vector.broadcast %jit3A_300 : i32 to vector<16xi32>
        %broadcast_in_dim3A_303 = vector.broadcast %jit3A_301 : i32 to vector<16xi32>
        %select_n3A_304 = arith.select %and3A_299, %broadcast_in_dim3A_302, %broadcast_in_dim3A_303 : vector<16xi1>, vector<16xi32>
        %broadcast_in_dim3A_305 = arith.constant true
        %broadcast_in_dim3A_306 = vector.broadcast %broadcast_in_dim3A_305 : i1 to vector<16xi1>
        %masked_cumsum3A = tpu.scan <sum>, %select_n3A_304 masked %broadcast_in_dim3A_306 : vector<16xi32>, vector<16xi1> -> vector<16xi32>
        %add3A_307 = vector.broadcast %while3A_248 : i32 to vector<16xi32>
        %add3A_308 = arith.addi %add3A_307, %masked_cumsum3A : vector<16xi32>
        %sub3A_309 = arith.constant 1 : i32
        %sub3A_310 = vector.broadcast %sub3A_309 : i32 to vector<16xi32>
        %sub3A_311 = arith.subi %add3A_308, %sub3A_310 : vector<16xi32>
        %lt3A = arith.constant 200 : i32
        %lt3A_312 = vector.broadcast %lt3A : i32 to vector<16xi32>
        %lt3A_313 = arith.cmpi slt, %sub3A_311, %lt3A_312 : vector<16xi32>
        %and3A_314 = arith.andi %and3A_299, %lt3A_313 : vector<16xi1>
        %add3A_315 = vector.broadcast %select_n3A_45 : i32 to vector<16xi32>
        %add3A_316 = arith.addi %add3A_315, %sub3A_311 : vector<16xi32>
        tpu.vector_store_idx %arg7[%add3A_316], %add3A_291 masked %and3A_314 : memref<8016xi32, #tpu.memory_space<vmem>>[vector<16xi32>], vector<16xi32>, vector<16xi1>
        %slice3A = vector.extract_strided_slice %masked_cumsum3A {offsets = [15], sizes = [1], strides = [1]} : vector<16xi32> to vector<1xi32>
        %squeeze3A = vector.extract %slice3A[0] : i32 from vector<1xi32>
        %add3A_317 = arith.addi %while3A_248, %squeeze3A : i32
        %ge3A_318 = vector.broadcast %select_n3A_110 : i32 to vector<16xi32>
        %ge3A_319 = arith.cmpi sge, %gather3A, %ge3A_318 : vector<16xi32>
        %le3A_320 = vector.broadcast %select_n3A_112 : i32 to vector<16xi32>
        %le3A_321 = arith.cmpi sle, %gather3A, %le3A_320 : vector<16xi32>
        %and3A_322 = arith.andi %ge3A_319, %le3A_321 : vector<16xi1>
        %ne3A_323 = vector.broadcast %select_n3A_91 : i32 to vector<16xi32>
        %ne3A_324 = arith.cmpi ne, %gather3A, %ne3A_323 : vector<16xi32>
        %and3A_325 = arith.andi %and3A_322, %ne3A_324 : vector<16xi1>
        %jit3A_326 = arith.constant 1 : i32
        %jit3A_327 = arith.constant 0 : i32
        %broadcast_in_dim3A_328 = vector.broadcast %jit3A_326 : i32 to vector<16xi32>
        %broadcast_in_dim3A_329 = vector.broadcast %jit3A_327 : i32 to vector<16xi32>
        %select_n3A_330 = arith.select %and3A_325, %broadcast_in_dim3A_328, %broadcast_in_dim3A_329 : vector<16xi1>, vector<16xi32>
        %broadcast_in_dim3A_331 = arith.constant true
        %broadcast_in_dim3A_332 = vector.broadcast %broadcast_in_dim3A_331 : i1 to vector<16xi1>
        %masked_cumsum3A_333 = tpu.scan <sum>, %select_n3A_330 masked %broadcast_in_dim3A_332 : vector<16xi32>, vector<16xi1> -> vector<16xi32>
        %add3A_334 = vector.broadcast %while3A_249 : i32 to vector<16xi32>
        %add3A_335 = arith.addi %add3A_334, %masked_cumsum3A_333 : vector<16xi32>
        %sub3A_336 = arith.constant 1 : i32
        %sub3A_337 = vector.broadcast %sub3A_336 : i32 to vector<16xi32>
        %sub3A_338 = arith.subi %add3A_335, %sub3A_337 : vector<16xi32>
        %lt3A_339 = arith.constant 200 : i32
        %lt3A_340 = vector.broadcast %lt3A_339 : i32 to vector<16xi32>
        %lt3A_341 = arith.cmpi slt, %sub3A_338, %lt3A_340 : vector<16xi32>
        %and3A_342 = arith.andi %and3A_325, %lt3A_341 : vector<16xi1>
        %add3A_343 = vector.broadcast %select_n3A_106 : i32 to vector<16xi32>
        %add3A_344 = arith.addi %add3A_343, %sub3A_338 : vector<16xi32>
        tpu.vector_store_idx %arg7[%add3A_344], %add3A_291 masked %and3A_342 : memref<8016xi32, #tpu.memory_space<vmem>>[vector<16xi32>], vector<16xi32>, vector<16xi1>
        %slice3A_345 = vector.extract_strided_slice %masked_cumsum3A_333 {offsets = [15], sizes = [1], strides = [1]} : vector<16xi32> to vector<1xi32>
        %squeeze3A_346 = vector.extract %slice3A_345[0] : i32 from vector<1xi32>
        %add3A_347 = arith.addi %while3A_249, %squeeze3A_346 : i32
        %ge3A_348 = vector.broadcast %select_n3A_171 : i32 to vector<16xi32>
        %ge3A_349 = arith.cmpi sge, %gather3A, %ge3A_348 : vector<16xi32>
        %le3A_350 = vector.broadcast %select_n3A_173 : i32 to vector<16xi32>
        %le3A_351 = arith.cmpi sle, %gather3A, %le3A_350 : vector<16xi32>
        %and3A_352 = arith.andi %ge3A_349, %le3A_351 : vector<16xi1>
        %ne3A_353 = vector.broadcast %select_n3A_152 : i32 to vector<16xi32>
        %ne3A_354 = arith.cmpi ne, %gather3A, %ne3A_353 : vector<16xi32>
        %and3A_355 = arith.andi %and3A_352, %ne3A_354 : vector<16xi1>
        %jit3A_356 = arith.constant 1 : i32
        %jit3A_357 = arith.constant 0 : i32
        %broadcast_in_dim3A_358 = vector.broadcast %jit3A_356 : i32 to vector<16xi32>
        %broadcast_in_dim3A_359 = vector.broadcast %jit3A_357 : i32 to vector<16xi32>
        %select_n3A_360 = arith.select %and3A_355, %broadcast_in_dim3A_358, %broadcast_in_dim3A_359 : vector<16xi1>, vector<16xi32>
        %broadcast_in_dim3A_361 = arith.constant true
        %broadcast_in_dim3A_362 = vector.broadcast %broadcast_in_dim3A_361 : i1 to vector<16xi1>
        %masked_cumsum3A_363 = tpu.scan <sum>, %select_n3A_360 masked %broadcast_in_dim3A_362 : vector<16xi32>, vector<16xi1> -> vector<16xi32>
        %add3A_364 = vector.broadcast %while3A_250 : i32 to vector<16xi32>
        %add3A_365 = arith.addi %add3A_364, %masked_cumsum3A_363 : vector<16xi32>
        %sub3A_366 = arith.constant 1 : i32
        %sub3A_367 = vector.broadcast %sub3A_366 : i32 to vector<16xi32>
        %sub3A_368 = arith.subi %add3A_365, %sub3A_367 : vector<16xi32>
        %lt3A_369 = arith.constant 200 : i32
        %lt3A_370 = vector.broadcast %lt3A_369 : i32 to vector<16xi32>
        %lt3A_371 = arith.cmpi slt, %sub3A_368, %lt3A_370 : vector<16xi32>
        %and3A_372 = arith.andi %and3A_355, %lt3A_371 : vector<16xi1>
        %add3A_373 = vector.broadcast %select_n3A_167 : i32 to vector<16xi32>
        %add3A_374 = arith.addi %add3A_373, %sub3A_368 : vector<16xi32>
        tpu.vector_store_idx %arg7[%add3A_374], %add3A_291 masked %and3A_372 : memref<8016xi32, #tpu.memory_space<vmem>>[vector<16xi32>], vector<16xi32>, vector<16xi1>
        %slice3A_375 = vector.extract_strided_slice %masked_cumsum3A_363 {offsets = [15], sizes = [1], strides = [1]} : vector<16xi32> to vector<1xi32>
        %squeeze3A_376 = vector.extract %slice3A_375[0] : i32 from vector<1xi32>
        %add3A_377 = arith.addi %while3A_250, %squeeze3A_376 : i32
        %add3A_378 = arith.constant 1 : i32
        %add3A_379 = arith.addi %while3A_247, %add3A_378 : i32
        scf.yield %add3A_379, %add3A_317, %add3A_347, %add3A_377 : i32, i32, i32, i32
      }
      scf.yield %while3A_246#1, %while3A_246#2, %while3A_246#3 : i32, i32, i32
    }
    %scan3A_198 = arith.constant 32 : i32
    %min3A = arith.constant 200 : i32
    %min3A_199 = arith.minsi %scan3A_197#0, %min3A : i32
    %min3A_200 = arith.constant 200 : i32
    %min3A_201 = arith.minsi %scan3A_197#1, %min3A_200 : i32
    %min3A_202 = arith.constant 200 : i32
    %min3A_203 = arith.minsi %scan3A_197#2, %min3A_202 : i32
    %eq3A_204 = arith.constant 0 : i32
    %eq3A_205 = vector.broadcast %eq3A_204 : i32 to vector<16xi32>
    %eq3A_206 = arith.cmpi eq, %iota3A, %eq3A_205 : vector<16xi32>
    %eq3A_207 = arith.constant 1 : i32
    %eq3A_208 = vector.broadcast %eq3A_207 : i32 to vector<16xi32>
    %eq3A_209 = arith.cmpi eq, %iota3A, %eq3A_208 : vector<16xi32>
    %eq3A_210 = arith.constant 2 : i32
    %eq3A_211 = vector.broadcast %eq3A_210 : i32 to vector<16xi32>
    %eq3A_212 = arith.cmpi eq, %iota3A, %eq3A_211 : vector<16xi32>
    %jit3A_213 = arith.constant 0 : i32
    %broadcast_in_dim3A_214 = vector.broadcast %min3A_203 : i32 to vector<16xi32>
    %broadcast_in_dim3A_215 = vector.broadcast %jit3A_213 : i32 to vector<16xi32>
    %select_n3A_216 = arith.select %eq3A_212, %broadcast_in_dim3A_214, %broadcast_in_dim3A_215 : vector<16xi1>, vector<16xi32>
    %broadcast_in_dim3A_217 = vector.broadcast %min3A_201 : i32 to vector<16xi32>
    %select_n3A_218 = arith.select %eq3A_209, %broadcast_in_dim3A_217, %select_n3A_216 : vector<16xi1>, vector<16xi32>
    %broadcast_in_dim3A_219 = vector.broadcast %min3A_199 : i32 to vector<16xi32>
    %select_n3A_220 = arith.select %eq3A_206, %broadcast_in_dim3A_219, %select_n3A_218 : vector<16xi1>, vector<16xi32>
    %swap3A = arith.constant 0 : index
    %swap3A_221 = tpu.vector_load %arg8[%swap3A] {strides = array<i32>} : memref<16xi32, #tpu.memory_space<vmem>>, vector<16xi32>,
    tpu.vector_store %arg8[%swap3A], %select_n3A_220 {strides = array<i32>} : memref<16xi32, #tpu.memory_space<vmem>>, vector<16xi32>,
    %convert_element_type3A_222 = arith.extui %le3A_47 : i1 to i32
    %cond3A_223 = arith.constant 0 : i32
    %cond3A_224 = arith.cmpi ne, %convert_element_type3A_222, %cond3A_223 : i32
    scf.if %cond3A_224 {
      "tpu.region"() ({
        %run_scoped3A = tpu.sem_alloc : memref<!tpu.dma_semaphore, #tpu.memory_space<semaphore_mem>>
        %dma_start3A = tpu.memref_slice %arg7[%select_n3A_45] : memref<8016xi32, #tpu.memory_space<vmem>> -> memref<200xi32, #tpu.memory_space<vmem>>
        %dma_start3A_233 = tpu.memref_slice %arg3[%select_n3A_45] : memref<8000xi32, #tpu.memory_space<hbm>> -> memref<200xi32, #tpu.memory_space<hbm>>
        %dma_start3A_234 = tpu.memref_slice %arg3[%select_n3A_45] : memref<8000xi32, #tpu.memory_space<hbm>> -> memref<200xi32, #tpu.memory_space<hbm>>
        %dma_start3A_235 = tpu.memref_slice %arg7[%select_n3A_45] : memref<8016xi32, #tpu.memory_space<vmem>> -> memref<200xi32, #tpu.memory_space<vmem>>
        tpu.enqueue_dma source(%dma_start3A_235 : memref<200xi32, #tpu.memory_space<vmem>>) target(%dma_start3A_234 : memref<200xi32, #tpu.memory_space<hbm>>) target_semaphore(%run_scoped3A : memref<!tpu.dma_semaphore, #tpu.memory_space<semaphore_mem>>)
        %dma_wait3A = tpu.memref_slice %arg7[%select_n3A_45] : memref<8016xi32, #tpu.memory_space<vmem>> -> memref<200xi32, #tpu.memory_space<vmem>>
        %dma_wait3A_236 = tpu.memref_slice %arg3[%select_n3A_45] : memref<8000xi32, #tpu.memory_space<hbm>> -> memref<200xi32, #tpu.memory_space<hbm>>
        %dma_wait3A_237 = tpu.memref_slice %arg3[%select_n3A_45] : memref<8000xi32, #tpu.memory_space<hbm>> -> memref<200xi32, #tpu.memory_space<hbm>>
        %dma_wait3A_238 = tpu.memref_slice %arg7[%select_n3A_45] : memref<8016xi32, #tpu.memory_space<vmem>> -> memref<200xi32, #tpu.memory_space<vmem>>
        tpu.wait_dma2 semaphore(%run_scoped3A : memref<!tpu.dma_semaphore, #tpu.memory_space<semaphore_mem>>) src(%dma_wait3A_238 : memref<200xi32, #tpu.memory_space<vmem>>) dst(%dma_wait3A_237 : memref<200xi32, #tpu.memory_space<hbm>>)
        tpu.yield
      }) : () -> ()
    } else {
    }
    %convert_element_type3A_225 = arith.extui %le3A_108 : i1 to i32
    %cond3A_226 = arith.constant 0 : i32
    %cond3A_227 = arith.cmpi ne, %convert_element_type3A_225, %cond3A_226 : i32
    scf.if %cond3A_227 {
      "tpu.region"() ({
        %run_scoped3A = tpu.sem_alloc : memref<!tpu.dma_semaphore, #tpu.memory_space<semaphore_mem>>
        %dma_start3A = tpu.memref_slice %arg7[%select_n3A_106] : memref<8016xi32, #tpu.memory_space<vmem>> -> memref<200xi32, #tpu.memory_space<vmem>>
        %dma_start3A_233 = tpu.memref_slice %arg3[%select_n3A_106] : memref<8000xi32, #tpu.memory_space<hbm>> -> memref<200xi32, #tpu.memory_space<hbm>>
        %dma_start3A_234 = tpu.memref_slice %arg3[%select_n3A_106] : memref<8000xi32, #tpu.memory_space<hbm>> -> memref<200xi32, #tpu.memory_space<hbm>>
        %dma_start3A_235 = tpu.memref_slice %arg7[%select_n3A_106] : memref<8016xi32, #tpu.memory_space<vmem>> -> memref<200xi32, #tpu.memory_space<vmem>>
        tpu.enqueue_dma source(%dma_start3A_235 : memref<200xi32, #tpu.memory_space<vmem>>) target(%dma_start3A_234 : memref<200xi32, #tpu.memory_space<hbm>>) target_semaphore(%run_scoped3A : memref<!tpu.dma_semaphore, #tpu.memory_space<semaphore_mem>>)
        %dma_wait3A = tpu.memref_slice %arg7[%select_n3A_106] : memref<8016xi32, #tpu.memory_space<vmem>> -> memref<200xi32, #tpu.memory_space<vmem>>
        %dma_wait3A_236 = tpu.memref_slice %arg3[%select_n3A_106] : memref<8000xi32, #tpu.memory_space<hbm>> -> memref<200xi32, #tpu.memory_space<hbm>>
        %dma_wait3A_237 = tpu.memref_slice %arg3[%select_n3A_106] : memref<8000xi32, #tpu.memory_space<hbm>> -> memref<200xi32, #tpu.memory_space<hbm>>
        %dma_wait3A_238 = tpu.memref_slice %arg7[%select_n3A_106] : memref<8016xi32, #tpu.memory_space<vmem>> -> memref<200xi32, #tpu.memory_space<vmem>>
        tpu.wait_dma2 semaphore(%run_scoped3A : memref<!tpu.dma_semaphore, #tpu.memory_space<semaphore_mem>>) src(%dma_wait3A_238 : memref<200xi32, #tpu.memory_space<vmem>>) dst(%dma_wait3A_237 : memref<200xi32, #tpu.memory_space<hbm>>)
        tpu.yield
      }) : () -> ()
    } else {
    }
    %convert_element_type3A_228 = arith.extui %le3A_169 : i1 to i32
    %cond3A_229 = arith.constant 0 : i32
    %cond3A_230 = arith.cmpi ne, %convert_element_type3A_228, %cond3A_229 : i32
    scf.if %cond3A_230 {
      "tpu.region"() ({
        %run_scoped3A = tpu.sem_alloc : memref<!tpu.dma_semaphore, #tpu.memory_space<semaphore_mem>>
        %dma_start3A = tpu.memref_slice %arg7[%select_n3A_167] : memref<8016xi32, #tpu.memory_space<vmem>> -> memref<200xi32, #tpu.memory_space<vmem>>
        %dma_start3A_233 = tpu.memref_slice %arg3[%select_n3A_167] : memref<8000xi32, #tpu.memory_space<hbm>> -> memref<200xi32, #tpu.memory_space<hbm>>
        %dma_start3A_234 = tpu.memref_slice %arg3[%select_n3A_167] : memref<8000xi32, #tpu.memory_space<hbm>> -> memref<200xi32, #tpu.memory_space<hbm>>
        %dma_start3A_235 = tpu.memref_slice %arg7[%select_n3A_167] : memref<8016xi32, #tpu.memory_space<vmem>> -> memref<200xi32, #tpu.memory_space<vmem>>
        tpu.enqueue_dma source(%dma_start3A_235 : memref<200xi32, #tpu.memory_space<vmem>>) target(%dma_start3A_234 : memref<200xi32, #tpu.memory_space<hbm>>) target_semaphore(%run_scoped3A : memref<!tpu.dma_semaphore, #tpu.memory_space<semaphore_mem>>)
        %dma_wait3A = tpu.memref_slice %arg7[%select_n3A_167] : memref<8016xi32, #tpu.memory_space<vmem>> -> memref<200xi32, #tpu.memory_space<vmem>>
        %dma_wait3A_236 = tpu.memref_slice %arg3[%select_n3A_167] : memref<8000xi32, #tpu.memory_space<hbm>> -> memref<200xi32, #tpu.memory_space<hbm>>
        %dma_wait3A_237 = tpu.memref_slice %arg3[%select_n3A_167] : memref<8000xi32, #tpu.memory_space<hbm>> -> memref<200xi32, #tpu.memory_space<hbm>>
        %dma_wait3A_238 = tpu.memref_slice %arg7[%select_n3A_167] : memref<8016xi32, #tpu.memory_space<vmem>> -> memref<200xi32, #tpu.memory_space<vmem>>
        tpu.wait_dma2 semaphore(%run_scoped3A : memref<!tpu.dma_semaphore, #tpu.memory_space<semaphore_mem>>) src(%dma_wait3A_238 : memref<200xi32, #tpu.memory_space<vmem>>) dst(%dma_wait3A_237 : memref<200xi32, #tpu.memory_space<hbm>>)
        tpu.yield
      }) : () -> ()
    } else {
    }
    %mul3A_231 = arith.constant 16 : i32
    %mul3A_232 = arith.muli %arg1, %mul3A_231 : i32
    "tpu.region"() ({
      %run_scoped3A = tpu.sem_alloc : memref<!tpu.dma_semaphore, #tpu.memory_space<semaphore_mem>>
      %dma_start3A = tpu.memref_slice %arg4[%mul3A_232] : memref<256xi32, #tpu.memory_space<hbm>> -> memref<16xi32, #tpu.memory_space<hbm>>
      %dma_start3A_233 = tpu.memref_slice %arg4[%mul3A_232] : memref<256xi32, #tpu.memory_space<hbm>> -> memref<16xi32, #tpu.memory_space<hbm>>
      tpu.enqueue_dma source(%arg8 : memref<16xi32, #tpu.memory_space<vmem>>) target(%dma_start3A_233 : memref<16xi32, #tpu.memory_space<hbm>>) target_semaphore(%run_scoped3A : memref<!tpu.dma_semaphore, #tpu.memory_space<semaphore_mem>>)
      %dma_wait3A = tpu.memref_slice %arg4[%mul3A_232] : memref<256xi32, #tpu.memory_space<hbm>> -> memref<16xi32, #tpu.memory_space<hbm>>
      %dma_wait3A_234 = tpu.memref_slice %arg4[%mul3A_232] : memref<256xi32, #tpu.memory_space<hbm>> -> memref<16xi32, #tpu.memory_space<hbm>>
      tpu.wait_dma2 semaphore(%run_scoped3A : memref<!tpu.dma_semaphore, #tpu.memory_space<semaphore_mem>>) src(%arg8 : memref<16xi32, #tpu.memory_space<vmem>>) dst(%dma_wait3A_234 : memref<16xi32, #tpu.memory_space<hbm>>)
      tpu.yield
    }) : () -> ()
    return
  }
}

module attributes {stable_mosaic.version = 14 : i64} {
  func.func @_transpose_body(%arg0: i32, %arg1: memref<1x96x128x128xf32, #tpu.memory_space<vmem>>, %arg2: memref<16384x128xf32, #tpu.memory_space<vmem>>) attributes {dimension_semantics = [#tpu.dimension_semantics<arbitrary>], iteration_bounds = array<i64: 8>, scalar_prefetch = 0 : i64, scratch_operands = 0 : i64, tpu.core_type = #tpu.core_type<tc>, window_params = [{transform_indices = @transform_0, window_bounds = array<i64: 1, 96, 128, 128>}, {transform_indices = @transform_1, window_bounds = array<i64: 16384, 128>}]} {
    %get3A = arith.constant 0 : index
    %get3A_0 = arith.constant 0 : index
    %get3A_1 = arith.constant 0 : index
    %get3A_2 = arith.constant 0 : index
    %get3A_3 = vector.load %arg1[%get3A, %get3A_0, %get3A_1, %get3A_2] : memref<1x96x128x128xf32, #tpu.memory_space<vmem>>, vector<1x96x128x128xf32>
    %get3A_4 = vector.shape_cast %get3A_3 : vector<1x96x128x128xf32> to vector<96x128x128xf32>
    %slice3A = vector.extract_strided_slice %get3A_4 {offsets = [0, 0, 0], sizes = [96, 1, 128], strides = [1, 1, 1]} : vector<96x128x128xf32> to vector<96x1x128xf32>
    %squeeze3A = vector.shape_cast %slice3A : vector<96x1x128xf32> to vector<96x128xf32>
    %transpose3A = tpu.transpose %squeeze3A, [1, 0] : vector<96x128xf32> -> vector<128x96xf32>
    %swap3A = arith.constant 0 : index
    %swap3A_5 = arith.constant 0 : index
    %swap3A_6 = vector.load %arg2[%swap3A, %swap3A_5] : memref<16384x128xf32, #tpu.memory_space<vmem>>, vector<128x96xf32>
    tpu.vector_store %arg2[%swap3A, %swap3A_5], %transpose3A {strides = array<i32>} : memref<16384x128xf32, #tpu.memory_space<vmem>>, vector<128x96xf32>,
    %slice3A_7 = vector.extract_strided_slice %get3A_4 {offsets = [0, 1, 0], sizes = [96, 1, 128], strides = [1, 1, 1]} : vector<96x128x128xf32> to vector<96x1x128xf32>
    %squeeze3A_8 = vector.shape_cast %slice3A_7 : vector<96x1x128xf32> to vector<96x128xf32>
    %transpose3A_9 = tpu.transpose %squeeze3A_8, [1, 0] : vector<96x128xf32> -> vector<128x96xf32>
    %swap3A_10 = arith.constant 128 : index
    %swap3A_11 = arith.constant 0 : index
    %swap3A_12 = vector.load %arg2[%swap3A_10, %swap3A_11] : memref<16384x128xf32, #tpu.memory_space<vmem>>, vector<128x96xf32>
    tpu.vector_store %arg2[%swap3A_10, %swap3A_11], %transpose3A_9 {strides = array<i32>} : memref<16384x128xf32, #tpu.memory_space<vmem>>, vector<128x96xf32>,
    %slice3A_13 = vector.extract_strided_slice %get3A_4 {offsets = [0, 2, 0], sizes = [96, 1, 128], strides = [1, 1, 1]} : vector<96x128x128xf32> to vector<96x1x128xf32>
    %squeeze3A_14 = vector.shape_cast %slice3A_13 : vector<96x1x128xf32> to vector<96x128xf32>
    %transpose3A_15 = tpu.transpose %squeeze3A_14, [1, 0] : vector<96x128xf32> -> vector<128x96xf32>
    %swap3A_16 = arith.constant 256 : index
    %swap3A_17 = arith.constant 0 : index
    %swap3A_18 = vector.load %arg2[%swap3A_16, %swap3A_17] : memref<16384x128xf32, #tpu.memory_space<vmem>>, vector<128x96xf32>
    tpu.vector_store %arg2[%swap3A_16, %swap3A_17], %transpose3A_15 {strides = array<i32>} : memref<16384x128xf32, #tpu.memory_space<vmem>>, vector<128x96xf32>,
    %slice3A_19 = vector.extract_strided_slice %get3A_4 {offsets = [0, 3, 0], sizes = [96, 1, 128], strides = [1, 1, 1]} : vector<96x128x128xf32> to vector<96x1x128xf32>
    %squeeze3A_20 = vector.shape_cast %slice3A_19 : vector<96x1x128xf32> to vector<96x128xf32>
    %transpose3A_21 = tpu.transpose %squeeze3A_20, [1, 0] : vector<96x128xf32> -> vector<128x96xf32>
    %swap3A_22 = arith.constant 384 : index
    %swap3A_23 = arith.constant 0 : index
    %swap3A_24 = vector.load %arg2[%swap3A_22, %swap3A_23] : memref<16384x128xf32, #tpu.memory_space<vmem>>, vector<128x96xf32>
    tpu.vector_store %arg2[%swap3A_22, %swap3A_23], %transpose3A_21 {strides = array<i32>} : memref<16384x128xf32, #tpu.memory_space<vmem>>, vector<128x96xf32>,
    %slice3A_25 = vector.extract_strided_slice %get3A_4 {offsets = [0, 4, 0], sizes = [96, 1, 128], strides = [1, 1, 1]} : vector<96x128x128xf32> to vector<96x1x128xf32>
    %squeeze3A_26 = vector.shape_cast %slice3A_25 : vector<96x1x128xf32> to vector<96x128xf32>
    %transpose3A_27 = tpu.transpose %squeeze3A_26, [1, 0] : vector<96x128xf32> -> vector<128x96xf32>
    %swap3A_28 = arith.constant 512 : index
    %swap3A_29 = arith.constant 0 : index
    %swap3A_30 = vector.load %arg2[%swap3A_28, %swap3A_29] : memref<16384x128xf32, #tpu.memory_space<vmem>>, vector<128x96xf32>
    tpu.vector_store %arg2[%swap3A_28, %swap3A_29], %transpose3A_27 {strides = array<i32>} : memref<16384x128xf32, #tpu.memory_space<vmem>>, vector<128x96xf32>,
    %slice3A_31 = vector.extract_strided_slice %get3A_4 {offsets = [0, 5, 0], sizes = [96, 1, 128], strides = [1, 1, 1]} : vector<96x128x128xf32> to vector<96x1x128xf32>
    %squeeze3A_32 = vector.shape_cast %slice3A_31 : vector<96x1x128xf32> to vector<96x128xf32>
    %transpose3A_33 = tpu.transpose %squeeze3A_32, [1, 0] : vector<96x128xf32> -> vector<128x96xf32>
    %swap3A_34 = arith.constant 640 : index
    %swap3A_35 = arith.constant 0 : index
    %swap3A_36 = vector.load %arg2[%swap3A_34, %swap3A_35] : memref<16384x128xf32, #tpu.memory_space<vmem>>, vector<128x96xf32>
    tpu.vector_store %arg2[%swap3A_34, %swap3A_35], %transpose3A_33 {strides = array<i32>} : memref<16384x128xf32, #tpu.memory_space<vmem>>, vector<128x96xf32>,
    %slice3A_37 = vector.extract_strided_slice %get3A_4 {offsets = [0, 6, 0], sizes = [96, 1, 128], strides = [1, 1, 1]} : vector<96x128x128xf32> to vector<96x1x128xf32>
    %squeeze3A_38 = vector.shape_cast %slice3A_37 : vector<96x1x128xf32> to vector<96x128xf32>
    %transpose3A_39 = tpu.transpose %squeeze3A_38, [1, 0] : vector<96x128xf32> -> vector<128x96xf32>
    %swap3A_40 = arith.constant 768 : index
    %swap3A_41 = arith.constant 0 : index
    %swap3A_42 = vector.load %arg2[%swap3A_40, %swap3A_41] : memref<16384x128xf32, #tpu.memory_space<vmem>>, vector<128x96xf32>
    tpu.vector_store %arg2[%swap3A_40, %swap3A_41], %transpose3A_39 {strides = array<i32>} : memref<16384x128xf32, #tpu.memory_space<vmem>>, vector<128x96xf32>,
    %slice3A_43 = vector.extract_strided_slice %get3A_4 {offsets = [0, 7, 0], sizes = [96, 1, 128], strides = [1, 1, 1]} : vector<96x128x128xf32> to vector<96x1x128xf32>
    %squeeze3A_44 = vector.shape_cast %slice3A_43 : vector<96x1x128xf32> to vector<96x128xf32>
    %transpose3A_45 = tpu.transpose %squeeze3A_44, [1, 0] : vector<96x128xf32> -> vector<128x96xf32>
    %swap3A_46 = arith.constant 896 : index
    %swap3A_47 = arith.constant 0 : index
    %swap3A_48 = vector.load %arg2[%swap3A_46, %swap3A_47] : memref<16384x128xf32, #tpu.memory_space<vmem>>, vector<128x96xf32>
    tpu.vector_store %arg2[%swap3A_46, %swap3A_47], %transpose3A_45 {strides = array<i32>} : memref<16384x128xf32, #tpu.memory_space<vmem>>, vector<128x96xf32>,
    %slice3A_49 = vector.extract_strided_slice %get3A_4 {offsets = [0, 8, 0], sizes = [96, 1, 128], strides = [1, 1, 1]} : vector<96x128x128xf32> to vector<96x1x128xf32>
    %squeeze3A_50 = vector.shape_cast %slice3A_49 : vector<96x1x128xf32> to vector<96x128xf32>
    %transpose3A_51 = tpu.transpose %squeeze3A_50, [1, 0] : vector<96x128xf32> -> vector<128x96xf32>
    %swap3A_52 = arith.constant 1024 : index
    %swap3A_53 = arith.constant 0 : index
    %swap3A_54 = vector.load %arg2[%swap3A_52, %swap3A_53] : memref<16384x128xf32, #tpu.memory_space<vmem>>, vector<128x96xf32>
    tpu.vector_store %arg2[%swap3A_52, %swap3A_53], %transpose3A_51 {strides = array<i32>} : memref<16384x128xf32, #tpu.memory_space<vmem>>, vector<128x96xf32>,
    %slice3A_55 = vector.extract_strided_slice %get3A_4 {offsets = [0, 9, 0], sizes = [96, 1, 128], strides = [1, 1, 1]} : vector<96x128x128xf32> to vector<96x1x128xf32>
    %squeeze3A_56 = vector.shape_cast %slice3A_55 : vector<96x1x128xf32> to vector<96x128xf32>
    %transpose3A_57 = tpu.transpose %squeeze3A_56, [1, 0] : vector<96x128xf32> -> vector<128x96xf32>
    %swap3A_58 = arith.constant 1152 : index
    %swap3A_59 = arith.constant 0 : index
    %swap3A_60 = vector.load %arg2[%swap3A_58, %swap3A_59] : memref<16384x128xf32, #tpu.memory_space<vmem>>, vector<128x96xf32>
    tpu.vector_store %arg2[%swap3A_58, %swap3A_59], %transpose3A_57 {strides = array<i32>} : memref<16384x128xf32, #tpu.memory_space<vmem>>, vector<128x96xf32>,
    %slice3A_61 = vector.extract_strided_slice %get3A_4 {offsets = [0, 10, 0], sizes = [96, 1, 128], strides = [1, 1, 1]} : vector<96x128x128xf32> to vector<96x1x128xf32>
    %squeeze3A_62 = vector.shape_cast %slice3A_61 : vector<96x1x128xf32> to vector<96x128xf32>
    %transpose3A_63 = tpu.transpose %squeeze3A_62, [1, 0] : vector<96x128xf32> -> vector<128x96xf32>
    %swap3A_64 = arith.constant 1280 : index
    %swap3A_65 = arith.constant 0 : index
    %swap3A_66 = vector.load %arg2[%swap3A_64, %swap3A_65] : memref<16384x128xf32, #tpu.memory_space<vmem>>, vector<128x96xf32>
    tpu.vector_store %arg2[%swap3A_64, %swap3A_65], %transpose3A_63 {strides = array<i32>} : memref<16384x128xf32, #tpu.memory_space<vmem>>, vector<128x96xf32>,
    %slice3A_67 = vector.extract_strided_slice %get3A_4 {offsets = [0, 11, 0], sizes = [96, 1, 128], strides = [1, 1, 1]} : vector<96x128x128xf32> to vector<96x1x128xf32>
    %squeeze3A_68 = vector.shape_cast %slice3A_67 : vector<96x1x128xf32> to vector<96x128xf32>
    %transpose3A_69 = tpu.transpose %squeeze3A_68, [1, 0] : vector<96x128xf32> -> vector<128x96xf32>
    %swap3A_70 = arith.constant 1408 : index
    %swap3A_71 = arith.constant 0 : index
    %swap3A_72 = vector.load %arg2[%swap3A_70, %swap3A_71] : memref<16384x128xf32, #tpu.memory_space<vmem>>, vector<128x96xf32>
    tpu.vector_store %arg2[%swap3A_70, %swap3A_71], %transpose3A_69 {strides = array<i32>} : memref<16384x128xf32, #tpu.memory_space<vmem>>, vector<128x96xf32>,
    %slice3A_73 = vector.extract_strided_slice %get3A_4 {offsets = [0, 12, 0], sizes = [96, 1, 128], strides = [1, 1, 1]} : vector<96x128x128xf32> to vector<96x1x128xf32>
    %squeeze3A_74 = vector.shape_cast %slice3A_73 : vector<96x1x128xf32> to vector<96x128xf32>
    %transpose3A_75 = tpu.transpose %squeeze3A_74, [1, 0] : vector<96x128xf32> -> vector<128x96xf32>
    %swap3A_76 = arith.constant 1536 : index
    %swap3A_77 = arith.constant 0 : index
    %swap3A_78 = vector.load %arg2[%swap3A_76, %swap3A_77] : memref<16384x128xf32, #tpu.memory_space<vmem>>, vector<128x96xf32>
    tpu.vector_store %arg2[%swap3A_76, %swap3A_77], %transpose3A_75 {strides = array<i32>} : memref<16384x128xf32, #tpu.memory_space<vmem>>, vector<128x96xf32>,
    %slice3A_79 = vector.extract_strided_slice %get3A_4 {offsets = [0, 13, 0], sizes = [96, 1, 128], strides = [1, 1, 1]} : vector<96x128x128xf32> to vector<96x1x128xf32>
    %squeeze3A_80 = vector.shape_cast %slice3A_79 : vector<96x1x128xf32> to vector<96x128xf32>
    %transpose3A_81 = tpu.transpose %squeeze3A_80, [1, 0] : vector<96x128xf32> -> vector<128x96xf32>
    %swap3A_82 = arith.constant 1664 : index
    %swap3A_83 = arith.constant 0 : index
    %swap3A_84 = vector.load %arg2[%swap3A_82, %swap3A_83] : memref<16384x128xf32, #tpu.memory_space<vmem>>, vector<128x96xf32>
    tpu.vector_store %arg2[%swap3A_82, %swap3A_83], %transpose3A_81 {strides = array<i32>} : memref<16384x128xf32, #tpu.memory_space<vmem>>, vector<128x96xf32>,
    %slice3A_85 = vector.extract_strided_slice %get3A_4 {offsets = [0, 14, 0], sizes = [96, 1, 128], strides = [1, 1, 1]} : vector<96x128x128xf32> to vector<96x1x128xf32>
    %squeeze3A_86 = vector.shape_cast %slice3A_85 : vector<96x1x128xf32> to vector<96x128xf32>
    %transpose3A_87 = tpu.transpose %squeeze3A_86, [1, 0] : vector<96x128xf32> -> vector<128x96xf32>
    %swap3A_88 = arith.constant 1792 : index
    %swap3A_89 = arith.constant 0 : index
    %swap3A_90 = vector.load %arg2[%swap3A_88, %swap3A_89] : memref<16384x128xf32, #tpu.memory_space<vmem>>, vector<128x96xf32>
    tpu.vector_store %arg2[%swap3A_88, %swap3A_89], %transpose3A_87 {strides = array<i32>} : memref<16384x128xf32, #tpu.memory_space<vmem>>, vector<128x96xf32>,
    %slice3A_91 = vector.extract_strided_slice %get3A_4 {offsets = [0, 15, 0], sizes = [96, 1, 128], strides = [1, 1, 1]} : vector<96x128x128xf32> to vector<96x1x128xf32>
    %squeeze3A_92 = vector.shape_cast %slice3A_91 : vector<96x1x128xf32> to vector<96x128xf32>
    %transpose3A_93 = tpu.transpose %squeeze3A_92, [1, 0] : vector<96x128xf32> -> vector<128x96xf32>
    %swap3A_94 = arith.constant 1920 : index
    %swap3A_95 = arith.constant 0 : index
    %swap3A_96 = vector.load %arg2[%swap3A_94, %swap3A_95] : memref<16384x128xf32, #tpu.memory_space<vmem>>, vector<128x96xf32>
    tpu.vector_store %arg2[%swap3A_94, %swap3A_95], %transpose3A_93 {strides = array<i32>} : memref<16384x128xf32, #tpu.memory_space<vmem>>, vector<128x96xf32>,
    %slice3A_97 = vector.extract_strided_slice %get3A_4 {offsets = [0, 16, 0], sizes = [96, 1, 128], strides = [1, 1, 1]} : vector<96x128x128xf32> to vector<96x1x128xf32>
    %squeeze3A_98 = vector.shape_cast %slice3A_97 : vector<96x1x128xf32> to vector<96x128xf32>
    %transpose3A_99 = tpu.transpose %squeeze3A_98, [1, 0] : vector<96x128xf32> -> vector<128x96xf32>
    %swap3A_100 = arith.constant 2048 : index
    %swap3A_101 = arith.constant 0 : index
    %swap3A_102 = vector.load %arg2[%swap3A_100, %swap3A_101] : memref<16384x128xf32, #tpu.memory_space<vmem>>, vector<128x96xf32>
    tpu.vector_store %arg2[%swap3A_100, %swap3A_101], %transpose3A_99 {strides = array<i32>} : memref<16384x128xf32, #tpu.memory_space<vmem>>, vector<128x96xf32>,
    %slice3A_103 = vector.extract_strided_slice %get3A_4 {offsets = [0, 17, 0], sizes = [96, 1, 128], strides = [1, 1, 1]} : vector<96x128x128xf32> to vector<96x1x128xf32>
    %squeeze3A_104 = vector.shape_cast %slice3A_103 : vector<96x1x128xf32> to vector<96x128xf32>
    %transpose3A_105 = tpu.transpose %squeeze3A_104, [1, 0] : vector<96x128xf32> -> vector<128x96xf32>
    %swap3A_106 = arith.constant 2176 : index
    %swap3A_107 = arith.constant 0 : index
    %swap3A_108 = vector.load %arg2[%swap3A_106, %swap3A_107] : memref<16384x128xf32, #tpu.memory_space<vmem>>, vector<128x96xf32>
    tpu.vector_store %arg2[%swap3A_106, %swap3A_107], %transpose3A_105 {strides = array<i32>} : memref<16384x128xf32, #tpu.memory_space<vmem>>, vector<128x96xf32>,
    %slice3A_109 = vector.extract_strided_slice %get3A_4 {offsets = [0, 18, 0], sizes = [96, 1, 128], strides = [1, 1, 1]} : vector<96x128x128xf32> to vector<96x1x128xf32>
    %squeeze3A_110 = vector.shape_cast %slice3A_109 : vector<96x1x128xf32> to vector<96x128xf32>
    %transpose3A_111 = tpu.transpose %squeeze3A_110, [1, 0] : vector<96x128xf32> -> vector<128x96xf32>
    %swap3A_112 = arith.constant 2304 : index
    %swap3A_113 = arith.constant 0 : index
    %swap3A_114 = vector.load %arg2[%swap3A_112, %swap3A_113] : memref<16384x128xf32, #tpu.memory_space<vmem>>, vector<128x96xf32>
    tpu.vector_store %arg2[%swap3A_112, %swap3A_113], %transpose3A_111 {strides = array<i32>} : memref<16384x128xf32, #tpu.memory_space<vmem>>, vector<128x96xf32>,
    %slice3A_115 = vector.extract_strided_slice %get3A_4 {offsets = [0, 19, 0], sizes = [96, 1, 128], strides = [1, 1, 1]} : vector<96x128x128xf32> to vector<96x1x128xf32>
    %squeeze3A_116 = vector.shape_cast %slice3A_115 : vector<96x1x128xf32> to vector<96x128xf32>
    %transpose3A_117 = tpu.transpose %squeeze3A_116, [1, 0] : vector<96x128xf32> -> vector<128x96xf32>
    %swap3A_118 = arith.constant 2432 : index
    %swap3A_119 = arith.constant 0 : index
    %swap3A_120 = vector.load %arg2[%swap3A_118, %swap3A_119] : memref<16384x128xf32, #tpu.memory_space<vmem>>, vector<128x96xf32>
    tpu.vector_store %arg2[%swap3A_118, %swap3A_119], %transpose3A_117 {strides = array<i32>} : memref<16384x128xf32, #tpu.memory_space<vmem>>, vector<128x96xf32>,
    %slice3A_121 = vector.extract_strided_slice %get3A_4 {offsets = [0, 20, 0], sizes = [96, 1, 128], strides = [1, 1, 1]} : vector<96x128x128xf32> to vector<96x1x128xf32>
    %squeeze3A_122 = vector.shape_cast %slice3A_121 : vector<96x1x128xf32> to vector<96x128xf32>
    %transpose3A_123 = tpu.transpose %squeeze3A_122, [1, 0] : vector<96x128xf32> -> vector<128x96xf32>
    %swap3A_124 = arith.constant 2560 : index
    %swap3A_125 = arith.constant 0 : index
    %swap3A_126 = vector.load %arg2[%swap3A_124, %swap3A_125] : memref<16384x128xf32, #tpu.memory_space<vmem>>, vector<128x96xf32>
    tpu.vector_store %arg2[%swap3A_124, %swap3A_125], %transpose3A_123 {strides = array<i32>} : memref<16384x128xf32, #tpu.memory_space<vmem>>, vector<128x96xf32>,
    %slice3A_127 = vector.extract_strided_slice %get3A_4 {offsets = [0, 21, 0], sizes = [96, 1, 128], strides = [1, 1, 1]} : vector<96x128x128xf32> to vector<96x1x128xf32>
    %squeeze3A_128 = vector.shape_cast %slice3A_127 : vector<96x1x128xf32> to vector<96x128xf32>
    %transpose3A_129 = tpu.transpose %squeeze3A_128, [1, 0] : vector<96x128xf32> -> vector<128x96xf32>
    %swap3A_130 = arith.constant 2688 : index
    %swap3A_131 = arith.constant 0 : index
    %swap3A_132 = vector.load %arg2[%swap3A_130, %swap3A_131] : memref<16384x128xf32, #tpu.memory_space<vmem>>, vector<128x96xf32>
    tpu.vector_store %arg2[%swap3A_130, %swap3A_131], %transpose3A_129 {strides = array<i32>} : memref<16384x128xf32, #tpu.memory_space<vmem>>, vector<128x96xf32>,
    %slice3A_133 = vector.extract_strided_slice %get3A_4 {offsets = [0, 22, 0], sizes = [96, 1, 128], strides = [1, 1, 1]} : vector<96x128x128xf32> to vector<96x1x128xf32>
    %squeeze3A_134 = vector.shape_cast %slice3A_133 : vector<96x1x128xf32> to vector<96x128xf32>
    %transpose3A_135 = tpu.transpose %squeeze3A_134, [1, 0] : vector<96x128xf32> -> vector<128x96xf32>
    %swap3A_136 = arith.constant 2816 : index
    %swap3A_137 = arith.constant 0 : index
    %swap3A_138 = vector.load %arg2[%swap3A_136, %swap3A_137] : memref<16384x128xf32, #tpu.memory_space<vmem>>, vector<128x96xf32>
    tpu.vector_store %arg2[%swap3A_136, %swap3A_137], %transpose3A_135 {strides = array<i32>} : memref<16384x128xf32, #tpu.memory_space<vmem>>, vector<128x96xf32>,
    %slice3A_139 = vector.extract_strided_slice %get3A_4 {offsets = [0, 23, 0], sizes = [96, 1, 128], strides = [1, 1, 1]} : vector<96x128x128xf32> to vector<96x1x128xf32>
    %squeeze3A_140 = vector.shape_cast %slice3A_139 : vector<96x1x128xf32> to vector<96x128xf32>
    %transpose3A_141 = tpu.transpose %squeeze3A_140, [1, 0] : vector<96x128xf32> -> vector<128x96xf32>
    %swap3A_142 = arith.constant 2944 : index
    %swap3A_143 = arith.constant 0 : index
    %swap3A_144 = vector.load %arg2[%swap3A_142, %swap3A_143] : memref<16384x128xf32, #tpu.memory_space<vmem>>, vector<128x96xf32>
    tpu.vector_store %arg2[%swap3A_142, %swap3A_143], %transpose3A_141 {strides = array<i32>} : memref<16384x128xf32, #tpu.memory_space<vmem>>, vector<128x96xf32>,
    %slice3A_145 = vector.extract_strided_slice %get3A_4 {offsets = [0, 24, 0], sizes = [96, 1, 128], strides = [1, 1, 1]} : vector<96x128x128xf32> to vector<96x1x128xf32>
    %squeeze3A_146 = vector.shape_cast %slice3A_145 : vector<96x1x128xf32> to vector<96x128xf32>
    %transpose3A_147 = tpu.transpose %squeeze3A_146, [1, 0] : vector<96x128xf32> -> vector<128x96xf32>
    %swap3A_148 = arith.constant 3072 : index
    %swap3A_149 = arith.constant 0 : index
    %swap3A_150 = vector.load %arg2[%swap3A_148, %swap3A_149] : memref<16384x128xf32, #tpu.memory_space<vmem>>, vector<128x96xf32>
    tpu.vector_store %arg2[%swap3A_148, %swap3A_149], %transpose3A_147 {strides = array<i32>} : memref<16384x128xf32, #tpu.memory_space<vmem>>, vector<128x96xf32>,
    %slice3A_151 = vector.extract_strided_slice %get3A_4 {offsets = [0, 25, 0], sizes = [96, 1, 128], strides = [1, 1, 1]} : vector<96x128x128xf32> to vector<96x1x128xf32>
    %squeeze3A_152 = vector.shape_cast %slice3A_151 : vector<96x1x128xf32> to vector<96x128xf32>
    %transpose3A_153 = tpu.transpose %squeeze3A_152, [1, 0] : vector<96x128xf32> -> vector<128x96xf32>
    %swap3A_154 = arith.constant 3200 : index
    %swap3A_155 = arith.constant 0 : index
    %swap3A_156 = vector.load %arg2[%swap3A_154, %swap3A_155] : memref<16384x128xf32, #tpu.memory_space<vmem>>, vector<128x96xf32>
    tpu.vector_store %arg2[%swap3A_154, %swap3A_155], %transpose3A_153 {strides = array<i32>} : memref<16384x128xf32, #tpu.memory_space<vmem>>, vector<128x96xf32>,
    %slice3A_157 = vector.extract_strided_slice %get3A_4 {offsets = [0, 26, 0], sizes = [96, 1, 128], strides = [1, 1, 1]} : vector<96x128x128xf32> to vector<96x1x128xf32>
    %squeeze3A_158 = vector.shape_cast %slice3A_157 : vector<96x1x128xf32> to vector<96x128xf32>
    %transpose3A_159 = tpu.transpose %squeeze3A_158, [1, 0] : vector<96x128xf32> -> vector<128x96xf32>
    %swap3A_160 = arith.constant 3328 : index
    %swap3A_161 = arith.constant 0 : index
    %swap3A_162 = vector.load %arg2[%swap3A_160, %swap3A_161] : memref<16384x128xf32, #tpu.memory_space<vmem>>, vector<128x96xf32>
    tpu.vector_store %arg2[%swap3A_160, %swap3A_161], %transpose3A_159 {strides = array<i32>} : memref<16384x128xf32, #tpu.memory_space<vmem>>, vector<128x96xf32>,
    %slice3A_163 = vector.extract_strided_slice %get3A_4 {offsets = [0, 27, 0], sizes = [96, 1, 128], strides = [1, 1, 1]} : vector<96x128x128xf32> to vector<96x1x128xf32>
    %squeeze3A_164 = vector.shape_cast %slice3A_163 : vector<96x1x128xf32> to vector<96x128xf32>
    %transpose3A_165 = tpu.transpose %squeeze3A_164, [1, 0] : vector<96x128xf32> -> vector<128x96xf32>
    %swap3A_166 = arith.constant 3456 : index
    %swap3A_167 = arith.constant 0 : index
    %swap3A_168 = vector.load %arg2[%swap3A_166, %swap3A_167] : memref<16384x128xf32, #tpu.memory_space<vmem>>, vector<128x96xf32>
    tpu.vector_store %arg2[%swap3A_166, %swap3A_167], %transpose3A_165 {strides = array<i32>} : memref<16384x128xf32, #tpu.memory_space<vmem>>, vector<128x96xf32>,
    %slice3A_169 = vector.extract_strided_slice %get3A_4 {offsets = [0, 28, 0], sizes = [96, 1, 128], strides = [1, 1, 1]} : vector<96x128x128xf32> to vector<96x1x128xf32>
    %squeeze3A_170 = vector.shape_cast %slice3A_169 : vector<96x1x128xf32> to vector<96x128xf32>
    %transpose3A_171 = tpu.transpose %squeeze3A_170, [1, 0] : vector<96x128xf32> -> vector<128x96xf32>
    %swap3A_172 = arith.constant 3584 : index
    %swap3A_173 = arith.constant 0 : index
    %swap3A_174 = vector.load %arg2[%swap3A_172, %swap3A_173] : memref<16384x128xf32, #tpu.memory_space<vmem>>, vector<128x96xf32>
    tpu.vector_store %arg2[%swap3A_172, %swap3A_173], %transpose3A_171 {strides = array<i32>} : memref<16384x128xf32, #tpu.memory_space<vmem>>, vector<128x96xf32>,
    %slice3A_175 = vector.extract_strided_slice %get3A_4 {offsets = [0, 29, 0], sizes = [96, 1, 128], strides = [1, 1, 1]} : vector<96x128x128xf32> to vector<96x1x128xf32>
    %squeeze3A_176 = vector.shape_cast %slice3A_175 : vector<96x1x128xf32> to vector<96x128xf32>
    %transpose3A_177 = tpu.transpose %squeeze3A_176, [1, 0] : vector<96x128xf32> -> vector<128x96xf32>
    %swap3A_178 = arith.constant 3712 : index
    %swap3A_179 = arith.constant 0 : index
    %swap3A_180 = vector.load %arg2[%swap3A_178, %swap3A_179] : memref<16384x128xf32, #tpu.memory_space<vmem>>, vector<128x96xf32>
    tpu.vector_store %arg2[%swap3A_178, %swap3A_179], %transpose3A_177 {strides = array<i32>} : memref<16384x128xf32, #tpu.memory_space<vmem>>, vector<128x96xf32>,
    %slice3A_181 = vector.extract_strided_slice %get3A_4 {offsets = [0, 30, 0], sizes = [96, 1, 128], strides = [1, 1, 1]} : vector<96x128x128xf32> to vector<96x1x128xf32>
    %squeeze3A_182 = vector.shape_cast %slice3A_181 : vector<96x1x128xf32> to vector<96x128xf32>
    %transpose3A_183 = tpu.transpose %squeeze3A_182, [1, 0] : vector<96x128xf32> -> vector<128x96xf32>
    %swap3A_184 = arith.constant 3840 : index
    %swap3A_185 = arith.constant 0 : index
    %swap3A_186 = vector.load %arg2[%swap3A_184, %swap3A_185] : memref<16384x128xf32, #tpu.memory_space<vmem>>, vector<128x96xf32>
    tpu.vector_store %arg2[%swap3A_184, %swap3A_185], %transpose3A_183 {strides = array<i32>} : memref<16384x128xf32, #tpu.memory_space<vmem>>, vector<128x96xf32>,
    %slice3A_187 = vector.extract_strided_slice %get3A_4 {offsets = [0, 31, 0], sizes = [96, 1, 128], strides = [1, 1, 1]} : vector<96x128x128xf32> to vector<96x1x128xf32>
    %squeeze3A_188 = vector.shape_cast %slice3A_187 : vector<96x1x128xf32> to vector<96x128xf32>
    %transpose3A_189 = tpu.transpose %squeeze3A_188, [1, 0] : vector<96x128xf32> -> vector<128x96xf32>
    %swap3A_190 = arith.constant 3968 : index
    %swap3A_191 = arith.constant 0 : index
    %swap3A_192 = vector.load %arg2[%swap3A_190, %swap3A_191] : memref<16384x128xf32, #tpu.memory_space<vmem>>, vector<128x96xf32>
    tpu.vector_store %arg2[%swap3A_190, %swap3A_191], %transpose3A_189 {strides = array<i32>} : memref<16384x128xf32, #tpu.memory_space<vmem>>, vector<128x96xf32>,
    %slice3A_193 = vector.extract_strided_slice %get3A_4 {offsets = [0, 32, 0], sizes = [96, 1, 128], strides = [1, 1, 1]} : vector<96x128x128xf32> to vector<96x1x128xf32>
    %squeeze3A_194 = vector.shape_cast %slice3A_193 : vector<96x1x128xf32> to vector<96x128xf32>
    %transpose3A_195 = tpu.transpose %squeeze3A_194, [1, 0] : vector<96x128xf32> -> vector<128x96xf32>
    %swap3A_196 = arith.constant 4096 : index
    %swap3A_197 = arith.constant 0 : index
    %swap3A_198 = vector.load %arg2[%swap3A_196, %swap3A_197] : memref<16384x128xf32, #tpu.memory_space<vmem>>, vector<128x96xf32>
    tpu.vector_store %arg2[%swap3A_196, %swap3A_197], %transpose3A_195 {strides = array<i32>} : memref<16384x128xf32, #tpu.memory_space<vmem>>, vector<128x96xf32>,
    %slice3A_199 = vector.extract_strided_slice %get3A_4 {offsets = [0, 33, 0], sizes = [96, 1, 128], strides = [1, 1, 1]} : vector<96x128x128xf32> to vector<96x1x128xf32>
    %squeeze3A_200 = vector.shape_cast %slice3A_199 : vector<96x1x128xf32> to vector<96x128xf32>
    %transpose3A_201 = tpu.transpose %squeeze3A_200, [1, 0] : vector<96x128xf32> -> vector<128x96xf32>
    %swap3A_202 = arith.constant 4224 : index
    %swap3A_203 = arith.constant 0 : index
    %swap3A_204 = vector.load %arg2[%swap3A_202, %swap3A_203] : memref<16384x128xf32, #tpu.memory_space<vmem>>, vector<128x96xf32>
    tpu.vector_store %arg2[%swap3A_202, %swap3A_203], %transpose3A_201 {strides = array<i32>} : memref<16384x128xf32, #tpu.memory_space<vmem>>, vector<128x96xf32>,
    %slice3A_205 = vector.extract_strided_slice %get3A_4 {offsets = [0, 34, 0], sizes = [96, 1, 128], strides = [1, 1, 1]} : vector<96x128x128xf32> to vector<96x1x128xf32>
    %squeeze3A_206 = vector.shape_cast %slice3A_205 : vector<96x1x128xf32> to vector<96x128xf32>
    %transpose3A_207 = tpu.transpose %squeeze3A_206, [1, 0] : vector<96x128xf32> -> vector<128x96xf32>
    %swap3A_208 = arith.constant 4352 : index
    %swap3A_209 = arith.constant 0 : index
    %swap3A_210 = vector.load %arg2[%swap3A_208, %swap3A_209] : memref<16384x128xf32, #tpu.memory_space<vmem>>, vector<128x96xf32>
    tpu.vector_store %arg2[%swap3A_208, %swap3A_209], %transpose3A_207 {strides = array<i32>} : memref<16384x128xf32, #tpu.memory_space<vmem>>, vector<128x96xf32>,
    %slice3A_211 = vector.extract_strided_slice %get3A_4 {offsets = [0, 35, 0], sizes = [96, 1, 128], strides = [1, 1, 1]} : vector<96x128x128xf32> to vector<96x1x128xf32>
    %squeeze3A_212 = vector.shape_cast %slice3A_211 : vector<96x1x128xf32> to vector<96x128xf32>
    %transpose3A_213 = tpu.transpose %squeeze3A_212, [1, 0] : vector<96x128xf32> -> vector<128x96xf32>
    %swap3A_214 = arith.constant 4480 : index
    %swap3A_215 = arith.constant 0 : index
    %swap3A_216 = vector.load %arg2[%swap3A_214, %swap3A_215] : memref<16384x128xf32, #tpu.memory_space<vmem>>, vector<128x96xf32>
    tpu.vector_store %arg2[%swap3A_214, %swap3A_215], %transpose3A_213 {strides = array<i32>} : memref<16384x128xf32, #tpu.memory_space<vmem>>, vector<128x96xf32>,
    %slice3A_217 = vector.extract_strided_slice %get3A_4 {offsets = [0, 36, 0], sizes = [96, 1, 128], strides = [1, 1, 1]} : vector<96x128x128xf32> to vector<96x1x128xf32>
    %squeeze3A_218 = vector.shape_cast %slice3A_217 : vector<96x1x128xf32> to vector<96x128xf32>
    %transpose3A_219 = tpu.transpose %squeeze3A_218, [1, 0] : vector<96x128xf32> -> vector<128x96xf32>
    %swap3A_220 = arith.constant 4608 : index
    %swap3A_221 = arith.constant 0 : index
    %swap3A_222 = vector.load %arg2[%swap3A_220, %swap3A_221] : memref<16384x128xf32, #tpu.memory_space<vmem>>, vector<128x96xf32>
    tpu.vector_store %arg2[%swap3A_220, %swap3A_221], %transpose3A_219 {strides = array<i32>} : memref<16384x128xf32, #tpu.memory_space<vmem>>, vector<128x96xf32>,
    %slice3A_223 = vector.extract_strided_slice %get3A_4 {offsets = [0, 37, 0], sizes = [96, 1, 128], strides = [1, 1, 1]} : vector<96x128x128xf32> to vector<96x1x128xf32>
    %squeeze3A_224 = vector.shape_cast %slice3A_223 : vector<96x1x128xf32> to vector<96x128xf32>
    %transpose3A_225 = tpu.transpose %squeeze3A_224, [1, 0] : vector<96x128xf32> -> vector<128x96xf32>
    %swap3A_226 = arith.constant 4736 : index
    %swap3A_227 = arith.constant 0 : index
    %swap3A_228 = vector.load %arg2[%swap3A_226, %swap3A_227] : memref<16384x128xf32, #tpu.memory_space<vmem>>, vector<128x96xf32>
    tpu.vector_store %arg2[%swap3A_226, %swap3A_227], %transpose3A_225 {strides = array<i32>} : memref<16384x128xf32, #tpu.memory_space<vmem>>, vector<128x96xf32>,
    %slice3A_229 = vector.extract_strided_slice %get3A_4 {offsets = [0, 38, 0], sizes = [96, 1, 128], strides = [1, 1, 1]} : vector<96x128x128xf32> to vector<96x1x128xf32>
    %squeeze3A_230 = vector.shape_cast %slice3A_229 : vector<96x1x128xf32> to vector<96x128xf32>
    %transpose3A_231 = tpu.transpose %squeeze3A_230, [1, 0] : vector<96x128xf32> -> vector<128x96xf32>
    %swap3A_232 = arith.constant 4864 : index
    %swap3A_233 = arith.constant 0 : index
    %swap3A_234 = vector.load %arg2[%swap3A_232, %swap3A_233] : memref<16384x128xf32, #tpu.memory_space<vmem>>, vector<128x96xf32>
    tpu.vector_store %arg2[%swap3A_232, %swap3A_233], %transpose3A_231 {strides = array<i32>} : memref<16384x128xf32, #tpu.memory_space<vmem>>, vector<128x96xf32>,
    %slice3A_235 = vector.extract_strided_slice %get3A_4 {offsets = [0, 39, 0], sizes = [96, 1, 128], strides = [1, 1, 1]} : vector<96x128x128xf32> to vector<96x1x128xf32>
    %squeeze3A_236 = vector.shape_cast %slice3A_235 : vector<96x1x128xf32> to vector<96x128xf32>
    %transpose3A_237 = tpu.transpose %squeeze3A_236, [1, 0] : vector<96x128xf32> -> vector<128x96xf32>
    %swap3A_238 = arith.constant 4992 : index
    %swap3A_239 = arith.constant 0 : index
    %swap3A_240 = vector.load %arg2[%swap3A_238, %swap3A_239] : memref<16384x128xf32, #tpu.memory_space<vmem>>, vector<128x96xf32>
    tpu.vector_store %arg2[%swap3A_238, %swap3A_239], %transpose3A_237 {strides = array<i32>} : memref<16384x128xf32, #tpu.memory_space<vmem>>, vector<128x96xf32>,
    %slice3A_241 = vector.extract_strided_slice %get3A_4 {offsets = [0, 40, 0], sizes = [96, 1, 128], strides = [1, 1, 1]} : vector<96x128x128xf32> to vector<96x1x128xf32>
    %squeeze3A_242 = vector.shape_cast %slice3A_241 : vector<96x1x128xf32> to vector<96x128xf32>
    %transpose3A_243 = tpu.transpose %squeeze3A_242, [1, 0] : vector<96x128xf32> -> vector<128x96xf32>
    %swap3A_244 = arith.constant 5120 : index
    %swap3A_245 = arith.constant 0 : index
    %swap3A_246 = vector.load %arg2[%swap3A_244, %swap3A_245] : memref<16384x128xf32, #tpu.memory_space<vmem>>, vector<128x96xf32>
    tpu.vector_store %arg2[%swap3A_244, %swap3A_245], %transpose3A_243 {strides = array<i32>} : memref<16384x128xf32, #tpu.memory_space<vmem>>, vector<128x96xf32>,
    %slice3A_247 = vector.extract_strided_slice %get3A_4 {offsets = [0, 41, 0], sizes = [96, 1, 128], strides = [1, 1, 1]} : vector<96x128x128xf32> to vector<96x1x128xf32>
    %squeeze3A_248 = vector.shape_cast %slice3A_247 : vector<96x1x128xf32> to vector<96x128xf32>
    %transpose3A_249 = tpu.transpose %squeeze3A_248, [1, 0] : vector<96x128xf32> -> vector<128x96xf32>
    %swap3A_250 = arith.constant 5248 : index
    %swap3A_251 = arith.constant 0 : index
    %swap3A_252 = vector.load %arg2[%swap3A_250, %swap3A_251] : memref<16384x128xf32, #tpu.memory_space<vmem>>, vector<128x96xf32>
    tpu.vector_store %arg2[%swap3A_250, %swap3A_251], %transpose3A_249 {strides = array<i32>} : memref<16384x128xf32, #tpu.memory_space<vmem>>, vector<128x96xf32>,
    %slice3A_253 = vector.extract_strided_slice %get3A_4 {offsets = [0, 42, 0], sizes = [96, 1, 128], strides = [1, 1, 1]} : vector<96x128x128xf32> to vector<96x1x128xf32>
    %squeeze3A_254 = vector.shape_cast %slice3A_253 : vector<96x1x128xf32> to vector<96x128xf32>
    %transpose3A_255 = tpu.transpose %squeeze3A_254, [1, 0] : vector<96x128xf32> -> vector<128x96xf32>
    %swap3A_256 = arith.constant 5376 : index
    %swap3A_257 = arith.constant 0 : index
    %swap3A_258 = vector.load %arg2[%swap3A_256, %swap3A_257] : memref<16384x128xf32, #tpu.memory_space<vmem>>, vector<128x96xf32>
    tpu.vector_store %arg2[%swap3A_256, %swap3A_257], %transpose3A_255 {strides = array<i32>} : memref<16384x128xf32, #tpu.memory_space<vmem>>, vector<128x96xf32>,
    %slice3A_259 = vector.extract_strided_slice %get3A_4 {offsets = [0, 43, 0], sizes = [96, 1, 128], strides = [1, 1, 1]} : vector<96x128x128xf32> to vector<96x1x128xf32>
    %squeeze3A_260 = vector.shape_cast %slice3A_259 : vector<96x1x128xf32> to vector<96x128xf32>
    %transpose3A_261 = tpu.transpose %squeeze3A_260, [1, 0] : vector<96x128xf32> -> vector<128x96xf32>
    %swap3A_262 = arith.constant 5504 : index
    %swap3A_263 = arith.constant 0 : index
    %swap3A_264 = vector.load %arg2[%swap3A_262, %swap3A_263] : memref<16384x128xf32, #tpu.memory_space<vmem>>, vector<128x96xf32>
    tpu.vector_store %arg2[%swap3A_262, %swap3A_263], %transpose3A_261 {strides = array<i32>} : memref<16384x128xf32, #tpu.memory_space<vmem>>, vector<128x96xf32>,
    %slice3A_265 = vector.extract_strided_slice %get3A_4 {offsets = [0, 44, 0], sizes = [96, 1, 128], strides = [1, 1, 1]} : vector<96x128x128xf32> to vector<96x1x128xf32>
    %squeeze3A_266 = vector.shape_cast %slice3A_265 : vector<96x1x128xf32> to vector<96x128xf32>
    %transpose3A_267 = tpu.transpose %squeeze3A_266, [1, 0] : vector<96x128xf32> -> vector<128x96xf32>
    %swap3A_268 = arith.constant 5632 : index
    %swap3A_269 = arith.constant 0 : index
    %swap3A_270 = vector.load %arg2[%swap3A_268, %swap3A_269] : memref<16384x128xf32, #tpu.memory_space<vmem>>, vector<128x96xf32>
    tpu.vector_store %arg2[%swap3A_268, %swap3A_269], %transpose3A_267 {strides = array<i32>} : memref<16384x128xf32, #tpu.memory_space<vmem>>, vector<128x96xf32>,
    %slice3A_271 = vector.extract_strided_slice %get3A_4 {offsets = [0, 45, 0], sizes = [96, 1, 128], strides = [1, 1, 1]} : vector<96x128x128xf32> to vector<96x1x128xf32>
    %squeeze3A_272 = vector.shape_cast %slice3A_271 : vector<96x1x128xf32> to vector<96x128xf32>
    %transpose3A_273 = tpu.transpose %squeeze3A_272, [1, 0] : vector<96x128xf32> -> vector<128x96xf32>
    %swap3A_274 = arith.constant 5760 : index
    %swap3A_275 = arith.constant 0 : index
    %swap3A_276 = vector.load %arg2[%swap3A_274, %swap3A_275] : memref<16384x128xf32, #tpu.memory_space<vmem>>, vector<128x96xf32>
    tpu.vector_store %arg2[%swap3A_274, %swap3A_275], %transpose3A_273 {strides = array<i32>} : memref<16384x128xf32, #tpu.memory_space<vmem>>, vector<128x96xf32>,
    %slice3A_277 = vector.extract_strided_slice %get3A_4 {offsets = [0, 46, 0], sizes = [96, 1, 128], strides = [1, 1, 1]} : vector<96x128x128xf32> to vector<96x1x128xf32>
    %squeeze3A_278 = vector.shape_cast %slice3A_277 : vector<96x1x128xf32> to vector<96x128xf32>
    %transpose3A_279 = tpu.transpose %squeeze3A_278, [1, 0] : vector<96x128xf32> -> vector<128x96xf32>
    %swap3A_280 = arith.constant 5888 : index
    %swap3A_281 = arith.constant 0 : index
    %swap3A_282 = vector.load %arg2[%swap3A_280, %swap3A_281] : memref<16384x128xf32, #tpu.memory_space<vmem>>, vector<128x96xf32>
    tpu.vector_store %arg2[%swap3A_280, %swap3A_281], %transpose3A_279 {strides = array<i32>} : memref<16384x128xf32, #tpu.memory_space<vmem>>, vector<128x96xf32>,
    %slice3A_283 = vector.extract_strided_slice %get3A_4 {offsets = [0, 47, 0], sizes = [96, 1, 128], strides = [1, 1, 1]} : vector<96x128x128xf32> to vector<96x1x128xf32>
    %squeeze3A_284 = vector.shape_cast %slice3A_283 : vector<96x1x128xf32> to vector<96x128xf32>
    %transpose3A_285 = tpu.transpose %squeeze3A_284, [1, 0] : vector<96x128xf32> -> vector<128x96xf32>
    %swap3A_286 = arith.constant 6016 : index
    %swap3A_287 = arith.constant 0 : index
    %swap3A_288 = vector.load %arg2[%swap3A_286, %swap3A_287] : memref<16384x128xf32, #tpu.memory_space<vmem>>, vector<128x96xf32>
    tpu.vector_store %arg2[%swap3A_286, %swap3A_287], %transpose3A_285 {strides = array<i32>} : memref<16384x128xf32, #tpu.memory_space<vmem>>, vector<128x96xf32>,
    %slice3A_289 = vector.extract_strided_slice %get3A_4 {offsets = [0, 48, 0], sizes = [96, 1, 128], strides = [1, 1, 1]} : vector<96x128x128xf32> to vector<96x1x128xf32>
    %squeeze3A_290 = vector.shape_cast %slice3A_289 : vector<96x1x128xf32> to vector<96x128xf32>
    %transpose3A_291 = tpu.transpose %squeeze3A_290, [1, 0] : vector<96x128xf32> -> vector<128x96xf32>
    %swap3A_292 = arith.constant 6144 : index
    %swap3A_293 = arith.constant 0 : index
    %swap3A_294 = vector.load %arg2[%swap3A_292, %swap3A_293] : memref<16384x128xf32, #tpu.memory_space<vmem>>, vector<128x96xf32>
    tpu.vector_store %arg2[%swap3A_292, %swap3A_293], %transpose3A_291 {strides = array<i32>} : memref<16384x128xf32, #tpu.memory_space<vmem>>, vector<128x96xf32>,
    %slice3A_295 = vector.extract_strided_slice %get3A_4 {offsets = [0, 49, 0], sizes = [96, 1, 128], strides = [1, 1, 1]} : vector<96x128x128xf32> to vector<96x1x128xf32>
    %squeeze3A_296 = vector.shape_cast %slice3A_295 : vector<96x1x128xf32> to vector<96x128xf32>
    %transpose3A_297 = tpu.transpose %squeeze3A_296, [1, 0] : vector<96x128xf32> -> vector<128x96xf32>
    %swap3A_298 = arith.constant 6272 : index
    %swap3A_299 = arith.constant 0 : index
    %swap3A_300 = vector.load %arg2[%swap3A_298, %swap3A_299] : memref<16384x128xf32, #tpu.memory_space<vmem>>, vector<128x96xf32>
    tpu.vector_store %arg2[%swap3A_298, %swap3A_299], %transpose3A_297 {strides = array<i32>} : memref<16384x128xf32, #tpu.memory_space<vmem>>, vector<128x96xf32>,
    %slice3A_301 = vector.extract_strided_slice %get3A_4 {offsets = [0, 50, 0], sizes = [96, 1, 128], strides = [1, 1, 1]} : vector<96x128x128xf32> to vector<96x1x128xf32>
    %squeeze3A_302 = vector.shape_cast %slice3A_301 : vector<96x1x128xf32> to vector<96x128xf32>
    %transpose3A_303 = tpu.transpose %squeeze3A_302, [1, 0] : vector<96x128xf32> -> vector<128x96xf32>
    %swap3A_304 = arith.constant 6400 : index
    %swap3A_305 = arith.constant 0 : index
    %swap3A_306 = vector.load %arg2[%swap3A_304, %swap3A_305] : memref<16384x128xf32, #tpu.memory_space<vmem>>, vector<128x96xf32>
    tpu.vector_store %arg2[%swap3A_304, %swap3A_305], %transpose3A_303 {strides = array<i32>} : memref<16384x128xf32, #tpu.memory_space<vmem>>, vector<128x96xf32>,
    %slice3A_307 = vector.extract_strided_slice %get3A_4 {offsets = [0, 51, 0], sizes = [96, 1, 128], strides = [1, 1, 1]} : vector<96x128x128xf32> to vector<96x1x128xf32>
    %squeeze3A_308 = vector.shape_cast %slice3A_307 : vector<96x1x128xf32> to vector<96x128xf32>
    %transpose3A_309 = tpu.transpose %squeeze3A_308, [1, 0] : vector<96x128xf32> -> vector<128x96xf32>
    %swap3A_310 = arith.constant 6528 : index
    %swap3A_311 = arith.constant 0 : index
    %swap3A_312 = vector.load %arg2[%swap3A_310, %swap3A_311] : memref<16384x128xf32, #tpu.memory_space<vmem>>, vector<128x96xf32>
    tpu.vector_store %arg2[%swap3A_310, %swap3A_311], %transpose3A_309 {strides = array<i32>} : memref<16384x128xf32, #tpu.memory_space<vmem>>, vector<128x96xf32>,
    %slice3A_313 = vector.extract_strided_slice %get3A_4 {offsets = [0, 52, 0], sizes = [96, 1, 128], strides = [1, 1, 1]} : vector<96x128x128xf32> to vector<96x1x128xf32>
    %squeeze3A_314 = vector.shape_cast %slice3A_313 : vector<96x1x128xf32> to vector<96x128xf32>
    %transpose3A_315 = tpu.transpose %squeeze3A_314, [1, 0] : vector<96x128xf32> -> vector<128x96xf32>
    %swap3A_316 = arith.constant 6656 : index
    %swap3A_317 = arith.constant 0 : index
    %swap3A_318 = vector.load %arg2[%swap3A_316, %swap3A_317] : memref<16384x128xf32, #tpu.memory_space<vmem>>, vector<128x96xf32>
    tpu.vector_store %arg2[%swap3A_316, %swap3A_317], %transpose3A_315 {strides = array<i32>} : memref<16384x128xf32, #tpu.memory_space<vmem>>, vector<128x96xf32>,
    %slice3A_319 = vector.extract_strided_slice %get3A_4 {offsets = [0, 53, 0], sizes = [96, 1, 128], strides = [1, 1, 1]} : vector<96x128x128xf32> to vector<96x1x128xf32>
    %squeeze3A_320 = vector.shape_cast %slice3A_319 : vector<96x1x128xf32> to vector<96x128xf32>
    %transpose3A_321 = tpu.transpose %squeeze3A_320, [1, 0] : vector<96x128xf32> -> vector<128x96xf32>
    %swap3A_322 = arith.constant 6784 : index
    %swap3A_323 = arith.constant 0 : index
    %swap3A_324 = vector.load %arg2[%swap3A_322, %swap3A_323] : memref<16384x128xf32, #tpu.memory_space<vmem>>, vector<128x96xf32>
    tpu.vector_store %arg2[%swap3A_322, %swap3A_323], %transpose3A_321 {strides = array<i32>} : memref<16384x128xf32, #tpu.memory_space<vmem>>, vector<128x96xf32>,
    %slice3A_325 = vector.extract_strided_slice %get3A_4 {offsets = [0, 54, 0], sizes = [96, 1, 128], strides = [1, 1, 1]} : vector<96x128x128xf32> to vector<96x1x128xf32>
    %squeeze3A_326 = vector.shape_cast %slice3A_325 : vector<96x1x128xf32> to vector<96x128xf32>
    %transpose3A_327 = tpu.transpose %squeeze3A_326, [1, 0] : vector<96x128xf32> -> vector<128x96xf32>
    %swap3A_328 = arith.constant 6912 : index
    %swap3A_329 = arith.constant 0 : index
    %swap3A_330 = vector.load %arg2[%swap3A_328, %swap3A_329] : memref<16384x128xf32, #tpu.memory_space<vmem>>, vector<128x96xf32>
    tpu.vector_store %arg2[%swap3A_328, %swap3A_329], %transpose3A_327 {strides = array<i32>} : memref<16384x128xf32, #tpu.memory_space<vmem>>, vector<128x96xf32>,
    %slice3A_331 = vector.extract_strided_slice %get3A_4 {offsets = [0, 55, 0], sizes = [96, 1, 128], strides = [1, 1, 1]} : vector<96x128x128xf32> to vector<96x1x128xf32>
    %squeeze3A_332 = vector.shape_cast %slice3A_331 : vector<96x1x128xf32> to vector<96x128xf32>
    %transpose3A_333 = tpu.transpose %squeeze3A_332, [1, 0] : vector<96x128xf32> -> vector<128x96xf32>
    %swap3A_334 = arith.constant 7040 : index
    %swap3A_335 = arith.constant 0 : index
    %swap3A_336 = vector.load %arg2[%swap3A_334, %swap3A_335] : memref<16384x128xf32, #tpu.memory_space<vmem>>, vector<128x96xf32>
    tpu.vector_store %arg2[%swap3A_334, %swap3A_335], %transpose3A_333 {strides = array<i32>} : memref<16384x128xf32, #tpu.memory_space<vmem>>, vector<128x96xf32>,
    %slice3A_337 = vector.extract_strided_slice %get3A_4 {offsets = [0, 56, 0], sizes = [96, 1, 128], strides = [1, 1, 1]} : vector<96x128x128xf32> to vector<96x1x128xf32>
    %squeeze3A_338 = vector.shape_cast %slice3A_337 : vector<96x1x128xf32> to vector<96x128xf32>
    %transpose3A_339 = tpu.transpose %squeeze3A_338, [1, 0] : vector<96x128xf32> -> vector<128x96xf32>
    %swap3A_340 = arith.constant 7168 : index
    %swap3A_341 = arith.constant 0 : index
    %swap3A_342 = vector.load %arg2[%swap3A_340, %swap3A_341] : memref<16384x128xf32, #tpu.memory_space<vmem>>, vector<128x96xf32>
    tpu.vector_store %arg2[%swap3A_340, %swap3A_341], %transpose3A_339 {strides = array<i32>} : memref<16384x128xf32, #tpu.memory_space<vmem>>, vector<128x96xf32>,
    %slice3A_343 = vector.extract_strided_slice %get3A_4 {offsets = [0, 57, 0], sizes = [96, 1, 128], strides = [1, 1, 1]} : vector<96x128x128xf32> to vector<96x1x128xf32>
    %squeeze3A_344 = vector.shape_cast %slice3A_343 : vector<96x1x128xf32> to vector<96x128xf32>
    %transpose3A_345 = tpu.transpose %squeeze3A_344, [1, 0] : vector<96x128xf32> -> vector<128x96xf32>
    %swap3A_346 = arith.constant 7296 : index
    %swap3A_347 = arith.constant 0 : index
    %swap3A_348 = vector.load %arg2[%swap3A_346, %swap3A_347] : memref<16384x128xf32, #tpu.memory_space<vmem>>, vector<128x96xf32>
    tpu.vector_store %arg2[%swap3A_346, %swap3A_347], %transpose3A_345 {strides = array<i32>} : memref<16384x128xf32, #tpu.memory_space<vmem>>, vector<128x96xf32>,
    %slice3A_349 = vector.extract_strided_slice %get3A_4 {offsets = [0, 58, 0], sizes = [96, 1, 128], strides = [1, 1, 1]} : vector<96x128x128xf32> to vector<96x1x128xf32>
    %squeeze3A_350 = vector.shape_cast %slice3A_349 : vector<96x1x128xf32> to vector<96x128xf32>
    %transpose3A_351 = tpu.transpose %squeeze3A_350, [1, 0] : vector<96x128xf32> -> vector<128x96xf32>
    %swap3A_352 = arith.constant 7424 : index
    %swap3A_353 = arith.constant 0 : index
    %swap3A_354 = vector.load %arg2[%swap3A_352, %swap3A_353] : memref<16384x128xf32, #tpu.memory_space<vmem>>, vector<128x96xf32>
    tpu.vector_store %arg2[%swap3A_352, %swap3A_353], %transpose3A_351 {strides = array<i32>} : memref<16384x128xf32, #tpu.memory_space<vmem>>, vector<128x96xf32>,
    %slice3A_355 = vector.extract_strided_slice %get3A_4 {offsets = [0, 59, 0], sizes = [96, 1, 128], strides = [1, 1, 1]} : vector<96x128x128xf32> to vector<96x1x128xf32>
    %squeeze3A_356 = vector.shape_cast %slice3A_355 : vector<96x1x128xf32> to vector<96x128xf32>
    %transpose3A_357 = tpu.transpose %squeeze3A_356, [1, 0] : vector<96x128xf32> -> vector<128x96xf32>
    %swap3A_358 = arith.constant 7552 : index
    %swap3A_359 = arith.constant 0 : index
    %swap3A_360 = vector.load %arg2[%swap3A_358, %swap3A_359] : memref<16384x128xf32, #tpu.memory_space<vmem>>, vector<128x96xf32>
    tpu.vector_store %arg2[%swap3A_358, %swap3A_359], %transpose3A_357 {strides = array<i32>} : memref<16384x128xf32, #tpu.memory_space<vmem>>, vector<128x96xf32>,
    %slice3A_361 = vector.extract_strided_slice %get3A_4 {offsets = [0, 60, 0], sizes = [96, 1, 128], strides = [1, 1, 1]} : vector<96x128x128xf32> to vector<96x1x128xf32>
    %squeeze3A_362 = vector.shape_cast %slice3A_361 : vector<96x1x128xf32> to vector<96x128xf32>
    %transpose3A_363 = tpu.transpose %squeeze3A_362, [1, 0] : vector<96x128xf32> -> vector<128x96xf32>
    %swap3A_364 = arith.constant 7680 : index
    %swap3A_365 = arith.constant 0 : index
    %swap3A_366 = vector.load %arg2[%swap3A_364, %swap3A_365] : memref<16384x128xf32, #tpu.memory_space<vmem>>, vector<128x96xf32>
    tpu.vector_store %arg2[%swap3A_364, %swap3A_365], %transpose3A_363 {strides = array<i32>} : memref<16384x128xf32, #tpu.memory_space<vmem>>, vector<128x96xf32>,
    %slice3A_367 = vector.extract_strided_slice %get3A_4 {offsets = [0, 61, 0], sizes = [96, 1, 128], strides = [1, 1, 1]} : vector<96x128x128xf32> to vector<96x1x128xf32>
    %squeeze3A_368 = vector.shape_cast %slice3A_367 : vector<96x1x128xf32> to vector<96x128xf32>
    %transpose3A_369 = tpu.transpose %squeeze3A_368, [1, 0] : vector<96x128xf32> -> vector<128x96xf32>
    %swap3A_370 = arith.constant 7808 : index
    %swap3A_371 = arith.constant 0 : index
    %swap3A_372 = vector.load %arg2[%swap3A_370, %swap3A_371] : memref<16384x128xf32, #tpu.memory_space<vmem>>, vector<128x96xf32>
    tpu.vector_store %arg2[%swap3A_370, %swap3A_371], %transpose3A_369 {strides = array<i32>} : memref<16384x128xf32, #tpu.memory_space<vmem>>, vector<128x96xf32>,
    %slice3A_373 = vector.extract_strided_slice %get3A_4 {offsets = [0, 62, 0], sizes = [96, 1, 128], strides = [1, 1, 1]} : vector<96x128x128xf32> to vector<96x1x128xf32>
    %squeeze3A_374 = vector.shape_cast %slice3A_373 : vector<96x1x128xf32> to vector<96x128xf32>
    %transpose3A_375 = tpu.transpose %squeeze3A_374, [1, 0] : vector<96x128xf32> -> vector<128x96xf32>
    %swap3A_376 = arith.constant 7936 : index
    %swap3A_377 = arith.constant 0 : index
    %swap3A_378 = vector.load %arg2[%swap3A_376, %swap3A_377] : memref<16384x128xf32, #tpu.memory_space<vmem>>, vector<128x96xf32>
    tpu.vector_store %arg2[%swap3A_376, %swap3A_377], %transpose3A_375 {strides = array<i32>} : memref<16384x128xf32, #tpu.memory_space<vmem>>, vector<128x96xf32>,
    %slice3A_379 = vector.extract_strided_slice %get3A_4 {offsets = [0, 63, 0], sizes = [96, 1, 128], strides = [1, 1, 1]} : vector<96x128x128xf32> to vector<96x1x128xf32>
    %squeeze3A_380 = vector.shape_cast %slice3A_379 : vector<96x1x128xf32> to vector<96x128xf32>
    %transpose3A_381 = tpu.transpose %squeeze3A_380, [1, 0] : vector<96x128xf32> -> vector<128x96xf32>
    %swap3A_382 = arith.constant 8064 : index
    %swap3A_383 = arith.constant 0 : index
    %swap3A_384 = vector.load %arg2[%swap3A_382, %swap3A_383] : memref<16384x128xf32, #tpu.memory_space<vmem>>, vector<128x96xf32>
    tpu.vector_store %arg2[%swap3A_382, %swap3A_383], %transpose3A_381 {strides = array<i32>} : memref<16384x128xf32, #tpu.memory_space<vmem>>, vector<128x96xf32>,
    %slice3A_385 = vector.extract_strided_slice %get3A_4 {offsets = [0, 64, 0], sizes = [96, 1, 128], strides = [1, 1, 1]} : vector<96x128x128xf32> to vector<96x1x128xf32>
    %squeeze3A_386 = vector.shape_cast %slice3A_385 : vector<96x1x128xf32> to vector<96x128xf32>
    %transpose3A_387 = tpu.transpose %squeeze3A_386, [1, 0] : vector<96x128xf32> -> vector<128x96xf32>
    %swap3A_388 = arith.constant 8192 : index
    %swap3A_389 = arith.constant 0 : index
    %swap3A_390 = vector.load %arg2[%swap3A_388, %swap3A_389] : memref<16384x128xf32, #tpu.memory_space<vmem>>, vector<128x96xf32>
    tpu.vector_store %arg2[%swap3A_388, %swap3A_389], %transpose3A_387 {strides = array<i32>} : memref<16384x128xf32, #tpu.memory_space<vmem>>, vector<128x96xf32>,
    %slice3A_391 = vector.extract_strided_slice %get3A_4 {offsets = [0, 65, 0], sizes = [96, 1, 128], strides = [1, 1, 1]} : vector<96x128x128xf32> to vector<96x1x128xf32>
    %squeeze3A_392 = vector.shape_cast %slice3A_391 : vector<96x1x128xf32> to vector<96x128xf32>
    %transpose3A_393 = tpu.transpose %squeeze3A_392, [1, 0] : vector<96x128xf32> -> vector<128x96xf32>
    %swap3A_394 = arith.constant 8320 : index
    %swap3A_395 = arith.constant 0 : index
    %swap3A_396 = vector.load %arg2[%swap3A_394, %swap3A_395] : memref<16384x128xf32, #tpu.memory_space<vmem>>, vector<128x96xf32>
    tpu.vector_store %arg2[%swap3A_394, %swap3A_395], %transpose3A_393 {strides = array<i32>} : memref<16384x128xf32, #tpu.memory_space<vmem>>, vector<128x96xf32>,
    %slice3A_397 = vector.extract_strided_slice %get3A_4 {offsets = [0, 66, 0], sizes = [96, 1, 128], strides = [1, 1, 1]} : vector<96x128x128xf32> to vector<96x1x128xf32>
    %squeeze3A_398 = vector.shape_cast %slice3A_397 : vector<96x1x128xf32> to vector<96x128xf32>
    %transpose3A_399 = tpu.transpose %squeeze3A_398, [1, 0] : vector<96x128xf32> -> vector<128x96xf32>
    %swap3A_400 = arith.constant 8448 : index
    %swap3A_401 = arith.constant 0 : index
    %swap3A_402 = vector.load %arg2[%swap3A_400, %swap3A_401] : memref<16384x128xf32, #tpu.memory_space<vmem>>, vector<128x96xf32>
    tpu.vector_store %arg2[%swap3A_400, %swap3A_401], %transpose3A_399 {strides = array<i32>} : memref<16384x128xf32, #tpu.memory_space<vmem>>, vector<128x96xf32>,
    %slice3A_403 = vector.extract_strided_slice %get3A_4 {offsets = [0, 67, 0], sizes = [96, 1, 128], strides = [1, 1, 1]} : vector<96x128x128xf32> to vector<96x1x128xf32>
    %squeeze3A_404 = vector.shape_cast %slice3A_403 : vector<96x1x128xf32> to vector<96x128xf32>
    %transpose3A_405 = tpu.transpose %squeeze3A_404, [1, 0] : vector<96x128xf32> -> vector<128x96xf32>
    %swap3A_406 = arith.constant 8576 : index
    %swap3A_407 = arith.constant 0 : index
    %swap3A_408 = vector.load %arg2[%swap3A_406, %swap3A_407] : memref<16384x128xf32, #tpu.memory_space<vmem>>, vector<128x96xf32>
    tpu.vector_store %arg2[%swap3A_406, %swap3A_407], %transpose3A_405 {strides = array<i32>} : memref<16384x128xf32, #tpu.memory_space<vmem>>, vector<128x96xf32>,
    %slice3A_409 = vector.extract_strided_slice %get3A_4 {offsets = [0, 68, 0], sizes = [96, 1, 128], strides = [1, 1, 1]} : vector<96x128x128xf32> to vector<96x1x128xf32>
    %squeeze3A_410 = vector.shape_cast %slice3A_409 : vector<96x1x128xf32> to vector<96x128xf32>
    %transpose3A_411 = tpu.transpose %squeeze3A_410, [1, 0] : vector<96x128xf32> -> vector<128x96xf32>
    %swap3A_412 = arith.constant 8704 : index
    %swap3A_413 = arith.constant 0 : index
    %swap3A_414 = vector.load %arg2[%swap3A_412, %swap3A_413] : memref<16384x128xf32, #tpu.memory_space<vmem>>, vector<128x96xf32>
    tpu.vector_store %arg2[%swap3A_412, %swap3A_413], %transpose3A_411 {strides = array<i32>} : memref<16384x128xf32, #tpu.memory_space<vmem>>, vector<128x96xf32>,
    %slice3A_415 = vector.extract_strided_slice %get3A_4 {offsets = [0, 69, 0], sizes = [96, 1, 128], strides = [1, 1, 1]} : vector<96x128x128xf32> to vector<96x1x128xf32>
    %squeeze3A_416 = vector.shape_cast %slice3A_415 : vector<96x1x128xf32> to vector<96x128xf32>
    %transpose3A_417 = tpu.transpose %squeeze3A_416, [1, 0] : vector<96x128xf32> -> vector<128x96xf32>
    %swap3A_418 = arith.constant 8832 : index
    %swap3A_419 = arith.constant 0 : index
    %swap3A_420 = vector.load %arg2[%swap3A_418, %swap3A_419] : memref<16384x128xf32, #tpu.memory_space<vmem>>, vector<128x96xf32>
    tpu.vector_store %arg2[%swap3A_418, %swap3A_419], %transpose3A_417 {strides = array<i32>} : memref<16384x128xf32, #tpu.memory_space<vmem>>, vector<128x96xf32>,
    %slice3A_421 = vector.extract_strided_slice %get3A_4 {offsets = [0, 70, 0], sizes = [96, 1, 128], strides = [1, 1, 1]} : vector<96x128x128xf32> to vector<96x1x128xf32>
    %squeeze3A_422 = vector.shape_cast %slice3A_421 : vector<96x1x128xf32> to vector<96x128xf32>
    %transpose3A_423 = tpu.transpose %squeeze3A_422, [1, 0] : vector<96x128xf32> -> vector<128x96xf32>
    %swap3A_424 = arith.constant 8960 : index
    %swap3A_425 = arith.constant 0 : index
    %swap3A_426 = vector.load %arg2[%swap3A_424, %swap3A_425] : memref<16384x128xf32, #tpu.memory_space<vmem>>, vector<128x96xf32>
    tpu.vector_store %arg2[%swap3A_424, %swap3A_425], %transpose3A_423 {strides = array<i32>} : memref<16384x128xf32, #tpu.memory_space<vmem>>, vector<128x96xf32>,
    %slice3A_427 = vector.extract_strided_slice %get3A_4 {offsets = [0, 71, 0], sizes = [96, 1, 128], strides = [1, 1, 1]} : vector<96x128x128xf32> to vector<96x1x128xf32>
    %squeeze3A_428 = vector.shape_cast %slice3A_427 : vector<96x1x128xf32> to vector<96x128xf32>
    %transpose3A_429 = tpu.transpose %squeeze3A_428, [1, 0] : vector<96x128xf32> -> vector<128x96xf32>
    %swap3A_430 = arith.constant 9088 : index
    %swap3A_431 = arith.constant 0 : index
    %swap3A_432 = vector.load %arg2[%swap3A_430, %swap3A_431] : memref<16384x128xf32, #tpu.memory_space<vmem>>, vector<128x96xf32>
    tpu.vector_store %arg2[%swap3A_430, %swap3A_431], %transpose3A_429 {strides = array<i32>} : memref<16384x128xf32, #tpu.memory_space<vmem>>, vector<128x96xf32>,
    %slice3A_433 = vector.extract_strided_slice %get3A_4 {offsets = [0, 72, 0], sizes = [96, 1, 128], strides = [1, 1, 1]} : vector<96x128x128xf32> to vector<96x1x128xf32>
    %squeeze3A_434 = vector.shape_cast %slice3A_433 : vector<96x1x128xf32> to vector<96x128xf32>
    %transpose3A_435 = tpu.transpose %squeeze3A_434, [1, 0] : vector<96x128xf32> -> vector<128x96xf32>
    %swap3A_436 = arith.constant 9216 : index
    %swap3A_437 = arith.constant 0 : index
    %swap3A_438 = vector.load %arg2[%swap3A_436, %swap3A_437] : memref<16384x128xf32, #tpu.memory_space<vmem>>, vector<128x96xf32>
    tpu.vector_store %arg2[%swap3A_436, %swap3A_437], %transpose3A_435 {strides = array<i32>} : memref<16384x128xf32, #tpu.memory_space<vmem>>, vector<128x96xf32>,
    %slice3A_439 = vector.extract_strided_slice %get3A_4 {offsets = [0, 73, 0], sizes = [96, 1, 128], strides = [1, 1, 1]} : vector<96x128x128xf32> to vector<96x1x128xf32>
    %squeeze3A_440 = vector.shape_cast %slice3A_439 : vector<96x1x128xf32> to vector<96x128xf32>
    %transpose3A_441 = tpu.transpose %squeeze3A_440, [1, 0] : vector<96x128xf32> -> vector<128x96xf32>
    %swap3A_442 = arith.constant 9344 : index
    %swap3A_443 = arith.constant 0 : index
    %swap3A_444 = vector.load %arg2[%swap3A_442, %swap3A_443] : memref<16384x128xf32, #tpu.memory_space<vmem>>, vector<128x96xf32>
    tpu.vector_store %arg2[%swap3A_442, %swap3A_443], %transpose3A_441 {strides = array<i32>} : memref<16384x128xf32, #tpu.memory_space<vmem>>, vector<128x96xf32>,
    %slice3A_445 = vector.extract_strided_slice %get3A_4 {offsets = [0, 74, 0], sizes = [96, 1, 128], strides = [1, 1, 1]} : vector<96x128x128xf32> to vector<96x1x128xf32>
    %squeeze3A_446 = vector.shape_cast %slice3A_445 : vector<96x1x128xf32> to vector<96x128xf32>
    %transpose3A_447 = tpu.transpose %squeeze3A_446, [1, 0] : vector<96x128xf32> -> vector<128x96xf32>
    %swap3A_448 = arith.constant 9472 : index
    %swap3A_449 = arith.constant 0 : index
    %swap3A_450 = vector.load %arg2[%swap3A_448, %swap3A_449] : memref<16384x128xf32, #tpu.memory_space<vmem>>, vector<128x96xf32>
    tpu.vector_store %arg2[%swap3A_448, %swap3A_449], %transpose3A_447 {strides = array<i32>} : memref<16384x128xf32, #tpu.memory_space<vmem>>, vector<128x96xf32>,
    %slice3A_451 = vector.extract_strided_slice %get3A_4 {offsets = [0, 75, 0], sizes = [96, 1, 128], strides = [1, 1, 1]} : vector<96x128x128xf32> to vector<96x1x128xf32>
    %squeeze3A_452 = vector.shape_cast %slice3A_451 : vector<96x1x128xf32> to vector<96x128xf32>
    %transpose3A_453 = tpu.transpose %squeeze3A_452, [1, 0] : vector<96x128xf32> -> vector<128x96xf32>
    %swap3A_454 = arith.constant 9600 : index
    %swap3A_455 = arith.constant 0 : index
    %swap3A_456 = vector.load %arg2[%swap3A_454, %swap3A_455] : memref<16384x128xf32, #tpu.memory_space<vmem>>, vector<128x96xf32>
    tpu.vector_store %arg2[%swap3A_454, %swap3A_455], %transpose3A_453 {strides = array<i32>} : memref<16384x128xf32, #tpu.memory_space<vmem>>, vector<128x96xf32>,
    %slice3A_457 = vector.extract_strided_slice %get3A_4 {offsets = [0, 76, 0], sizes = [96, 1, 128], strides = [1, 1, 1]} : vector<96x128x128xf32> to vector<96x1x128xf32>
    %squeeze3A_458 = vector.shape_cast %slice3A_457 : vector<96x1x128xf32> to vector<96x128xf32>
    %transpose3A_459 = tpu.transpose %squeeze3A_458, [1, 0] : vector<96x128xf32> -> vector<128x96xf32>
    %swap3A_460 = arith.constant 9728 : index
    %swap3A_461 = arith.constant 0 : index
    %swap3A_462 = vector.load %arg2[%swap3A_460, %swap3A_461] : memref<16384x128xf32, #tpu.memory_space<vmem>>, vector<128x96xf32>
    tpu.vector_store %arg2[%swap3A_460, %swap3A_461], %transpose3A_459 {strides = array<i32>} : memref<16384x128xf32, #tpu.memory_space<vmem>>, vector<128x96xf32>,
    %slice3A_463 = vector.extract_strided_slice %get3A_4 {offsets = [0, 77, 0], sizes = [96, 1, 128], strides = [1, 1, 1]} : vector<96x128x128xf32> to vector<96x1x128xf32>
    %squeeze3A_464 = vector.shape_cast %slice3A_463 : vector<96x1x128xf32> to vector<96x128xf32>
    %transpose3A_465 = tpu.transpose %squeeze3A_464, [1, 0] : vector<96x128xf32> -> vector<128x96xf32>
    %swap3A_466 = arith.constant 9856 : index
    %swap3A_467 = arith.constant 0 : index
    %swap3A_468 = vector.load %arg2[%swap3A_466, %swap3A_467] : memref<16384x128xf32, #tpu.memory_space<vmem>>, vector<128x96xf32>
    tpu.vector_store %arg2[%swap3A_466, %swap3A_467], %transpose3A_465 {strides = array<i32>} : memref<16384x128xf32, #tpu.memory_space<vmem>>, vector<128x96xf32>,
    %slice3A_469 = vector.extract_strided_slice %get3A_4 {offsets = [0, 78, 0], sizes = [96, 1, 128], strides = [1, 1, 1]} : vector<96x128x128xf32> to vector<96x1x128xf32>
    %squeeze3A_470 = vector.shape_cast %slice3A_469 : vector<96x1x128xf32> to vector<96x128xf32>
    %transpose3A_471 = tpu.transpose %squeeze3A_470, [1, 0] : vector<96x128xf32> -> vector<128x96xf32>
    %swap3A_472 = arith.constant 9984 : index
    %swap3A_473 = arith.constant 0 : index
    %swap3A_474 = vector.load %arg2[%swap3A_472, %swap3A_473] : memref<16384x128xf32, #tpu.memory_space<vmem>>, vector<128x96xf32>
    tpu.vector_store %arg2[%swap3A_472, %swap3A_473], %transpose3A_471 {strides = array<i32>} : memref<16384x128xf32, #tpu.memory_space<vmem>>, vector<128x96xf32>,
    %slice3A_475 = vector.extract_strided_slice %get3A_4 {offsets = [0, 79, 0], sizes = [96, 1, 128], strides = [1, 1, 1]} : vector<96x128x128xf32> to vector<96x1x128xf32>
    %squeeze3A_476 = vector.shape_cast %slice3A_475 : vector<96x1x128xf32> to vector<96x128xf32>
    %transpose3A_477 = tpu.transpose %squeeze3A_476, [1, 0] : vector<96x128xf32> -> vector<128x96xf32>
    %swap3A_478 = arith.constant 10112 : index
    %swap3A_479 = arith.constant 0 : index
    %swap3A_480 = vector.load %arg2[%swap3A_478, %swap3A_479] : memref<16384x128xf32, #tpu.memory_space<vmem>>, vector<128x96xf32>
    tpu.vector_store %arg2[%swap3A_478, %swap3A_479], %transpose3A_477 {strides = array<i32>} : memref<16384x128xf32, #tpu.memory_space<vmem>>, vector<128x96xf32>,
    %slice3A_481 = vector.extract_strided_slice %get3A_4 {offsets = [0, 80, 0], sizes = [96, 1, 128], strides = [1, 1, 1]} : vector<96x128x128xf32> to vector<96x1x128xf32>
    %squeeze3A_482 = vector.shape_cast %slice3A_481 : vector<96x1x128xf32> to vector<96x128xf32>
    %transpose3A_483 = tpu.transpose %squeeze3A_482, [1, 0] : vector<96x128xf32> -> vector<128x96xf32>
    %swap3A_484 = arith.constant 10240 : index
    %swap3A_485 = arith.constant 0 : index
    %swap3A_486 = vector.load %arg2[%swap3A_484, %swap3A_485] : memref<16384x128xf32, #tpu.memory_space<vmem>>, vector<128x96xf32>
    tpu.vector_store %arg2[%swap3A_484, %swap3A_485], %transpose3A_483 {strides = array<i32>} : memref<16384x128xf32, #tpu.memory_space<vmem>>, vector<128x96xf32>,
    %slice3A_487 = vector.extract_strided_slice %get3A_4 {offsets = [0, 81, 0], sizes = [96, 1, 128], strides = [1, 1, 1]} : vector<96x128x128xf32> to vector<96x1x128xf32>
    %squeeze3A_488 = vector.shape_cast %slice3A_487 : vector<96x1x128xf32> to vector<96x128xf32>
    %transpose3A_489 = tpu.transpose %squeeze3A_488, [1, 0] : vector<96x128xf32> -> vector<128x96xf32>
    %swap3A_490 = arith.constant 10368 : index
    %swap3A_491 = arith.constant 0 : index
    %swap3A_492 = vector.load %arg2[%swap3A_490, %swap3A_491] : memref<16384x128xf32, #tpu.memory_space<vmem>>, vector<128x96xf32>
    tpu.vector_store %arg2[%swap3A_490, %swap3A_491], %transpose3A_489 {strides = array<i32>} : memref<16384x128xf32, #tpu.memory_space<vmem>>, vector<128x96xf32>,
    %slice3A_493 = vector.extract_strided_slice %get3A_4 {offsets = [0, 82, 0], sizes = [96, 1, 128], strides = [1, 1, 1]} : vector<96x128x128xf32> to vector<96x1x128xf32>
    %squeeze3A_494 = vector.shape_cast %slice3A_493 : vector<96x1x128xf32> to vector<96x128xf32>
    %transpose3A_495 = tpu.transpose %squeeze3A_494, [1, 0] : vector<96x128xf32> -> vector<128x96xf32>
    %swap3A_496 = arith.constant 10496 : index
    %swap3A_497 = arith.constant 0 : index
    %swap3A_498 = vector.load %arg2[%swap3A_496, %swap3A_497] : memref<16384x128xf32, #tpu.memory_space<vmem>>, vector<128x96xf32>
    tpu.vector_store %arg2[%swap3A_496, %swap3A_497], %transpose3A_495 {strides = array<i32>} : memref<16384x128xf32, #tpu.memory_space<vmem>>, vector<128x96xf32>,
    %slice3A_499 = vector.extract_strided_slice %get3A_4 {offsets = [0, 83, 0], sizes = [96, 1, 128], strides = [1, 1, 1]} : vector<96x128x128xf32> to vector<96x1x128xf32>
    %squeeze3A_500 = vector.shape_cast %slice3A_499 : vector<96x1x128xf32> to vector<96x128xf32>
    %transpose3A_501 = tpu.transpose %squeeze3A_500, [1, 0] : vector<96x128xf32> -> vector<128x96xf32>
    %swap3A_502 = arith.constant 10624 : index
    %swap3A_503 = arith.constant 0 : index
    %swap3A_504 = vector.load %arg2[%swap3A_502, %swap3A_503] : memref<16384x128xf32, #tpu.memory_space<vmem>>, vector<128x96xf32>
    tpu.vector_store %arg2[%swap3A_502, %swap3A_503], %transpose3A_501 {strides = array<i32>} : memref<16384x128xf32, #tpu.memory_space<vmem>>, vector<128x96xf32>,
    %slice3A_505 = vector.extract_strided_slice %get3A_4 {offsets = [0, 84, 0], sizes = [96, 1, 128], strides = [1, 1, 1]} : vector<96x128x128xf32> to vector<96x1x128xf32>
    %squeeze3A_506 = vector.shape_cast %slice3A_505 : vector<96x1x128xf32> to vector<96x128xf32>
    %transpose3A_507 = tpu.transpose %squeeze3A_506, [1, 0] : vector<96x128xf32> -> vector<128x96xf32>
    %swap3A_508 = arith.constant 10752 : index
    %swap3A_509 = arith.constant 0 : index
    %swap3A_510 = vector.load %arg2[%swap3A_508, %swap3A_509] : memref<16384x128xf32, #tpu.memory_space<vmem>>, vector<128x96xf32>
    tpu.vector_store %arg2[%swap3A_508, %swap3A_509], %transpose3A_507 {strides = array<i32>} : memref<16384x128xf32, #tpu.memory_space<vmem>>, vector<128x96xf32>,
    %slice3A_511 = vector.extract_strided_slice %get3A_4 {offsets = [0, 85, 0], sizes = [96, 1, 128], strides = [1, 1, 1]} : vector<96x128x128xf32> to vector<96x1x128xf32>
    %squeeze3A_512 = vector.shape_cast %slice3A_511 : vector<96x1x128xf32> to vector<96x128xf32>
    %transpose3A_513 = tpu.transpose %squeeze3A_512, [1, 0] : vector<96x128xf32> -> vector<128x96xf32>
    %swap3A_514 = arith.constant 10880 : index
    %swap3A_515 = arith.constant 0 : index
    %swap3A_516 = vector.load %arg2[%swap3A_514, %swap3A_515] : memref<16384x128xf32, #tpu.memory_space<vmem>>, vector<128x96xf32>
    tpu.vector_store %arg2[%swap3A_514, %swap3A_515], %transpose3A_513 {strides = array<i32>} : memref<16384x128xf32, #tpu.memory_space<vmem>>, vector<128x96xf32>,
    %slice3A_517 = vector.extract_strided_slice %get3A_4 {offsets = [0, 86, 0], sizes = [96, 1, 128], strides = [1, 1, 1]} : vector<96x128x128xf32> to vector<96x1x128xf32>
    %squeeze3A_518 = vector.shape_cast %slice3A_517 : vector<96x1x128xf32> to vector<96x128xf32>
    %transpose3A_519 = tpu.transpose %squeeze3A_518, [1, 0] : vector<96x128xf32> -> vector<128x96xf32>
    %swap3A_520 = arith.constant 11008 : index
    %swap3A_521 = arith.constant 0 : index
    %swap3A_522 = vector.load %arg2[%swap3A_520, %swap3A_521] : memref<16384x128xf32, #tpu.memory_space<vmem>>, vector<128x96xf32>
    tpu.vector_store %arg2[%swap3A_520, %swap3A_521], %transpose3A_519 {strides = array<i32>} : memref<16384x128xf32, #tpu.memory_space<vmem>>, vector<128x96xf32>,
    %slice3A_523 = vector.extract_strided_slice %get3A_4 {offsets = [0, 87, 0], sizes = [96, 1, 128], strides = [1, 1, 1]} : vector<96x128x128xf32> to vector<96x1x128xf32>
    %squeeze3A_524 = vector.shape_cast %slice3A_523 : vector<96x1x128xf32> to vector<96x128xf32>
    %transpose3A_525 = tpu.transpose %squeeze3A_524, [1, 0] : vector<96x128xf32> -> vector<128x96xf32>
    %swap3A_526 = arith.constant 11136 : index
    %swap3A_527 = arith.constant 0 : index
    %swap3A_528 = vector.load %arg2[%swap3A_526, %swap3A_527] : memref<16384x128xf32, #tpu.memory_space<vmem>>, vector<128x96xf32>
    tpu.vector_store %arg2[%swap3A_526, %swap3A_527], %transpose3A_525 {strides = array<i32>} : memref<16384x128xf32, #tpu.memory_space<vmem>>, vector<128x96xf32>,
    %slice3A_529 = vector.extract_strided_slice %get3A_4 {offsets = [0, 88, 0], sizes = [96, 1, 128], strides = [1, 1, 1]} : vector<96x128x128xf32> to vector<96x1x128xf32>
    %squeeze3A_530 = vector.shape_cast %slice3A_529 : vector<96x1x128xf32> to vector<96x128xf32>
    %transpose3A_531 = tpu.transpose %squeeze3A_530, [1, 0] : vector<96x128xf32> -> vector<128x96xf32>
    %swap3A_532 = arith.constant 11264 : index
    %swap3A_533 = arith.constant 0 : index
    %swap3A_534 = vector.load %arg2[%swap3A_532, %swap3A_533] : memref<16384x128xf32, #tpu.memory_space<vmem>>, vector<128x96xf32>
    tpu.vector_store %arg2[%swap3A_532, %swap3A_533], %transpose3A_531 {strides = array<i32>} : memref<16384x128xf32, #tpu.memory_space<vmem>>, vector<128x96xf32>,
    %slice3A_535 = vector.extract_strided_slice %get3A_4 {offsets = [0, 89, 0], sizes = [96, 1, 128], strides = [1, 1, 1]} : vector<96x128x128xf32> to vector<96x1x128xf32>
    %squeeze3A_536 = vector.shape_cast %slice3A_535 : vector<96x1x128xf32> to vector<96x128xf32>
    %transpose3A_537 = tpu.transpose %squeeze3A_536, [1, 0] : vector<96x128xf32> -> vector<128x96xf32>
    %swap3A_538 = arith.constant 11392 : index
    %swap3A_539 = arith.constant 0 : index
    %swap3A_540 = vector.load %arg2[%swap3A_538, %swap3A_539] : memref<16384x128xf32, #tpu.memory_space<vmem>>, vector<128x96xf32>
    tpu.vector_store %arg2[%swap3A_538, %swap3A_539], %transpose3A_537 {strides = array<i32>} : memref<16384x128xf32, #tpu.memory_space<vmem>>, vector<128x96xf32>,
    %slice3A_541 = vector.extract_strided_slice %get3A_4 {offsets = [0, 90, 0], sizes = [96, 1, 128], strides = [1, 1, 1]} : vector<96x128x128xf32> to vector<96x1x128xf32>
    %squeeze3A_542 = vector.shape_cast %slice3A_541 : vector<96x1x128xf32> to vector<96x128xf32>
    %transpose3A_543 = tpu.transpose %squeeze3A_542, [1, 0] : vector<96x128xf32> -> vector<128x96xf32>
    %swap3A_544 = arith.constant 11520 : index
    %swap3A_545 = arith.constant 0 : index
    %swap3A_546 = vector.load %arg2[%swap3A_544, %swap3A_545] : memref<16384x128xf32, #tpu.memory_space<vmem>>, vector<128x96xf32>
    tpu.vector_store %arg2[%swap3A_544, %swap3A_545], %transpose3A_543 {strides = array<i32>} : memref<16384x128xf32, #tpu.memory_space<vmem>>, vector<128x96xf32>,
    %slice3A_547 = vector.extract_strided_slice %get3A_4 {offsets = [0, 91, 0], sizes = [96, 1, 128], strides = [1, 1, 1]} : vector<96x128x128xf32> to vector<96x1x128xf32>
    %squeeze3A_548 = vector.shape_cast %slice3A_547 : vector<96x1x128xf32> to vector<96x128xf32>
    %transpose3A_549 = tpu.transpose %squeeze3A_548, [1, 0] : vector<96x128xf32> -> vector<128x96xf32>
    %swap3A_550 = arith.constant 11648 : index
    %swap3A_551 = arith.constant 0 : index
    %swap3A_552 = vector.load %arg2[%swap3A_550, %swap3A_551] : memref<16384x128xf32, #tpu.memory_space<vmem>>, vector<128x96xf32>
    tpu.vector_store %arg2[%swap3A_550, %swap3A_551], %transpose3A_549 {strides = array<i32>} : memref<16384x128xf32, #tpu.memory_space<vmem>>, vector<128x96xf32>,
    %slice3A_553 = vector.extract_strided_slice %get3A_4 {offsets = [0, 92, 0], sizes = [96, 1, 128], strides = [1, 1, 1]} : vector<96x128x128xf32> to vector<96x1x128xf32>
    %squeeze3A_554 = vector.shape_cast %slice3A_553 : vector<96x1x128xf32> to vector<96x128xf32>
    %transpose3A_555 = tpu.transpose %squeeze3A_554, [1, 0] : vector<96x128xf32> -> vector<128x96xf32>
    %swap3A_556 = arith.constant 11776 : index
    %swap3A_557 = arith.constant 0 : index
    %swap3A_558 = vector.load %arg2[%swap3A_556, %swap3A_557] : memref<16384x128xf32, #tpu.memory_space<vmem>>, vector<128x96xf32>
    tpu.vector_store %arg2[%swap3A_556, %swap3A_557], %transpose3A_555 {strides = array<i32>} : memref<16384x128xf32, #tpu.memory_space<vmem>>, vector<128x96xf32>,
    %slice3A_559 = vector.extract_strided_slice %get3A_4 {offsets = [0, 93, 0], sizes = [96, 1, 128], strides = [1, 1, 1]} : vector<96x128x128xf32> to vector<96x1x128xf32>
    %squeeze3A_560 = vector.shape_cast %slice3A_559 : vector<96x1x128xf32> to vector<96x128xf32>
    %transpose3A_561 = tpu.transpose %squeeze3A_560, [1, 0] : vector<96x128xf32> -> vector<128x96xf32>
    %swap3A_562 = arith.constant 11904 : index
    %swap3A_563 = arith.constant 0 : index
    %swap3A_564 = vector.load %arg2[%swap3A_562, %swap3A_563] : memref<16384x128xf32, #tpu.memory_space<vmem>>, vector<128x96xf32>
    tpu.vector_store %arg2[%swap3A_562, %swap3A_563], %transpose3A_561 {strides = array<i32>} : memref<16384x128xf32, #tpu.memory_space<vmem>>, vector<128x96xf32>,
    %slice3A_565 = vector.extract_strided_slice %get3A_4 {offsets = [0, 94, 0], sizes = [96, 1, 128], strides = [1, 1, 1]} : vector<96x128x128xf32> to vector<96x1x128xf32>
    %squeeze3A_566 = vector.shape_cast %slice3A_565 : vector<96x1x128xf32> to vector<96x128xf32>
    %transpose3A_567 = tpu.transpose %squeeze3A_566, [1, 0] : vector<96x128xf32> -> vector<128x96xf32>
    %swap3A_568 = arith.constant 12032 : index
    %swap3A_569 = arith.constant 0 : index
    %swap3A_570 = vector.load %arg2[%swap3A_568, %swap3A_569] : memref<16384x128xf32, #tpu.memory_space<vmem>>, vector<128x96xf32>
    tpu.vector_store %arg2[%swap3A_568, %swap3A_569], %transpose3A_567 {strides = array<i32>} : memref<16384x128xf32, #tpu.memory_space<vmem>>, vector<128x96xf32>,
    %slice3A_571 = vector.extract_strided_slice %get3A_4 {offsets = [0, 95, 0], sizes = [96, 1, 128], strides = [1, 1, 1]} : vector<96x128x128xf32> to vector<96x1x128xf32>
    %squeeze3A_572 = vector.shape_cast %slice3A_571 : vector<96x1x128xf32> to vector<96x128xf32>
    %transpose3A_573 = tpu.transpose %squeeze3A_572, [1, 0] : vector<96x128xf32> -> vector<128x96xf32>
    %swap3A_574 = arith.constant 12160 : index
    %swap3A_575 = arith.constant 0 : index
    %swap3A_576 = vector.load %arg2[%swap3A_574, %swap3A_575] : memref<16384x128xf32, #tpu.memory_space<vmem>>, vector<128x96xf32>
    tpu.vector_store %arg2[%swap3A_574, %swap3A_575], %transpose3A_573 {strides = array<i32>} : memref<16384x128xf32, #tpu.memory_space<vmem>>, vector<128x96xf32>,
    %slice3A_577 = vector.extract_strided_slice %get3A_4 {offsets = [0, 96, 0], sizes = [96, 1, 128], strides = [1, 1, 1]} : vector<96x128x128xf32> to vector<96x1x128xf32>
    %squeeze3A_578 = vector.shape_cast %slice3A_577 : vector<96x1x128xf32> to vector<96x128xf32>
    %transpose3A_579 = tpu.transpose %squeeze3A_578, [1, 0] : vector<96x128xf32> -> vector<128x96xf32>
    %swap3A_580 = arith.constant 12288 : index
    %swap3A_581 = arith.constant 0 : index
    %swap3A_582 = vector.load %arg2[%swap3A_580, %swap3A_581] : memref<16384x128xf32, #tpu.memory_space<vmem>>, vector<128x96xf32>
    tpu.vector_store %arg2[%swap3A_580, %swap3A_581], %transpose3A_579 {strides = array<i32>} : memref<16384x128xf32, #tpu.memory_space<vmem>>, vector<128x96xf32>,
    %slice3A_583 = vector.extract_strided_slice %get3A_4 {offsets = [0, 97, 0], sizes = [96, 1, 128], strides = [1, 1, 1]} : vector<96x128x128xf32> to vector<96x1x128xf32>
    %squeeze3A_584 = vector.shape_cast %slice3A_583 : vector<96x1x128xf32> to vector<96x128xf32>
    %transpose3A_585 = tpu.transpose %squeeze3A_584, [1, 0] : vector<96x128xf32> -> vector<128x96xf32>
    %swap3A_586 = arith.constant 12416 : index
    %swap3A_587 = arith.constant 0 : index
    %swap3A_588 = vector.load %arg2[%swap3A_586, %swap3A_587] : memref<16384x128xf32, #tpu.memory_space<vmem>>, vector<128x96xf32>
    tpu.vector_store %arg2[%swap3A_586, %swap3A_587], %transpose3A_585 {strides = array<i32>} : memref<16384x128xf32, #tpu.memory_space<vmem>>, vector<128x96xf32>,
    %slice3A_589 = vector.extract_strided_slice %get3A_4 {offsets = [0, 98, 0], sizes = [96, 1, 128], strides = [1, 1, 1]} : vector<96x128x128xf32> to vector<96x1x128xf32>
    %squeeze3A_590 = vector.shape_cast %slice3A_589 : vector<96x1x128xf32> to vector<96x128xf32>
    %transpose3A_591 = tpu.transpose %squeeze3A_590, [1, 0] : vector<96x128xf32> -> vector<128x96xf32>
    %swap3A_592 = arith.constant 12544 : index
    %swap3A_593 = arith.constant 0 : index
    %swap3A_594 = vector.load %arg2[%swap3A_592, %swap3A_593] : memref<16384x128xf32, #tpu.memory_space<vmem>>, vector<128x96xf32>
    tpu.vector_store %arg2[%swap3A_592, %swap3A_593], %transpose3A_591 {strides = array<i32>} : memref<16384x128xf32, #tpu.memory_space<vmem>>, vector<128x96xf32>,
    %slice3A_595 = vector.extract_strided_slice %get3A_4 {offsets = [0, 99, 0], sizes = [96, 1, 128], strides = [1, 1, 1]} : vector<96x128x128xf32> to vector<96x1x128xf32>
    %squeeze3A_596 = vector.shape_cast %slice3A_595 : vector<96x1x128xf32> to vector<96x128xf32>
    %transpose3A_597 = tpu.transpose %squeeze3A_596, [1, 0] : vector<96x128xf32> -> vector<128x96xf32>
    %swap3A_598 = arith.constant 12672 : index
    %swap3A_599 = arith.constant 0 : index
    %swap3A_600 = vector.load %arg2[%swap3A_598, %swap3A_599] : memref<16384x128xf32, #tpu.memory_space<vmem>>, vector<128x96xf32>
    tpu.vector_store %arg2[%swap3A_598, %swap3A_599], %transpose3A_597 {strides = array<i32>} : memref<16384x128xf32, #tpu.memory_space<vmem>>, vector<128x96xf32>,
    %slice3A_601 = vector.extract_strided_slice %get3A_4 {offsets = [0, 100, 0], sizes = [96, 1, 128], strides = [1, 1, 1]} : vector<96x128x128xf32> to vector<96x1x128xf32>
    %squeeze3A_602 = vector.shape_cast %slice3A_601 : vector<96x1x128xf32> to vector<96x128xf32>
    %transpose3A_603 = tpu.transpose %squeeze3A_602, [1, 0] : vector<96x128xf32> -> vector<128x96xf32>
    %swap3A_604 = arith.constant 12800 : index
    %swap3A_605 = arith.constant 0 : index
    %swap3A_606 = vector.load %arg2[%swap3A_604, %swap3A_605] : memref<16384x128xf32, #tpu.memory_space<vmem>>, vector<128x96xf32>
    tpu.vector_store %arg2[%swap3A_604, %swap3A_605], %transpose3A_603 {strides = array<i32>} : memref<16384x128xf32, #tpu.memory_space<vmem>>, vector<128x96xf32>,
    %slice3A_607 = vector.extract_strided_slice %get3A_4 {offsets = [0, 101, 0], sizes = [96, 1, 128], strides = [1, 1, 1]} : vector<96x128x128xf32> to vector<96x1x128xf32>
    %squeeze3A_608 = vector.shape_cast %slice3A_607 : vector<96x1x128xf32> to vector<96x128xf32>
    %transpose3A_609 = tpu.transpose %squeeze3A_608, [1, 0] : vector<96x128xf32> -> vector<128x96xf32>
    %swap3A_610 = arith.constant 12928 : index
    %swap3A_611 = arith.constant 0 : index
    %swap3A_612 = vector.load %arg2[%swap3A_610, %swap3A_611] : memref<16384x128xf32, #tpu.memory_space<vmem>>, vector<128x96xf32>
    tpu.vector_store %arg2[%swap3A_610, %swap3A_611], %transpose3A_609 {strides = array<i32>} : memref<16384x128xf32, #tpu.memory_space<vmem>>, vector<128x96xf32>,
    %slice3A_613 = vector.extract_strided_slice %get3A_4 {offsets = [0, 102, 0], sizes = [96, 1, 128], strides = [1, 1, 1]} : vector<96x128x128xf32> to vector<96x1x128xf32>
    %squeeze3A_614 = vector.shape_cast %slice3A_613 : vector<96x1x128xf32> to vector<96x128xf32>
    %transpose3A_615 = tpu.transpose %squeeze3A_614, [1, 0] : vector<96x128xf32> -> vector<128x96xf32>
    %swap3A_616 = arith.constant 13056 : index
    %swap3A_617 = arith.constant 0 : index
    %swap3A_618 = vector.load %arg2[%swap3A_616, %swap3A_617] : memref<16384x128xf32, #tpu.memory_space<vmem>>, vector<128x96xf32>
    tpu.vector_store %arg2[%swap3A_616, %swap3A_617], %transpose3A_615 {strides = array<i32>} : memref<16384x128xf32, #tpu.memory_space<vmem>>, vector<128x96xf32>,
    %slice3A_619 = vector.extract_strided_slice %get3A_4 {offsets = [0, 103, 0], sizes = [96, 1, 128], strides = [1, 1, 1]} : vector<96x128x128xf32> to vector<96x1x128xf32>
    %squeeze3A_620 = vector.shape_cast %slice3A_619 : vector<96x1x128xf32> to vector<96x128xf32>
    %transpose3A_621 = tpu.transpose %squeeze3A_620, [1, 0] : vector<96x128xf32> -> vector<128x96xf32>
    %swap3A_622 = arith.constant 13184 : index
    %swap3A_623 = arith.constant 0 : index
    %swap3A_624 = vector.load %arg2[%swap3A_622, %swap3A_623] : memref<16384x128xf32, #tpu.memory_space<vmem>>, vector<128x96xf32>
    tpu.vector_store %arg2[%swap3A_622, %swap3A_623], %transpose3A_621 {strides = array<i32>} : memref<16384x128xf32, #tpu.memory_space<vmem>>, vector<128x96xf32>,
    %slice3A_625 = vector.extract_strided_slice %get3A_4 {offsets = [0, 104, 0], sizes = [96, 1, 128], strides = [1, 1, 1]} : vector<96x128x128xf32> to vector<96x1x128xf32>
    %squeeze3A_626 = vector.shape_cast %slice3A_625 : vector<96x1x128xf32> to vector<96x128xf32>
    %transpose3A_627 = tpu.transpose %squeeze3A_626, [1, 0] : vector<96x128xf32> -> vector<128x96xf32>
    %swap3A_628 = arith.constant 13312 : index
    %swap3A_629 = arith.constant 0 : index
    %swap3A_630 = vector.load %arg2[%swap3A_628, %swap3A_629] : memref<16384x128xf32, #tpu.memory_space<vmem>>, vector<128x96xf32>
    tpu.vector_store %arg2[%swap3A_628, %swap3A_629], %transpose3A_627 {strides = array<i32>} : memref<16384x128xf32, #tpu.memory_space<vmem>>, vector<128x96xf32>,
    %slice3A_631 = vector.extract_strided_slice %get3A_4 {offsets = [0, 105, 0], sizes = [96, 1, 128], strides = [1, 1, 1]} : vector<96x128x128xf32> to vector<96x1x128xf32>
    %squeeze3A_632 = vector.shape_cast %slice3A_631 : vector<96x1x128xf32> to vector<96x128xf32>
    %transpose3A_633 = tpu.transpose %squeeze3A_632, [1, 0] : vector<96x128xf32> -> vector<128x96xf32>
    %swap3A_634 = arith.constant 13440 : index
    %swap3A_635 = arith.constant 0 : index
    %swap3A_636 = vector.load %arg2[%swap3A_634, %swap3A_635] : memref<16384x128xf32, #tpu.memory_space<vmem>>, vector<128x96xf32>
    tpu.vector_store %arg2[%swap3A_634, %swap3A_635], %transpose3A_633 {strides = array<i32>} : memref<16384x128xf32, #tpu.memory_space<vmem>>, vector<128x96xf32>,
    %slice3A_637 = vector.extract_strided_slice %get3A_4 {offsets = [0, 106, 0], sizes = [96, 1, 128], strides = [1, 1, 1]} : vector<96x128x128xf32> to vector<96x1x128xf32>
    %squeeze3A_638 = vector.shape_cast %slice3A_637 : vector<96x1x128xf32> to vector<96x128xf32>
    %transpose3A_639 = tpu.transpose %squeeze3A_638, [1, 0] : vector<96x128xf32> -> vector<128x96xf32>
    %swap3A_640 = arith.constant 13568 : index
    %swap3A_641 = arith.constant 0 : index
    %swap3A_642 = vector.load %arg2[%swap3A_640, %swap3A_641] : memref<16384x128xf32, #tpu.memory_space<vmem>>, vector<128x96xf32>
    tpu.vector_store %arg2[%swap3A_640, %swap3A_641], %transpose3A_639 {strides = array<i32>} : memref<16384x128xf32, #tpu.memory_space<vmem>>, vector<128x96xf32>,
    %slice3A_643 = vector.extract_strided_slice %get3A_4 {offsets = [0, 107, 0], sizes = [96, 1, 128], strides = [1, 1, 1]} : vector<96x128x128xf32> to vector<96x1x128xf32>
    %squeeze3A_644 = vector.shape_cast %slice3A_643 : vector<96x1x128xf32> to vector<96x128xf32>
    %transpose3A_645 = tpu.transpose %squeeze3A_644, [1, 0] : vector<96x128xf32> -> vector<128x96xf32>
    %swap3A_646 = arith.constant 13696 : index
    %swap3A_647 = arith.constant 0 : index
    %swap3A_648 = vector.load %arg2[%swap3A_646, %swap3A_647] : memref<16384x128xf32, #tpu.memory_space<vmem>>, vector<128x96xf32>
    tpu.vector_store %arg2[%swap3A_646, %swap3A_647], %transpose3A_645 {strides = array<i32>} : memref<16384x128xf32, #tpu.memory_space<vmem>>, vector<128x96xf32>,
    %slice3A_649 = vector.extract_strided_slice %get3A_4 {offsets = [0, 108, 0], sizes = [96, 1, 128], strides = [1, 1, 1]} : vector<96x128x128xf32> to vector<96x1x128xf32>
    %squeeze3A_650 = vector.shape_cast %slice3A_649 : vector<96x1x128xf32> to vector<96x128xf32>
    %transpose3A_651 = tpu.transpose %squeeze3A_650, [1, 0] : vector<96x128xf32> -> vector<128x96xf32>
    %swap3A_652 = arith.constant 13824 : index
    %swap3A_653 = arith.constant 0 : index
    %swap3A_654 = vector.load %arg2[%swap3A_652, %swap3A_653] : memref<16384x128xf32, #tpu.memory_space<vmem>>, vector<128x96xf32>
    tpu.vector_store %arg2[%swap3A_652, %swap3A_653], %transpose3A_651 {strides = array<i32>} : memref<16384x128xf32, #tpu.memory_space<vmem>>, vector<128x96xf32>,
    %slice3A_655 = vector.extract_strided_slice %get3A_4 {offsets = [0, 109, 0], sizes = [96, 1, 128], strides = [1, 1, 1]} : vector<96x128x128xf32> to vector<96x1x128xf32>
    %squeeze3A_656 = vector.shape_cast %slice3A_655 : vector<96x1x128xf32> to vector<96x128xf32>
    %transpose3A_657 = tpu.transpose %squeeze3A_656, [1, 0] : vector<96x128xf32> -> vector<128x96xf32>
    %swap3A_658 = arith.constant 13952 : index
    %swap3A_659 = arith.constant 0 : index
    %swap3A_660 = vector.load %arg2[%swap3A_658, %swap3A_659] : memref<16384x128xf32, #tpu.memory_space<vmem>>, vector<128x96xf32>
    tpu.vector_store %arg2[%swap3A_658, %swap3A_659], %transpose3A_657 {strides = array<i32>} : memref<16384x128xf32, #tpu.memory_space<vmem>>, vector<128x96xf32>,
    %slice3A_661 = vector.extract_strided_slice %get3A_4 {offsets = [0, 110, 0], sizes = [96, 1, 128], strides = [1, 1, 1]} : vector<96x128x128xf32> to vector<96x1x128xf32>
    %squeeze3A_662 = vector.shape_cast %slice3A_661 : vector<96x1x128xf32> to vector<96x128xf32>
    %transpose3A_663 = tpu.transpose %squeeze3A_662, [1, 0] : vector<96x128xf32> -> vector<128x96xf32>
    %swap3A_664 = arith.constant 14080 : index
    %swap3A_665 = arith.constant 0 : index
    %swap3A_666 = vector.load %arg2[%swap3A_664, %swap3A_665] : memref<16384x128xf32, #tpu.memory_space<vmem>>, vector<128x96xf32>
    tpu.vector_store %arg2[%swap3A_664, %swap3A_665], %transpose3A_663 {strides = array<i32>} : memref<16384x128xf32, #tpu.memory_space<vmem>>, vector<128x96xf32>,
    %slice3A_667 = vector.extract_strided_slice %get3A_4 {offsets = [0, 111, 0], sizes = [96, 1, 128], strides = [1, 1, 1]} : vector<96x128x128xf32> to vector<96x1x128xf32>
    %squeeze3A_668 = vector.shape_cast %slice3A_667 : vector<96x1x128xf32> to vector<96x128xf32>
    %transpose3A_669 = tpu.transpose %squeeze3A_668, [1, 0] : vector<96x128xf32> -> vector<128x96xf32>
    %swap3A_670 = arith.constant 14208 : index
    %swap3A_671 = arith.constant 0 : index
    %swap3A_672 = vector.load %arg2[%swap3A_670, %swap3A_671] : memref<16384x128xf32, #tpu.memory_space<vmem>>, vector<128x96xf32>
    tpu.vector_store %arg2[%swap3A_670, %swap3A_671], %transpose3A_669 {strides = array<i32>} : memref<16384x128xf32, #tpu.memory_space<vmem>>, vector<128x96xf32>,
    %slice3A_673 = vector.extract_strided_slice %get3A_4 {offsets = [0, 112, 0], sizes = [96, 1, 128], strides = [1, 1, 1]} : vector<96x128x128xf32> to vector<96x1x128xf32>
    %squeeze3A_674 = vector.shape_cast %slice3A_673 : vector<96x1x128xf32> to vector<96x128xf32>
    %transpose3A_675 = tpu.transpose %squeeze3A_674, [1, 0] : vector<96x128xf32> -> vector<128x96xf32>
    %swap3A_676 = arith.constant 14336 : index
    %swap3A_677 = arith.constant 0 : index
    %swap3A_678 = vector.load %arg2[%swap3A_676, %swap3A_677] : memref<16384x128xf32, #tpu.memory_space<vmem>>, vector<128x96xf32>
    tpu.vector_store %arg2[%swap3A_676, %swap3A_677], %transpose3A_675 {strides = array<i32>} : memref<16384x128xf32, #tpu.memory_space<vmem>>, vector<128x96xf32>,
    %slice3A_679 = vector.extract_strided_slice %get3A_4 {offsets = [0, 113, 0], sizes = [96, 1, 128], strides = [1, 1, 1]} : vector<96x128x128xf32> to vector<96x1x128xf32>
    %squeeze3A_680 = vector.shape_cast %slice3A_679 : vector<96x1x128xf32> to vector<96x128xf32>
    %transpose3A_681 = tpu.transpose %squeeze3A_680, [1, 0] : vector<96x128xf32> -> vector<128x96xf32>
    %swap3A_682 = arith.constant 14464 : index
    %swap3A_683 = arith.constant 0 : index
    %swap3A_684 = vector.load %arg2[%swap3A_682, %swap3A_683] : memref<16384x128xf32, #tpu.memory_space<vmem>>, vector<128x96xf32>
    tpu.vector_store %arg2[%swap3A_682, %swap3A_683], %transpose3A_681 {strides = array<i32>} : memref<16384x128xf32, #tpu.memory_space<vmem>>, vector<128x96xf32>,
    %slice3A_685 = vector.extract_strided_slice %get3A_4 {offsets = [0, 114, 0], sizes = [96, 1, 128], strides = [1, 1, 1]} : vector<96x128x128xf32> to vector<96x1x128xf32>
    %squeeze3A_686 = vector.shape_cast %slice3A_685 : vector<96x1x128xf32> to vector<96x128xf32>
    %transpose3A_687 = tpu.transpose %squeeze3A_686, [1, 0] : vector<96x128xf32> -> vector<128x96xf32>
    %swap3A_688 = arith.constant 14592 : index
    %swap3A_689 = arith.constant 0 : index
    %swap3A_690 = vector.load %arg2[%swap3A_688, %swap3A_689] : memref<16384x128xf32, #tpu.memory_space<vmem>>, vector<128x96xf32>
    tpu.vector_store %arg2[%swap3A_688, %swap3A_689], %transpose3A_687 {strides = array<i32>} : memref<16384x128xf32, #tpu.memory_space<vmem>>, vector<128x96xf32>,
    %slice3A_691 = vector.extract_strided_slice %get3A_4 {offsets = [0, 115, 0], sizes = [96, 1, 128], strides = [1, 1, 1]} : vector<96x128x128xf32> to vector<96x1x128xf32>
    %squeeze3A_692 = vector.shape_cast %slice3A_691 : vector<96x1x128xf32> to vector<96x128xf32>
    %transpose3A_693 = tpu.transpose %squeeze3A_692, [1, 0] : vector<96x128xf32> -> vector<128x96xf32>
    %swap3A_694 = arith.constant 14720 : index
    %swap3A_695 = arith.constant 0 : index
    %swap3A_696 = vector.load %arg2[%swap3A_694, %swap3A_695] : memref<16384x128xf32, #tpu.memory_space<vmem>>, vector<128x96xf32>
    tpu.vector_store %arg2[%swap3A_694, %swap3A_695], %transpose3A_693 {strides = array<i32>} : memref<16384x128xf32, #tpu.memory_space<vmem>>, vector<128x96xf32>,
    %slice3A_697 = vector.extract_strided_slice %get3A_4 {offsets = [0, 116, 0], sizes = [96, 1, 128], strides = [1, 1, 1]} : vector<96x128x128xf32> to vector<96x1x128xf32>
    %squeeze3A_698 = vector.shape_cast %slice3A_697 : vector<96x1x128xf32> to vector<96x128xf32>
    %transpose3A_699 = tpu.transpose %squeeze3A_698, [1, 0] : vector<96x128xf32> -> vector<128x96xf32>
    %swap3A_700 = arith.constant 14848 : index
    %swap3A_701 = arith.constant 0 : index
    %swap3A_702 = vector.load %arg2[%swap3A_700, %swap3A_701] : memref<16384x128xf32, #tpu.memory_space<vmem>>, vector<128x96xf32>
    tpu.vector_store %arg2[%swap3A_700, %swap3A_701], %transpose3A_699 {strides = array<i32>} : memref<16384x128xf32, #tpu.memory_space<vmem>>, vector<128x96xf32>,
    %slice3A_703 = vector.extract_strided_slice %get3A_4 {offsets = [0, 117, 0], sizes = [96, 1, 128], strides = [1, 1, 1]} : vector<96x128x128xf32> to vector<96x1x128xf32>
    %squeeze3A_704 = vector.shape_cast %slice3A_703 : vector<96x1x128xf32> to vector<96x128xf32>
    %transpose3A_705 = tpu.transpose %squeeze3A_704, [1, 0] : vector<96x128xf32> -> vector<128x96xf32>
    %swap3A_706 = arith.constant 14976 : index
    %swap3A_707 = arith.constant 0 : index
    %swap3A_708 = vector.load %arg2[%swap3A_706, %swap3A_707] : memref<16384x128xf32, #tpu.memory_space<vmem>>, vector<128x96xf32>
    tpu.vector_store %arg2[%swap3A_706, %swap3A_707], %transpose3A_705 {strides = array<i32>} : memref<16384x128xf32, #tpu.memory_space<vmem>>, vector<128x96xf32>,
    %slice3A_709 = vector.extract_strided_slice %get3A_4 {offsets = [0, 118, 0], sizes = [96, 1, 128], strides = [1, 1, 1]} : vector<96x128x128xf32> to vector<96x1x128xf32>
    %squeeze3A_710 = vector.shape_cast %slice3A_709 : vector<96x1x128xf32> to vector<96x128xf32>
    %transpose3A_711 = tpu.transpose %squeeze3A_710, [1, 0] : vector<96x128xf32> -> vector<128x96xf32>
    %swap3A_712 = arith.constant 15104 : index
    %swap3A_713 = arith.constant 0 : index
    %swap3A_714 = vector.load %arg2[%swap3A_712, %swap3A_713] : memref<16384x128xf32, #tpu.memory_space<vmem>>, vector<128x96xf32>
    tpu.vector_store %arg2[%swap3A_712, %swap3A_713], %transpose3A_711 {strides = array<i32>} : memref<16384x128xf32, #tpu.memory_space<vmem>>, vector<128x96xf32>,
    %slice3A_715 = vector.extract_strided_slice %get3A_4 {offsets = [0, 119, 0], sizes = [96, 1, 128], strides = [1, 1, 1]} : vector<96x128x128xf32> to vector<96x1x128xf32>
    %squeeze3A_716 = vector.shape_cast %slice3A_715 : vector<96x1x128xf32> to vector<96x128xf32>
    %transpose3A_717 = tpu.transpose %squeeze3A_716, [1, 0] : vector<96x128xf32> -> vector<128x96xf32>
    %swap3A_718 = arith.constant 15232 : index
    %swap3A_719 = arith.constant 0 : index
    %swap3A_720 = vector.load %arg2[%swap3A_718, %swap3A_719] : memref<16384x128xf32, #tpu.memory_space<vmem>>, vector<128x96xf32>
    tpu.vector_store %arg2[%swap3A_718, %swap3A_719], %transpose3A_717 {strides = array<i32>} : memref<16384x128xf32, #tpu.memory_space<vmem>>, vector<128x96xf32>,
    %slice3A_721 = vector.extract_strided_slice %get3A_4 {offsets = [0, 120, 0], sizes = [96, 1, 128], strides = [1, 1, 1]} : vector<96x128x128xf32> to vector<96x1x128xf32>
    %squeeze3A_722 = vector.shape_cast %slice3A_721 : vector<96x1x128xf32> to vector<96x128xf32>
    %transpose3A_723 = tpu.transpose %squeeze3A_722, [1, 0] : vector<96x128xf32> -> vector<128x96xf32>
    %swap3A_724 = arith.constant 15360 : index
    %swap3A_725 = arith.constant 0 : index
    %swap3A_726 = vector.load %arg2[%swap3A_724, %swap3A_725] : memref<16384x128xf32, #tpu.memory_space<vmem>>, vector<128x96xf32>
    tpu.vector_store %arg2[%swap3A_724, %swap3A_725], %transpose3A_723 {strides = array<i32>} : memref<16384x128xf32, #tpu.memory_space<vmem>>, vector<128x96xf32>,
    %slice3A_727 = vector.extract_strided_slice %get3A_4 {offsets = [0, 121, 0], sizes = [96, 1, 128], strides = [1, 1, 1]} : vector<96x128x128xf32> to vector<96x1x128xf32>
    %squeeze3A_728 = vector.shape_cast %slice3A_727 : vector<96x1x128xf32> to vector<96x128xf32>
    %transpose3A_729 = tpu.transpose %squeeze3A_728, [1, 0] : vector<96x128xf32> -> vector<128x96xf32>
    %swap3A_730 = arith.constant 15488 : index
    %swap3A_731 = arith.constant 0 : index
    %swap3A_732 = vector.load %arg2[%swap3A_730, %swap3A_731] : memref<16384x128xf32, #tpu.memory_space<vmem>>, vector<128x96xf32>
    tpu.vector_store %arg2[%swap3A_730, %swap3A_731], %transpose3A_729 {strides = array<i32>} : memref<16384x128xf32, #tpu.memory_space<vmem>>, vector<128x96xf32>,
    %slice3A_733 = vector.extract_strided_slice %get3A_4 {offsets = [0, 122, 0], sizes = [96, 1, 128], strides = [1, 1, 1]} : vector<96x128x128xf32> to vector<96x1x128xf32>
    %squeeze3A_734 = vector.shape_cast %slice3A_733 : vector<96x1x128xf32> to vector<96x128xf32>
    %transpose3A_735 = tpu.transpose %squeeze3A_734, [1, 0] : vector<96x128xf32> -> vector<128x96xf32>
    %swap3A_736 = arith.constant 15616 : index
    %swap3A_737 = arith.constant 0 : index
    %swap3A_738 = vector.load %arg2[%swap3A_736, %swap3A_737] : memref<16384x128xf32, #tpu.memory_space<vmem>>, vector<128x96xf32>
    tpu.vector_store %arg2[%swap3A_736, %swap3A_737], %transpose3A_735 {strides = array<i32>} : memref<16384x128xf32, #tpu.memory_space<vmem>>, vector<128x96xf32>,
    %slice3A_739 = vector.extract_strided_slice %get3A_4 {offsets = [0, 123, 0], sizes = [96, 1, 128], strides = [1, 1, 1]} : vector<96x128x128xf32> to vector<96x1x128xf32>
    %squeeze3A_740 = vector.shape_cast %slice3A_739 : vector<96x1x128xf32> to vector<96x128xf32>
    %transpose3A_741 = tpu.transpose %squeeze3A_740, [1, 0] : vector<96x128xf32> -> vector<128x96xf32>
    %swap3A_742 = arith.constant 15744 : index
    %swap3A_743 = arith.constant 0 : index
    %swap3A_744 = vector.load %arg2[%swap3A_742, %swap3A_743] : memref<16384x128xf32, #tpu.memory_space<vmem>>, vector<128x96xf32>
    tpu.vector_store %arg2[%swap3A_742, %swap3A_743], %transpose3A_741 {strides = array<i32>} : memref<16384x128xf32, #tpu.memory_space<vmem>>, vector<128x96xf32>,
    %slice3A_745 = vector.extract_strided_slice %get3A_4 {offsets = [0, 124, 0], sizes = [96, 1, 128], strides = [1, 1, 1]} : vector<96x128x128xf32> to vector<96x1x128xf32>
    %squeeze3A_746 = vector.shape_cast %slice3A_745 : vector<96x1x128xf32> to vector<96x128xf32>
    %transpose3A_747 = tpu.transpose %squeeze3A_746, [1, 0] : vector<96x128xf32> -> vector<128x96xf32>
    %swap3A_748 = arith.constant 15872 : index
    %swap3A_749 = arith.constant 0 : index
    %swap3A_750 = vector.load %arg2[%swap3A_748, %swap3A_749] : memref<16384x128xf32, #tpu.memory_space<vmem>>, vector<128x96xf32>
    tpu.vector_store %arg2[%swap3A_748, %swap3A_749], %transpose3A_747 {strides = array<i32>} : memref<16384x128xf32, #tpu.memory_space<vmem>>, vector<128x96xf32>,
    %slice3A_751 = vector.extract_strided_slice %get3A_4 {offsets = [0, 125, 0], sizes = [96, 1, 128], strides = [1, 1, 1]} : vector<96x128x128xf32> to vector<96x1x128xf32>
    %squeeze3A_752 = vector.shape_cast %slice3A_751 : vector<96x1x128xf32> to vector<96x128xf32>
    %transpose3A_753 = tpu.transpose %squeeze3A_752, [1, 0] : vector<96x128xf32> -> vector<128x96xf32>
    %swap3A_754 = arith.constant 16000 : index
    %swap3A_755 = arith.constant 0 : index
    %swap3A_756 = vector.load %arg2[%swap3A_754, %swap3A_755] : memref<16384x128xf32, #tpu.memory_space<vmem>>, vector<128x96xf32>
    tpu.vector_store %arg2[%swap3A_754, %swap3A_755], %transpose3A_753 {strides = array<i32>} : memref<16384x128xf32, #tpu.memory_space<vmem>>, vector<128x96xf32>,
    %slice3A_757 = vector.extract_strided_slice %get3A_4 {offsets = [0, 126, 0], sizes = [96, 1, 128], strides = [1, 1, 1]} : vector<96x128x128xf32> to vector<96x1x128xf32>
    %squeeze3A_758 = vector.shape_cast %slice3A_757 : vector<96x1x128xf32> to vector<96x128xf32>
    %transpose3A_759 = tpu.transpose %squeeze3A_758, [1, 0] : vector<96x128xf32> -> vector<128x96xf32>
    %swap3A_760 = arith.constant 16128 : index
    %swap3A_761 = arith.constant 0 : index
    %swap3A_762 = vector.load %arg2[%swap3A_760, %swap3A_761] : memref<16384x128xf32, #tpu.memory_space<vmem>>, vector<128x96xf32>
    tpu.vector_store %arg2[%swap3A_760, %swap3A_761], %transpose3A_759 {strides = array<i32>} : memref<16384x128xf32, #tpu.memory_space<vmem>>, vector<128x96xf32>,
    %slice3A_763 = vector.extract_strided_slice %get3A_4 {offsets = [0, 127, 0], sizes = [96, 1, 128], strides = [1, 1, 1]} : vector<96x128x128xf32> to vector<96x1x128xf32>
    %squeeze3A_764 = vector.shape_cast %slice3A_763 : vector<96x1x128xf32> to vector<96x128xf32>
    %transpose3A_765 = tpu.transpose %squeeze3A_764, [1, 0] : vector<96x128xf32> -> vector<128x96xf32>
    %swap3A_766 = arith.constant 16256 : index
    %swap3A_767 = arith.constant 0 : index
    %swap3A_768 = vector.load %arg2[%swap3A_766, %swap3A_767] : memref<16384x128xf32, #tpu.memory_space<vmem>>, vector<128x96xf32>
    tpu.vector_store %arg2[%swap3A_766, %swap3A_767], %transpose3A_765 {strides = array<i32>} : memref<16384x128xf32, #tpu.memory_space<vmem>>, vector<128x96xf32>,
    return
  }
  func.func @transform_0(%arg0: i32) -> (i32, i32, i32, i32) {
    %c0_i32 = arith.constant 0 : i32
    %c0_i32_0 = arith.constant 0 : i32
    %c0_i32_1 = arith.constant 0 : i32
    %c0_i32_2 = arith.constant 0 : i32
    return %arg0, %c0_i32, %c0_i32_0, %c0_i32_1 : i32, i32, i32, i32
  }
  func.func @transform_1(%arg0: i32) -> (i32, i32) {
    %c0_i32 = arith.constant 0 : i32
    %c0_i32_0 = arith.constant 0 : i32
    return %arg0, %c0_i32 : i32, i32
  }
}

</mosaic_0001>

<sc_bundles>
// kernel: kernel.5.cloned.1.call-start
scs
__scs_entry_jumppad:
0x0: {  	(pc) =	sbr.rel $0x88, $3  }
0x1: {  	(tag) =	ssettag $0x0;
	lr =	simm.s32 $0x1  }
0x2: {  	[smem:$0x3F9E] =	sst lr;
	_ =	strace $0xD0000000  }
0x3: {  	_ = 	snop  }
0x4: {  	_ = 	snop  }
0x5: {  	_ = 	snop  }
0x6: {  	_ = 	snop  }
0x7: {  	_ = 	snop  }
__scs_overlays_trampoline_lowered:
0x8: {  	[smem:$0x3FAD] =	sst s0  }
0x9: {  	[smem:$0x3FAE] =	sst s1  }
0xa: {  	[smem:$0x3FAF] =	sst s2  }
0xb: {  	[smem:$0x3FB0] =	sst s3  }
0xc: {  	[smem:$0x3FB1] =	sst s4  }
0xd: {  	[smem:$0x3FB2] =	sst s5  }
0xe: {  	[smem:$0x3FB3] =	sst s6  }
0xf: {  	[smem:$0x3FB4] =	sst s7  }
0x10: {  	[smem:$0x3FB5] =	sst s8  }
0x11: {  	[smem:$0x3FB6] =	sst s9;
	s0 =	simm.s32 @!p0 $0x0  }
0x12: {  	s1 =	sld [smem:$0x3F9C];
	s0 =	simm.s32 @p0 $0x1  }
0x13: {  	[smem:$0x3FB7] =	sst s0;
	s0 =	simm.s32 @!p1 $0x0  }
0x14: {  	s2 =	sld [smem:$0x3F9B];
	s0 =	simm.s32 @p1 $0x1  }
0x15: {  	[smem:$0x3FB8] =	sst s0;
	s0 =	simm.s32 @!p2 $0x0  }
0x16: {  	s3 =	sld [smem:$0x3FDB];
	s0 =	simm.s32 @p2 $0x1  }
0x17: {  	s4 =	simm.s32 $0x1BF5;
	[smem:$0x3FBA] =	sst s0  }
0x18: {  	s0 =	sld [smem:$0x3F9D];
	_ =	swait.ge [sflag:s4], $0x0  }
0x19: {  	s7 =	sld [smem:$0x3F9E]  }
0x1a: {  	s8 =	sadd.s32 $0xFFFFE003, lr  }
0x1b: {  	s9 =	sadd.s32 $0xFFFFFEF7, lr;
	s5 =	simm.s32 $0xFFFFFFFF;
	p2 =	slt.u32 s8, $0xFFFFF086  }
0x1c: {  	p1 =	slt.u32 s9, $0xF7A;
	s5 =	simm.s32 @!p2 $0x0  }
0x1d: {  	s5 =	simm.s32 @p1 $0x1;
	p0 =	seq.s32 s7, s2  }
0x1e: {  	s7 =	smul.u32 @!p0 $0xF7A, s2;
	p2 =	seq.s32 @!p0 s5, $0x0  }
0x1f: {  	s9 =	smul.u32 $0xF7A, s1;
	s8 =	simm.s32 @!p0 $0x1BF5;
	p2 =	por !p2, p0  }
0x20: {  	[sflag:s8] =	ssyncset.s32 @!p0 $0xFFFFF086;
	s6 =	sadd.s32 @!p0 s3, s7;
	s7 =	simm.s32 @!p0 $0x108  }
0x21: {  	s3 =	sadd.s32 s3, s9;
	s6 =	sadd.s32 @!p0 $0x88, s6;
	s7 =	simm.s32 @p2 $0x1082  }
0x22: {  	[simem:s7], [sflag:s8] =	dma.local @!p0 [hbm:s6], $0xF7A  }
0x23: {  	s9 =	sor.u32 $0xD0000000, s2;
	s6 =	simm.s32 $0x108;
	_ =	swait.ge @!p0 [sflag:s8], $0x0  }
0x24: {  	s3 =	sadd.s32 $0x88, s3;
	s6 =	simm.s32 @!p1 $0x1082;
	[sflag:s4] =	ssyncset.s32 $0xFFFFF086  }
0x25: {  	[simem:s6], [sflag:s4] =	dma.local [hbm:s3], $0xF7A  }
0x26: {  	[smem:$0x3F9E] =	sst s1;
	(tag) =	ssettag s2;
	_ =	strace s9  }
0x27: {  	s1 =	sld [smem:$0x3FAE]  }
0x28: {  	s2 =	sld [smem:$0x3FAF]  }
0x29: {  	s4 =	sld [smem:$0x3FB1]  }
0x2a: {  	p0 =	seq.s32 s5, $0x0;
	s5 =	sld [smem:$0x3FB2]  }
0x2b: {  	s6 =	sld [smem:$0x3FB3]  }
0x2c: {  	s7 =	sld [smem:$0x3FB4]  }
0x2d: {  	s3 =	simm.s32 $0x108;
	s8 =	sld [smem:$0x3FB5]  }
0x2e: {  	s3 =	simm.s32 @!p0 $0x1082;
	s9 =	sld [smem:$0x3FB6]  }
0x2f: {  	lr =	sadd.s32 s0, s3;
	s0 =	sld [smem:$0x3FAD]  }
0x30: {  	s3 =	sld [smem:$0x3FB0]  }
0x31: {  	[smem:$0x3FB9] =	sst s10  }
0x32: {  	s10 =	sld [smem:$0x3FB7];
	_ =	sdelay $0x3  }
0x33: {  	p0 =	seq.s32 s10, $0x1;
	s10 =	sld [smem:$0x3FB9];
	_ =	sdelay $0x3  }
0x34: {  	[smem:$0x3FB9] =	sst s10  }
0x35: {  	s10 =	sld [smem:$0x3FB8];
	_ =	sdelay $0x3  }
0x36: {  	p1 =	seq.s32 s10, $0x1;
	s10 =	sld [smem:$0x3FB9];
	_ =	sdelay $0x3  }
0x37: {  	[smem:$0x3FB9] =	sst s10  }
0x38: {  	s10 =	sld [smem:$0x3FBA]  }
0x39: {  	_ = 	snop;
	(pc) =	sbr.ind lr, $3  }
0x3a: {  	_ = 	snop  }
0x3b: {  	_ = 	snop  }
0x3c: {  	p2 =	seq.s32 s10, $0x1;
	s10 =	sld [smem:$0x3FB9]  }
0x3d: {  	_ =	shalt  }
0x3e: {  	_ =	shalt  }
0x3f: {  	_ =	shalt  }
0x40: {  	_ =	shalt  }
0x41: {  	_ =	shalt  }
0x42: {  	_ =	shalt  }
0x43: {  	_ =	shalt  }
0x44: {  	_ =	shalt  }
0x45: {  	_ =	shalt  }
0x46: {  	_ =	shalt  }
0x47: {  	_ =	shalt  }
0x48: {  	_ =	shalt  }
0x49: {  	_ =	shalt  }
0x4a: {  	_ =	shalt  }
0x4b: {  	_ =	shalt  }
0x4c: {  	_ =	shalt  }
0x4d: {  	_ =	shalt  }
0x4e: {  	_ =	shalt  }
0x4f: {  	_ =	shalt  }
0x50: {  	_ =	shalt  }
0x51: {  	_ =	shalt  }
0x52: {  	_ =	shalt  }
0x53: {  	_ =	shalt  }
0x54: {  	_ =	shalt  }
0x55: {  	_ =	shalt  }
0x56: {  	_ =	shalt  }
0x57: {  	_ =	shalt  }
0x58: {  	_ =	shalt  }
0x59: {  	_ =	shalt  }
0x5a: {  	_ =	shalt  }
0x5b: {  	_ =	shalt  }
0x5c: {  	_ =	shalt  }
0x5d: {  	_ =	shalt  }
0x5e: {  	_ =	shalt  }
0x5f: {  	_ =	shalt  }
0x60: {  	_ =	shalt  }
0x61: {  	_ =	shalt  }
0x62: {  	_ =	shalt  }
0x63: {  	_ =	shalt  }
0x64: {  	_ =	shalt  }
0x65: {  	_ =	shalt  }
0x66: {  	_ =	shalt  }
0x67: {  	_ =	shalt  }
0x68: {  	_ =	shalt  }
0x69: {  	_ =	shalt  }
0x6a: {  	_ =	shalt  }
0x6b: {  	_ =	shalt  }
0x6c: {  	_ =	shalt  }
0x6d: {  	_ =	shalt  }
0x6e: {  	_ =	shalt  }
0x6f: {  	_ =	shalt  }
0x70: {  	_ =	shalt  }
0x71: {  	_ =	shalt  }
0x72: {  	_ =	shalt  }
0x73: {  	_ =	shalt  }
0x74: {  	_ =	shalt  }
0x75: {  	_ =	shalt  }
0x76: {  	_ =	shalt  }
0x77: {  	_ =	shalt  }
0x78: {  	_ =	shalt  }
0x79: {  	_ =	shalt  }
0x7a: {  	_ =	shalt  }
0x7b: {  	_ =	shalt  }
0x7c: {  	_ =	shalt  }
0x7d: {  	_ =	shalt  }
0x7e: {  	_ =	shalt  }
0x7f: {  	_ =	shalt  }
0x80: {  	_ =	shalt  }
0x81: {  	_ =	shalt  }
0x82: {  	_ =	shalt  }
0x83: {  	_ =	shalt  }
0x84: {  	_ =	shalt  }
0x85: {  	_ =	shalt  }
0x86: {  	_ =	shalt  }
0x87: {  	_ =	shalt  }
.Lfunc_end0:
.L_simem_size_0:
called_computation_lowered:
.L_overlay_start_0:
0x88: {  	s0 =	sld [smem:$0x3FD9]  }
0x89: {  	s1 =	sld [smem:$0x3FFE];
	_ =	sdelay $0x3  }
0x8a: {  	s0 =	sadd.s32 s1, s0  }
0x8b: {  	[smem:$0x3FC5] =	sst s0  }
0x8c: {  	_ = 	snop  }
0x8d: {  	s0 =	sld [smem:$0x3FC8];
	(tm) =	ssettm $0x1  }
0x8e: {  	s16 =	sld [smem:$0x3FFB];
	_ =	sdelay $0x3  }
0x8f: {  	_ =	strace s16  }
0x90: {  	s1 =	sld [smem:$0x3FFC];
	_ =	sdelay $0x3  }
0x91: {  	_ =	strace s1  }
0x92: {  	s1 =	sld [smem:$0x3FFD];
	_ =	sdelay $0x3  }
0x93: {  	_ =	strace s1  }
0x94: {  	_ =	strace $0x8FFFFFFF  }
0x95: {  	s17 =	sld [smem:$0x3FDB];
	_ =	sdelay $0x1  }
0x96: {  	s2 =	simm.s32 $_scs_section_size  }
0x97: {  	s3 =	simm.s32 $_size__tile_overlayer_lowered;
	s4 =	simm.s32 $_tile_overlayer_lowered  }
0x98: {  	s20 =	simm.s32 $0x1BFF;
	s19 =	sshll.u32 s4, $0x1;
	s1 =	sadd.s32 s2, s17  }
0x99: {  	s5 =	simm.s32 $0x0;
	s18 =	sshll.u32 s3, $0x1;
	s3 =	sadd.s32 s19, s1  }
0x9a: {  	[timem:s5], [sflag:s20] =	dma.local [hbm:s3], s18  }
0x9b: {  	_ =	swait.ge [sflag:s20], s18  }
0x9c: {  	s2 =	ssub.s32 $0x0, s18;
	[sflag:s20] =	ssyncset.done $0x0  }
0x9d: {  	[sflag:s20] =	ssyncadd.s32 s2;
	_ =	sdelay $0x1  }
0x9e: {  	s21 =	simm.s32 $0x1B8B  }
0x9f: {  	_ =	swait.ge [sflag:s21], $0x1  }
0xa0: {  	[sflag:s21] =	ssyncset.done $0x0  }
0xa1: {  	s23 =	simm.s32 $0x1B8E;
	s22 =	sld [smem:$0x3FFE];
	[sflag:s21] =	ssyncadd.s32 $0xFFFFFFFF  }
0xa2: {  	s24 =	simm.s32 $execute0_lowered;
	[smem:$0x3FD2] =	sst s23  }
0xa3: {  	s3 =	sshll.u32 s24, $0x1;
	_ =	strace $0x80000046;
	[dreg:$0x1] =	wrdreg $0xFFFFFFFF  }
0xa4: {  	s25 =	simm.s32 $_size_execute0_lowered;
	s1 =	sadd.s32 s1, s3;
	[dreg:$0x0] =	wrdreg $0x0  }
0xa5: {  	s3 =	sshll.u32 s25, $0x1;
	[dreg:$0x2] =	wrdreg s1  }
0xa6: {  	[dreg:$0x3] =	wrdreg s3  }
0xa7: {  	[dreg:$0x4] =	wrdreg $0xC0  }
0xa8: {  	_ =	task [dreg:s5], $0x5FFFF  }
0xa9: {  	[dreg:$0x1] =	wrdreg $0xFFFFFFFF  }
0xaa: {  	[dreg:$0x0] =	wrdreg $0x60  }
0xab: {  	[dreg:$0x2] =	wrdreg s0  }
0xac: {  	[dreg:$0x3] =	wrdreg s22  }
0xad: {  	[dreg:$0x4] =	wrdreg $0x9  }
0xae: {  	_ =	task.clear_ibuf [dreg:s5], $0x5FFFF;
	_ =	strace $0x90000046  }
0xaf: {  	s26 =	simm.s32 $0x9;
	_ =	strace $0x80000048  }
0xb0: {  	_ =	swait.ge [sflag:s26], $0x1  }
0xb1: {  	[sflag:s26] =	ssyncadd.s32 $0xFFFFFFFF  }
0xb2: {  	_ =	strace $0x90000048  }
0xb3: {  	_ =	sfence  }
0xb4: {  	s28 =	sld [smem:$0x0];
	_ =	sdelay $0x1  }
0xb5: {  	s29 =	srdreg.scid  }
0xb6: {  	s30 =	sshll.u32 s29, $0xD;
	s31 =	sshrl.u32 s29, $0x2  }
0xb7: {  	s2 =	sand.u32 $0x4000, s30;
	s1 =	sand.u32 $0x1, s29;
	s0 =	sadd.s32 s31, s28  }
0xb8: {  	s1 =	sor.u32 s2, s1;
	s0 =	sshll.u32 s0, $0x11  }
0xb9: {  	s0 =	sor.u32 s0, s1  }
0xba: {  	s0 =	sadd.s32 $0x8F2B, s0  }
0xbb: {  	[sflag:s0] =	ssyncadd.remote.s32 $0x1  }
0xbc: {  	_ =	sfence.sel $0xFFFF  }
0xbd: {  	[dreg:$0x0] =	wrdreg $0xFFFFFFFF;
	(pc) =	sbr.abs _section_cstart, $3  }
0xbe: {  	[dreg:$0x1] =	wrdreg $0xFFFFFFFF  }
0xbf: {  	_ =	task.clear_ibuf [dreg:s5], $0x2FFFF;
	_ =	strace $0x9FFFFFFF  }
0xc0: {  	(tm) =	ssettm $0x7FFFFFFF  }
0xc1: {  	_ =	shalt  }
tec
execute0_lowered:
.L_overlay_start_1:
0x0: {  	(tag) =	ssettag $0x1  }
0x1: {  	s1 =	stileid.u32  }
0x2: {  	s2 =	rddreg [dreg:$0x0];
	s3 =	simm.s32 $0x0;
	s7 =	smul.u32 $0xC8, s1  }
0x3: {  	v0 =	vimm.s32 $0x0;
	[smem:$0x7FF] =	sst s3  }
0x4: {  	s4 =	rddreg [dreg:$0x1];
	_ =	strace $0x80000047;
	[tilespmem:s7+$0x4080] =	vst v0  }
0x5: {  	[tilespmem:s7+$0x4090] =	vst v0  }
0x6: {  	[tilespmem:s7+$0x40A0] =	vst v0  }
0x7: {  	[tilespmem:s7+$0x40B0] =	vst v0  }
0x8: {  	[tilespmem:s7+$0x40C0] =	vst v0  }
0x9: {  	[tilespmem:s7+$0x40D0] =	vst v0  }
0xa: {  	[tilespmem:s7+$0x40E0] =	vst v0  }
0xb: {  	[tilespmem:s7+$0x40F0] =	vst v0  }
0xc: {  	[tilespmem:s7+$0x4100] =	vst v0  }
0xd: {  	[tilespmem:s7+$0x4110] =	vst v0  }
0xe: {  	[tilespmem:s7+$0x4120] =	vst v0  }
0xf: {  	[tilespmem:s7+$0x4130] =	vst v0  }
0x10: {  	[tilespmem:s7+$0x4140] =	vst v0  }
0x11: {  	[tilespmem:s7+$0x4D00] =	vst v0  }
0x12: {  	[tilespmem:s7+$0x4D10] =	vst v0  }
0x13: {  	[tilespmem:s7+$0x4D20] =	vst v0  }
0x14: {  	[tilespmem:s7+$0x4D30] =	vst v0  }
0x15: {  	s5 =	smax.u32 s1, $0x2;
	[tilespmem:s7+$0x4D40] =	vst v0  }
0x16: {  	s6 =	simm.s32 $0xA;
	s18 =	simm.s32 $0x1;
	s8 =	sadd.s32 $0xFFFFFFFE, s5;
	[tilespmem:s7+$0x4D50] =	vst v0  }
0x17: {  	p0 =	sgt.u32 s1, $0x2;
	s14 =	sadd.s32 $0x11, s1;
	p1 =	slt.u32 s8, $0xB;
	[tilespmem:s7+$0x4D60] =	vst v0  }
0x18: {  	p2 =	sgt.u32 s1, $0x5;
	s5 =	simm.s32 $0x1;
	[tilespmem:s7+$0x4D70] =	vst v0;
	p1 =	por !p0, !p1  }
0x19: {  	s15 =	smov.u32 s14;
	[tilespmem:s7+$0x4D80] =	vst v0;
	s8 =	simm.s32 @!p0 $0x14;
	p1 =	por !p1, !p1  }
0x1a: {  	[tilespmem:s7+$0x4D90] =	vst v0;
	s22 =	sadd.s32 $0x1900, s7;
	s5 =	simm.s32 @!p1 $0xB;
	s6 =	simm.s32 @!p1 $0x13  }
0x1b: {  	[tilespmem:s7+$0x4DA0] =	vst v0;
	p1 =	seq.s32 s1, $0x6;
	s15 =	smov.u32 @p0 s5;
	s5 =	simm.s32 $0x1DB0  }
0x1c: {  	[tilespmem:s7+$0x4DB0] =	vst v0;
	s14 =	smov.u32 @p0 s6;
	p0 =	sgt.u32 s1, $0x7;
	s5 =	simm.s32 @!p1 $0x1E78  }
0x1d: {  	s10 =	simm.s32 $0x1;
	s19 =	simm.s32 $0xA;
	[tilespmem:s7+$0x4DC0] =	vst v0;
	v14 =	vimm.s32 @!p0 $0x0;
	s22 =	smov.u32 @p2 s5  }
0x1e: {  	s24 =	simm.s32 $0x0;
	s25 =	simm.s32 $0x0;
	s26 =	simm.s32 $0x0;
	[tilespmem:s22+$0x4080] =	vst @!p0 v14  }
0x1f: {  	s13 =	sadd.s32 $0x1000, s4;
	s30 =	sshll.u32 s1, $0x1;
	s11 =	sadd.s32 $0x1, s1;
	[tilespmem:s22+$0x4090] =	vst @!p0 v14  }
0x20: {  	s31 =	smin.u32 s1, $0x6;
	s12 =	sadd.s32 $0x100, s2;
	s16 =	sadd.s32 s30, s4;
	[tilespmem:s22+$0x40A0] =	vst @!p0 v14  }
0x21: {  	s20 =	sadd.s32 $0xE, s31;
	s17 =	sadd.s32 $0xC80, s7;
	s9 =	sshrl.u32 s7, $0x3;
	[tilespmem:s22+$0x40B0] =	vst @!p0 v14  }
0x22: {  	s4 =	sadd.s32 $0x4D00, s7;
	v9 =	vmov s20;
	s20 =	simm.s32 $0x3000;
	s9 =	sadd.s32 s13, s9;
	[tilespmem:s22+$0x40C0] =	vst @!p0 v14  }
0x23: {  	s21 =	sshrl.u32 s17, $0x3;
	v5 =	vmov s8;
	s8 =	sadd.s32 $0x1400, s16;
	s16 =	simm.s32 $0x1800;
	[tilespmem:s22+$0x40D0] =	vst @!p0 v14  }
0x24: {  	v1 =	vmov s11;
	v6 =	vmov s17;
	s17 =	simm.s32 $0x2000;
	s11 =	sadd.s32 s13, s21;
	s21 =	simm.s32 $0x3800;
	[tilespmem:s22+$0x40E0] =	vst @!p0 v14  }
0x25: {  	s18 =	simm.s32 @!p1 $0xB;
	s19 =	simm.s32 @!p1 $0x13;
	p1 =	slt.u32 s1, $0x8;
	[tilespmem:s22+$0x40F0] =	vst @!p0 v14  }
.Ltmp0:
0x26: {  	v3 =	vmov s15;
	v4 =	vmov s14;
	s14 =	simm.s32 $0x800;
	s15 =	simm.s32 $0x1000;
	[tilespmem:s22+$0x4100] =	vst @!p0 v14;
	(pc) =	sbr.rel .LBB2_1-.Ltmp0, $4  }
0x27: {  	v11 =	vlaneseq.u32;
	vm0 =	vmmov $0xffff;
	s5 =	sadd.s32 $0x4080, s7;
	s18 =	simm.s32 @!p1 $0x15;
	s19 =	simm.s32 @!p1 $0x14;
	[tilespmem:s22+$0x4110] =	vst @!p0 v14  }
0x28: {  	v12 =	vmul.u32 $0x4, v11;
	v13 =	vand.u32 $0x7, v11;
	s6 =	sadd.s32 $0x4080, s22;
	s23 =	sshrl.u32 s22, $0x3;
	v8 =	vmov s19;
	[tilespmem:s22+$0x4120] =	vst @!p0 v14;
	s19 =	simm.s32 $0x2800  }
0x29: {  	v15 =	vshrl.u32 v11, $0x3;
	v2 =	vmov s7;
	v7 =	vmov s18;
	[tilespmem:s22+$0x4130] =	vst @!p0 v14;
	s18 =	simm.s32 $0x0;
	s7 =	sadd.s32 s13, s23;
	s13 =	simm.s32 @!p0 $0xC8  }
0x2a: {  	v10 =	vmov s22;
	[tilespmem:s22+$0x4140] =	vst @!p0 v14;
	v14 =	vmul.u32 $0x8, v15;
	v15 =	vor.u32 $0x8, v11;
	s22 =	simm.s32 $0x0;
	s23 =	simm.s32 $0x4080;
	s13 =	simm.s32 @p0 $0x0  }
.LBB2_5:
0x2b: {  	s26 =	sadd.s32 $0x1, s26  }
0x2c: {  	p1 =	sne.s32 s26, $0x20  }
.Ltmp1:
0x2d: {  	_ = 	snop;
	(pc) =	sbr.rel @!p1 .LBB2_6-.Ltmp1, $2  }
0x2e: {  	_ =	sdelay $0x2  }
0x2f: {  	s24 =	sadd.s32 $0x1000, s24  }
.LBB2_1:
0x30: {  	p1 =	slt.s32 s25, $0xC8  }
0x31: {  	p2 =	slt.s32 @!p1 s22, $0xC8  }
0x32: {  	p1 =	por p1, p2  }
0x33: {  	p2 =	sge.s32 @!p1 s18, s13  }
0x34: {  	p1 =	por p1, !p2  }
.Ltmp2:
0x35: {  	_ = 	snop;
	(pc) =	sbr.rel @!p1 .LBB2_5-.Ltmp2, $1  }
0x36: {  	_ =	sdelay $0x3  }
0x37: {  	s28 =	sshll.u32 s26, $0x5  }
0x38: {  	v16 =	vor.u32 s28, v11  }
0x39: {  	v17 =	vshll.u32 v16, $0x2;
	v16 =	vshll.u32 v16, $0x4  }
0x3a: {  	v18 =	vand.u32 $0x4, v17;
	v16 =	vand.u32 $0x3EE0, v16  }
0x3b: {  	v16 =	vor.u32 v18, v16  }
0x3c: {  	v18 =	vperm.xlane v16, v13;
	_ =	sdelay $0x1  }
0x3d: {  	s28 =	sor.u32 $0x10, s28;
	v18 =	vadd.s32 v14, v18  }
0x3e: {  	v19 =	vmov s28  }
0x3f: {  	v19 =	vshll.u32 v19, $0x2;
	v16 =	vperm.xlane v16, v15  }
0x40: {  	[tilespmem:$0x4000] =	vst v17;
	v17 =	vor.u32 v12, v19  }
0x41: {  	s28 =	simm.s32 $0x0;
	[tilespmem:$0x4010] =	vst v17;
	v16 =	vadd.s32 v14, v16  }
0x42: {  	[tilespmem:s28], [sflag:$0x1] =	stream.indirect_vreg.gather [hbm4b:s2+s28], $0x80, v18, vm0, $0xb8;
	[tilespmem:$0x6080] =	vst v63  }
0x43: {  	_ = 	snop  }
0x44: {  	[tilespmem:s14], [sflag:$0x1] =	stream.indirect_vreg.gather [hbm4b:s12+s28], $0x80, v18, vm0, $0xb8;
	[tilespmem:$0x6080] =	vst v63  }
0x45: {  	_ = 	snop  }
0x46: {  	[tilespmem:s15], [sflag:$0x1] =	stream.indirect_vreg.gather [hbm4b:s2+s28], $0x80, v16, vm0, $0xb8;
	[tilespmem:$0x6080] =	vst v63  }
0x47: {  	_ = 	snop  }
0x48: {  	[tilespmem:s16], [sflag:$0x1] =	stream.indirect_vreg.gather [hbm4b:s12+s28], $0x80, v16, vm0, $0xb8;
	[tilespmem:$0x6080] =	vst v63  }
0x49: {  	v16 =	vld [tilespmem:$0x4010];
	_ =	sdelay $0x4  }
0x4a: {  	v17 =	vshll.u32 v16, $0x2  }
0x4b: {  	v16 =	vand.u32 $0x7, v16;
	v17 =	vand.u32 $0xFFFFFFE0, v17  }
0x4c: {  	v16 =	vor.u32 v16, v17  }
0x4d: {  	v17 =	vperm.xlane v16, v13;
	_ =	sdelay $0x1  }
0x4e: {  	v17 =	vadd.s32 v14, v17;
	_ =	sdelay $0x1  }
0x4f: {  	v16 =	vperm.xlane v16, v15;
	_ =	sdelay $0x1  }
0x50: {  	v16 =	vadd.s32 v14, v16  }
0x51: {  	[tilespmem:s17], [sflag:$0x1] =	stream.indirect_vreg.gather [hbm4b:s2+s28], $0x80, v17, vm0, $0xb8;
	[tilespmem:$0x6080] =	vst v63  }
0x52: {  	_ = 	snop  }
0x53: {  	[tilespmem:s19], [sflag:$0x1] =	stream.indirect_vreg.gather [hbm4b:s12+s28], $0x80, v17, vm0, $0xb8;
	[tilespmem:$0x6080] =	vst v63  }
0x54: {  	_ = 	snop  }
0x55: {  	[tilespmem:s20], [sflag:$0x1] =	stream.indirect_vreg.gather [hbm4b:s2+s28], $0x80, v16, vm0, $0xb8;
	[tilespmem:$0x6080] =	vst v63  }
0x56: {  	_ = 	snop  }
0x57: {  	[tilespmem:s21], [sflag:$0x1] =	stream.indirect_vreg.gather [hbm4b:s12+s28], $0x80, v16, vm0, $0xb8;
	[tilespmem:$0x6080] =	vst v63  }
0x58: {  	_ =	swait.ge [sflag:s10], $0x4000  }
0x59: {  	[sflag:s10] =	ssyncset.done $0x0  }
0x5a: {  	s29 =	simm.s32 $0x0;
	s30 =	smov.u32 s24;
	[sflag:s10] =	ssyncadd.s32 $0xFFFFC000  }
.LBB2_3:
0x5b: {  	s31 =	sshrl.u32 s28, $0x3  }
0x5c: {  	s0 =	sshll.u32 s31, $0x7  }
0x5d: {  	s0 =	ssub.s32 s29, s0  }
0x5e: {  	v16 =	vmov s31;
	v17 =	vmov s0  }
0x5f: {  	v19 =	vshll.u32 v16, $0x9;
	v18 =	vshll.u32 v17, $0x2;
	v17 =	vshll.u32 v17, $0x5  }
0x60: {  	v16 =	vshll.u32 v16, $0x7;
	v19 =	vand.u32 $0x3000, v19;
	v17 =	vand.u32 $0xFFFFFC00, v17  }
0x61: {  	v16 =	vand.u32 $0x380, v16;
	v18 =	vor.u32 v12, v18;
	v17 =	vadd.s32 v19, v17  }
0x62: {  	v18 =	vand.u32 $0x7C, v18;
	v16 =	vor.u32 v16, v17  }
0x63: {  	v16 =	vor.u32 v18, v16;
	_ =	sdelay $0x4  }
0x64: {  	v16 =	vld.idx.msk [tilespmem:v16+s3+$0x0], $0xffff;
	_ =	sdelay $0x4  }
0x65: {  	vm1 =	veq.s32 v16, v1  }
0x66: {  	vm2 =	vne.s32 v16, $0x14;
	vm3 =	vge.s32 v16, v3;
	vm4 =	vle.s32 v16, v4  }
0x67: {  	vm2 =	vmand vm1, vm2;
	vm1 =	vmand vm3, vm4;
	vm3 =	vne.s32 v16, v5  }
0x68: {  	vm11 =	vle.s32 v16, v8;
	vm1 =	vmand vm3, vm1;
	vm3 =	vge.s32 v16, v7  }
0x69: {  	vm12 =	vne.s32 v16, v9;
	v17 =	vsel vm2, $0x1, v0;
	vm3 =	vmand vm3, vm11  }
0x6a: {  	(xrf0) =	vadd.scan.msk.s32 $0xffff, v17;
	v16 =	vsel vm1, $0x1, v0;
	vm3 =	vmand vm12, vm3  }
0x6b: {  	(xrf0) =	vadd.scan.msk.s32 $0xffff, v16;
	v16 =	vsel vm3, $0x1, v0  }
0x6c: {  	(xrf0) =	vadd.scan.msk.s32 $0xffff, v16;
	_ =	sdelay $0x3  }
0x6d: {  	v16, _, _ =	vpop (xrf0)  }
0x6e: {  	v17, _, _ =	vpop (xrf0);
	(v2sf) =	vpush v16, $0xF  }
0x6f: {  	(v2sf) =	vpush v17, $0xF;
	v60, _, _ =	vpop (xrf0)  }
0x70: {  	(v2sf) =	vpush v60, $0xF;
	_ =	sdelay $0x9  }
0x71: {  	v61 =	vmov s25  }
0x72: {  	v20 =	vmov s22;
	v19 =	vadd.s32 $0xFFFFFFFF, v61  }
0x73: {  	v21 =	vmov s18;
	v20 =	vadd.s32 $0xFFFFFFFF, v20;
	v19 =	vbroadcast v19, $0x0  }
0x74: {  	v21 =	vadd.s32 $0xFFFFFFFF, v21;
	v20 =	vbroadcast v20, $0x0;
	s0 =	spop (v2sf)  }
0x75: {  	v62 =	vbroadcast v21, $0x0;
	v16 =	vadd.s32 v16, v19;
	s31 =	spop (v2sf)  }
0x76: {  	v17 =	vadd.s32 v17, v20;
	vm13 =	vlt.s32 v16, $0xC8;
	s25 =	sadd.s32 s25, s0;
	s22 =	sadd.s32 s22, s31;
	s31 =	spop (v2sf)  }
0x77: {  	vm2 =	vmand vm2, vm13;
	vm14 =	vlt.s32 v17, $0xC8;
	v18 =	vadd.s32 v60, v62;
	p1 =	slt.s32 s25, $0xC8;
	p2 =	slt.s32 s22, $0xC8;
	s18 =	sadd.s32 s18, s31  }
0x78: {  	v16 =	vadd.s32 v2, v16;
	vm1 =	vmand vm1, vm14;
	vm15 =	vlt.s32 v18, $0xC8;
	p1 =	por p1, p2;
	p6 =	slt.s32 s18, s13  }
0x79: {  	v17 =	vadd.s32 v6, v17;
	vm3 =	vmand vm3, vm15;
	p2 =	por p1, p6;
	p1 =	sgt.u32 s28, $0xFE  }
0x7a: {  	v18 =	vadd.s32 v10, v18;
	p2 =	por p1, !p2  }
.Ltmp3:
0x7b: {  	_ = 	snop;
	(pc) =	sbr.rel @!p2 .LBB2_3-.Ltmp3, $4  }
0x7c: {  	v63 =	vor.u32 s30, v11  }
0x7d: {  	[tilespmem:v16+s23+$0x0] =	vst.idx.msk vm2, v63  }
0x7e: {  	[tilespmem:v17+s23+$0x0] =	vst.idx.msk vm1, v63  }
0x7f: {  	s30 =	sadd.s32 $0x10, s30;
	s29 =	sadd.s32 $0x10, s29;
	[tilespmem:v18+s23+$0x0] =	vst.idx.msk vm3, v63;
	s28 =	sadd.s32 $0x1, s28  }
.Ltmp4:
0x80: {  	(pc) =	sbr.rel .LBB2_5-.Ltmp4, $2  }
0x81: {  	_ =	sdelay $0x2  }
0x82: {  	s25 =	smov.u32 @p1 s25;
	s22 =	smov.u32 @p1 s22;
	s18 =	smov.u32 @p1 s18  }
.LBB2_6:
0x83: {  	p1 =	slt.s32 s25, $0xC8  }
0x84: {  	s25 =	simm.s32 @!p1 $0xC8  }
0x85: {  	vm0 =	vcmask $0x300;
	p1 =	slt.s32 s22, $0xC8;
	v0 =	vmov s25  }
0x86: {  	vm14 =	vcmask $0x704;
	s22 =	simm.s32 @!p1 $0xC8;
	p1 =	slt.s32 s18, $0xC8;
	v0 =	vnsel vm0, $0x0, v0  }
0x87: {  	vm15 =	vcmask $0xB08;
	s18 =	simm.s32 @!p1 $0xC8;
	v0 =	vsel vm14, s22, v0  }
0x88: {  	v0 =	vsel vm15, s18, v0  }
0x89: {  	s0 =	simm.s32 $0x0;
	s2 =	simm.s32 $0x2;
	[tilespmem:$0x6000] =	vst v0  }
0x8a: {  	[hbm4b:s9+s0] =	stream.linear.scatter [tilespmem:s5], [sflag:$0x2], $0xC8, $0x38;
	[tilespmem:$0x6080] =	vst v63  }
0x8b: {  	_ =	swait.ge [sflag:s2], $0xC8  }
0x8c: {  	[sflag:s2] =	ssyncset.done $0x0  }
0x8d: {  	[sflag:s2] =	ssyncadd.s32 $0xFFFFFF38  }
0x8e: {  	[hbm4b:s11+s0] =	stream.linear.scatter [tilespmem:s4], [sflag:$0x2], $0xC8, $0x38;
	[tilespmem:$0x6080] =	vst v63  }
0x8f: {  	_ =	swait.ge [sflag:s2], $0xC8  }
0x90: {  	[sflag:s2] =	ssyncset.done $0x0  }
0x91: {  	s3 =	simm.s32 @!p0 $0x0;
	[sflag:s2] =	ssyncadd.s32 $0xFFFFFF38  }
0x92: {  	[hbm4b:s7+s3] =	stream.linear.scatter @!p0 [tilespmem:s6], [sflag:$0x2], $0xC8, $0x38;
	[tilespmem:$0x6080] =	vst v63  }
0x93: {  	s3 =	simm.s32 @!p0 $0x2  }
0x94: {  	_ =	swait.ge @!p0 [sflag:s3], $0xC8  }
0x95: {  	[sflag:s3] =	ssyncset.done @!p0 $0x0  }
0x96: {  	s31 =	simm.s32 $0x6000;
	[sflag:s3] =	ssyncadd.s32 @!p0 $0xFFFFFF38  }
0x97: {  	[hbm4b:s8+s0] =	stream.linear.scatter [tilespmem:s31], [sflag:$0x2], $0x10, $0x38;
	[tilespmem:$0x6080] =	vst v63  }
0x98: {  	_ =	swait.ge [sflag:s2], $0x10  }
0x99: {  	[sflag:s2] =	ssyncset.done $0x0  }
0x9a: {  	[sflag:s2] =	ssyncadd.s32 $0xFFFFFFF0  }
0x9b: {  	_ =	sfence.sel $0x180000  }
0x9c: {  	[bflag:$0x0] =	sbarrier.arrive $0xFFFF  }
0x9d: {  	_ =	strace $0x90000047  }
0x9e: {  	[bflag:$0x2] =	sbarrier.arrive $0xFFFF  }
0x9f: {  	p0 =	sne.s32 s1, $0x0;
	s0 =	rddreg [dreg:$0x2]  }
0xa0: {  	s0 =	sadd.s32 @!p0 $0x100000, s0  }
0xa1: {  	[sflag:s0] =	ssyncadd.tile.s32 @!p0 $0x1;
	_ =	shalt  }
.Lfunc_end2:
_tile_overlayer_lowered:
.L_overlay_start_2:
0xa2: {  	(tag) =	ssettag $0x2  }
0xa3: {  	s0 =	rddreg [dreg:$0x0];
	s2 =	stileid.u32  }
0xa4: {  	s1 =	rddreg [dreg:$0x1];
	p0 =	sne.s32 s2, $0x0  }
0xa5: {  	s3 =	rddreg [dreg:$0x2];
	[bflag:$0x3] =	sbarrier.arrive $0xFFFF;
	s2 =	simm.s32 @!p0 $0x1C02  }
0xa6: {  	[timem:s3], [sflag:s2] =	dma.local @!p0 [hbm:s0], s1  }
0xa7: {  	s0 =	simm.s32 @!p0 $0x2  }
0xa8: {  	_ =	swait.ge @!p0 [sflag:s0], s1  }
0xa9: {  	s1 =	ssub.s32 @!p0 $0x0, s1;
	[sflag:s0] =	ssyncset.done @!p0 $0x0  }
0xaa: {  	[sflag:s0] =	ssyncadd.s32 @!p0 s1  }
0xab: {  	[bflag:$0x3] =	sbarrier.arrive $0xFFFF  }
0xac: {  	_ =	shalt  }

// kernel: kernel.8.cloned.1.call-start
scs
__scs_entry_jumppad:
0x0: {  	(pc) =	sbr.rel $0x88, $3  }
0x1: {  	(tag) =	ssettag $0x0;
	lr =	simm.s32 $0x1  }
0x2: {  	[smem:$0x3F9E] =	sst lr;
	_ =	strace $0xD0000000  }
0x3: {  	_ = 	snop  }
0x4: {  	_ = 	snop  }
0x5: {  	_ = 	snop  }
0x6: {  	_ = 	snop  }
0x7: {  	_ = 	snop  }
__scs_overlays_trampoline_lowered:
0x8: {  	[smem:$0x3FAD] =	sst s0  }
0x9: {  	[smem:$0x3FAE] =	sst s1  }
0xa: {  	[smem:$0x3FAF] =	sst s2  }
0xb: {  	[smem:$0x3FB0] =	sst s3  }
0xc: {  	[smem:$0x3FB1] =	sst s4  }
0xd: {  	[smem:$0x3FB2] =	sst s5  }
0xe: {  	[smem:$0x3FB3] =	sst s6  }
0xf: {  	[smem:$0x3FB4] =	sst s7  }
0x10: {  	[smem:$0x3FB5] =	sst s8  }
0x11: {  	[smem:$0x3FB6] =	sst s9;
	s0 =	simm.s32 @!p0 $0x0  }
0x12: {  	s1 =	sld [smem:$0x3F9C];
	s0 =	simm.s32 @p0 $0x1  }
0x13: {  	[smem:$0x3FB7] =	sst s0;
	s0 =	simm.s32 @!p1 $0x0  }
0x14: {  	s2 =	sld [smem:$0x3F9B];
	s0 =	simm.s32 @p1 $0x1  }
0x15: {  	[smem:$0x3FB8] =	sst s0;
	s0 =	simm.s32 @!p2 $0x0  }
0x16: {  	s3 =	sld [smem:$0x3FDB];
	s0 =	simm.s32 @p2 $0x1  }
0x17: {  	s4 =	simm.s32 $0x1BF5;
	[smem:$0x3FBA] =	sst s0  }
0x18: {  	s0 =	sld [smem:$0x3F9D];
	_ =	swait.ge [sflag:s4], $0x0  }
0x19: {  	s7 =	sld [smem:$0x3F9E]  }
0x1a: {  	s8 =	sadd.s32 $0xFFFFE003, lr  }
0x1b: {  	s9 =	sadd.s32 $0xFFFFFEF7, lr;
	s5 =	simm.s32 $0xFFFFFFFF;
	p2 =	slt.u32 s8, $0xFFFFF086  }
0x1c: {  	p1 =	slt.u32 s9, $0xF7A;
	s5 =	simm.s32 @!p2 $0x0  }
0x1d: {  	s5 =	simm.s32 @p1 $0x1;
	p0 =	seq.s32 s7, s2  }
0x1e: {  	s7 =	smul.u32 @!p0 $0xF7A, s2;
	p2 =	seq.s32 @!p0 s5, $0x0  }
0x1f: {  	s9 =	smul.u32 $0xF7A, s1;
	s8 =	simm.s32 @!p0 $0x1BF5;
	p2 =	por !p2, p0  }
0x20: {  	[sflag:s8] =	ssyncset.s32 @!p0 $0xFFFFF086;
	s6 =	sadd.s32 @!p0 s3, s7;
	s7 =	simm.s32 @!p0 $0x108  }
0x21: {  	s3 =	sadd.s32 s3, s9;
	s6 =	sadd.s32 @!p0 $0x88, s6;
	s7 =	simm.s32 @p2 $0x1082  }
0x22: {  	[simem:s7], [sflag:s8] =	dma.local @!p0 [hbm:s6], $0xF7A  }
0x23: {  	s9 =	sor.u32 $0xD0000000, s2;
	s6 =	simm.s32 $0x108;
	_ =	swait.ge @!p0 [sflag:s8], $0x0  }
0x24: {  	s3 =	sadd.s32 $0x88, s3;
	s6 =	simm.s32 @!p1 $0x1082;
	[sflag:s4] =	ssyncset.s32 $0xFFFFF086  }
0x25: {  	[simem:s6], [sflag:s4] =	dma.local [hbm:s3], $0xF7A  }
0x26: {  	[smem:$0x3F9E] =	sst s1;
	(tag) =	ssettag s2;
	_ =	strace s9  }
0x27: {  	s1 =	sld [smem:$0x3FAE]  }
0x28: {  	s2 =	sld [smem:$0x3FAF]  }
0x29: {  	s4 =	sld [smem:$0x3FB1]  }
0x2a: {  	p0 =	seq.s32 s5, $0x0;
	s5 =	sld [smem:$0x3FB2]  }
0x2b: {  	s6 =	sld [smem:$0x3FB3]  }
0x2c: {  	s7 =	sld [smem:$0x3FB4]  }
0x2d: {  	s3 =	simm.s32 $0x108;
	s8 =	sld [smem:$0x3FB5]  }
0x2e: {  	s3 =	simm.s32 @!p0 $0x1082;
	s9 =	sld [smem:$0x3FB6]  }
0x2f: {  	lr =	sadd.s32 s0, s3;
	s0 =	sld [smem:$0x3FAD]  }
0x30: {  	s3 =	sld [smem:$0x3FB0]  }
0x31: {  	[smem:$0x3FB9] =	sst s10  }
0x32: {  	s10 =	sld [smem:$0x3FB7];
	_ =	sdelay $0x3  }
0x33: {  	p0 =	seq.s32 s10, $0x1;
	s10 =	sld [smem:$0x3FB9];
	_ =	sdelay $0x3  }
0x34: {  	[smem:$0x3FB9] =	sst s10  }
0x35: {  	s10 =	sld [smem:$0x3FB8];
	_ =	sdelay $0x3  }
0x36: {  	p1 =	seq.s32 s10, $0x1;
	s10 =	sld [smem:$0x3FB9];
	_ =	sdelay $0x3  }
0x37: {  	[smem:$0x3FB9] =	sst s10  }
0x38: {  	s10 =	sld [smem:$0x3FBA]  }
0x39: {  	_ = 	snop;
	(pc) =	sbr.ind lr, $3  }
0x3a: {  	_ = 	snop  }
0x3b: {  	_ = 	snop  }
0x3c: {  	p2 =	seq.s32 s10, $0x1;
	s10 =	sld [smem:$0x3FB9]  }
0x3d: {  	_ =	shalt  }
0x3e: {  	_ =	shalt  }
0x3f: {  	_ =	shalt  }
0x40: {  	_ =	shalt  }
0x41: {  	_ =	shalt  }
0x42: {  	_ =	shalt  }
0x43: {  	_ =	shalt  }
0x44: {  	_ =	shalt  }
0x45: {  	_ =	shalt  }
0x46: {  	_ =	shalt  }
0x47: {  	_ =	shalt  }
0x48: {  	_ =	shalt  }
0x49: {  	_ =	shalt  }
0x4a: {  	_ =	shalt  }
0x4b: {  	_ =	shalt  }
0x4c: {  	_ =	shalt  }
0x4d: {  	_ =	shalt  }
0x4e: {  	_ =	shalt  }
0x4f: {  	_ =	shalt  }
0x50: {  	_ =	shalt  }
0x51: {  	_ =	shalt  }
0x52: {  	_ =	shalt  }
0x53: {  	_ =	shalt  }
0x54: {  	_ =	shalt  }
0x55: {  	_ =	shalt  }
0x56: {  	_ =	shalt  }
0x57: {  	_ =	shalt  }
0x58: {  	_ =	shalt  }
0x59: {  	_ =	shalt  }
0x5a: {  	_ =	shalt  }
0x5b: {  	_ =	shalt  }
0x5c: {  	_ =	shalt  }
0x5d: {  	_ =	shalt  }
0x5e: {  	_ =	shalt  }
0x5f: {  	_ =	shalt  }
0x60: {  	_ =	shalt  }
0x61: {  	_ =	shalt  }
0x62: {  	_ =	shalt  }
0x63: {  	_ =	shalt  }
0x64: {  	_ =	shalt  }
0x65: {  	_ =	shalt  }
0x66: {  	_ =	shalt  }
0x67: {  	_ =	shalt  }
0x68: {  	_ =	shalt  }
0x69: {  	_ =	shalt  }
0x6a: {  	_ =	shalt  }
0x6b: {  	_ =	shalt  }
0x6c: {  	_ =	shalt  }
0x6d: {  	_ =	shalt  }
0x6e: {  	_ =	shalt  }
0x6f: {  	_ =	shalt  }
0x70: {  	_ =	shalt  }
0x71: {  	_ =	shalt  }
0x72: {  	_ =	shalt  }
0x73: {  	_ =	shalt  }
0x74: {  	_ =	shalt  }
0x75: {  	_ =	shalt  }
0x76: {  	_ =	shalt  }
0x77: {  	_ =	shalt  }
0x78: {  	_ =	shalt  }
0x79: {  	_ =	shalt  }
0x7a: {  	_ =	shalt  }
0x7b: {  	_ =	shalt  }
0x7c: {  	_ =	shalt  }
0x7d: {  	_ =	shalt  }
0x7e: {  	_ =	shalt  }
0x7f: {  	_ =	shalt  }
0x80: {  	_ =	shalt  }
0x81: {  	_ =	shalt  }
0x82: {  	_ =	shalt  }
0x83: {  	_ =	shalt  }
0x84: {  	_ =	shalt  }
0x85: {  	_ =	shalt  }
0x86: {  	_ =	shalt  }
0x87: {  	_ =	shalt  }
.Lfunc_end0:
.L_simem_size_0:
called_computation.1_lowered:
.L_overlay_start_0:
0x88: {  	s0 =	sld [smem:$0x3FD9]  }
0x89: {  	s1 =	sld [smem:$0x3FFE];
	_ =	sdelay $0x3  }
0x8a: {  	s0 =	sadd.s32 s1, s0  }
0x8b: {  	[smem:$0x3FC5] =	sst s0  }
0x8c: {  	_ = 	snop  }
0x8d: {  	s0 =	sld [smem:$0x3FD0];
	_ =	sdelay $0x2  }
0x8e: {  	s13 =	simm.s32 $0xA;
	s2 =	simm.s32 $0x10  }
0x8f: {  	[smem:s2], [sflag:s13] =	dma.local [hbm:s0], $0x1  }
0x90: {  	_ =	swait.eq [sflag:s13], $0x1  }
0x91: {  	[sflag:s13] =	ssyncset.done $0x0  }
0x92: {  	s14 =	sld [smem:$0x10];
	[sflag:s13] =	ssyncadd.s32 $0xFFFFFFFF  }
0x93: {  	s15 =	sld [smem:$0x11];
	(tm) =	ssettm $0x1  }
0x94: {  	s16 =	sld [smem:$0x3FFB];
	_ =	sdelay $0x3  }
0x95: {  	_ =	strace s16  }
0x96: {  	s2 =	sld [smem:$0x3FFC];
	_ =	sdelay $0x3  }
0x97: {  	_ =	strace s2  }
0x98: {  	s2 =	sld [smem:$0x3FFD];
	_ =	sdelay $0x3  }
0x99: {  	_ =	strace s2  }
0x9a: {  	_ =	strace $0x8FFFFFFF  }
0x9b: {  	s17 =	sld [smem:$0x3FDB];
	_ =	sdelay $0x1  }
0x9c: {  	s3 =	simm.s32 $_scs_section_size  }
0x9d: {  	s4 =	simm.s32 $_size__tile_overlayer_lowered;
	s5 =	simm.s32 $_tile_overlayer_lowered  }
0x9e: {  	s20 =	simm.s32 $0x1BFF;
	s19 =	sshll.u32 s5, $0x1;
	s2 =	sadd.s32 s3, s17  }
0x9f: {  	s6 =	simm.s32 $0x0;
	s18 =	sshll.u32 s4, $0x1;
	s4 =	sadd.s32 s19, s2  }
0xa0: {  	[timem:s6], [sflag:s20] =	dma.local [hbm:s4], s18  }
0xa1: {  	_ =	swait.ge [sflag:s20], s18  }
0xa2: {  	s3 =	ssub.s32 $0x0, s18;
	[sflag:s20] =	ssyncset.done $0x0  }
0xa3: {  	[sflag:s20] =	ssyncadd.s32 s3;
	_ =	sdelay $0x1  }
0xa4: {  	s21 =	simm.s32 $0x1B8B  }
0xa5: {  	_ =	swait.ge [sflag:s21], $0x1  }
0xa6: {  	[sflag:s21] =	ssyncset.done $0x0  }
0xa7: {  	s23 =	simm.s32 $0x1B8E;
	s22 =	sld [smem:$0x3FFE];
	[sflag:s21] =	ssyncadd.s32 $0xFFFFFFFF  }
0xa8: {  	s24 =	simm.s32 $execute0_lowered;
	[smem:$0x3FD2] =	sst s23  }
0xa9: {  	s4 =	sshll.u32 s24, $0x1;
	_ =	strace $0x80000049;
	[dreg:$0x1] =	wrdreg $0xFFFFFFFF  }
0xaa: {  	s25 =	simm.s32 $_size_execute0_lowered;
	s2 =	sadd.s32 s2, s4;
	[dreg:$0x0] =	wrdreg $0x0  }
0xab: {  	s4 =	sshll.u32 s25, $0x1;
	[dreg:$0x2] =	wrdreg s2  }
0xac: {  	[dreg:$0x3] =	wrdreg s4  }
0xad: {  	[dreg:$0x4] =	wrdreg $0xC0  }
0xae: {  	_ =	task [dreg:s6], $0x5FFFF  }
0xaf: {  	[dreg:$0x1] =	wrdreg $0xFFFFFFFF  }
0xb0: {  	[dreg:$0x0] =	wrdreg $0x60  }
0xb1: {  	[dreg:$0x2] =	wrdreg s22  }
0xb2: {  	[dreg:$0x3] =	wrdreg s14  }
0xb3: {  	[dreg:$0x4] =	wrdreg s15  }
0xb4: {  	[dreg:$0x5] =	wrdreg $0x9  }
0xb5: {  	_ =	task.clear_ibuf [dreg:s6], $0x6FFFF;
	_ =	strace $0x90000049  }
0xb6: {  	s26 =	simm.s32 $0x9;
	_ =	strace $0x8000004B  }
0xb7: {  	_ =	swait.ge [sflag:s26], $0x1  }
0xb8: {  	[sflag:s26] =	ssyncadd.s32 $0xFFFFFFFF  }
0xb9: {  	_ =	strace $0x9000004B  }
0xba: {  	_ =	sfence  }
0xbb: {  	s28 =	sld [smem:$0x0];
	_ =	sdelay $0x1  }
0xbc: {  	s29 =	srdreg.scid  }
0xbd: {  	s30 =	sshll.u32 s29, $0xD;
	s31 =	sshrl.u32 s29, $0x2  }
0xbe: {  	s1 =	sand.u32 $0x1, s29;
	s2 =	sand.u32 $0x4000, s30;
	s0 =	sadd.s32 s31, s28  }
0xbf: {  	s1 =	sor.u32 s2, s1;
	s0 =	sshll.u32 s0, $0x11  }
0xc0: {  	s0 =	sor.u32 s0, s1  }
0xc1: {  	s0 =	sadd.s32 $0x8F2B, s0  }
0xc2: {  	[sflag:s0] =	ssyncadd.remote.s32 $0x1  }
0xc3: {  	_ =	sfence.sel $0xFFFF  }
0xc4: {  	[dreg:$0x0] =	wrdreg $0xFFFFFFFF;
	(pc) =	sbr.abs _section_cstart, $3  }
0xc5: {  	[dreg:$0x1] =	wrdreg $0xFFFFFFFF  }
0xc6: {  	_ =	task.clear_ibuf [dreg:s6], $0x2FFFF;
	_ =	strace $0x9FFFFFFF  }
0xc7: {  	(tm) =	ssettm $0x7FFFFFFF  }
tec
execute0_lowered:
.L_overlay_start_1:
0x0: {  	(tag) =	ssettag $0x1  }
0x1: {  	s4 =	rddreg [dreg:$0x0]  }
0x2: {  	s2 =	rddreg [dreg:$0x1]  }
0x3: {  	s1 =	rddreg [dreg:$0x2]  }
0x4: {  	s0 =	rddreg [dreg:$0x3];
	s6 =	simm.s32 $0x0  }
0x5: {  	[smem:$0x7FF] =	sst s6  }
0x6: {  	s28 =	simm.s32 $0x2;
	s3 =	sadd.s32 $0x1000, s4;
	_ =	strace $0x8000004A  }
0x7: {  	[tilespmem:s6], [sflag:$0x2] =	stream.linear.gather [hbm4b:s3+s6], $0x1F40, $0x38;
	[tilespmem:$0x19000] =	vst v63  }
0x8: {  	_ =	swait.ge [sflag:s28], $0x1F40  }
0x9: {  	[sflag:s28] =	ssyncset.done $0x0  }
0xa: {  	s7 =	simm.s32 $0x2000;
	s5 =	sadd.s32 $0x1400, s4;
	[sflag:s28] =	ssyncadd.s32 $0xFFFFE0C0  }
0xb: {  	[tilespmem:s7], [sflag:$0x2] =	stream.linear.gather [hbm4b:s5+s6], $0x100, $0x38;
	[tilespmem:$0x19000] =	vst v63  }
0xc: {  	_ =	swait.ge [sflag:s28], $0x100  }
0xd: {  	[sflag:s28] =	ssyncset.done $0x0  }
0xe: {  	s8 =	simm.s32 $0x1F80;
	s29 =	sadd.s32 $0x201600, s4;
	[sflag:s28] =	ssyncadd.s32 $0xFFFFFF00  }
0xf: {  	[tilespmem:s8], [sflag:$0x2] =	stream.linear.gather [hbm4b:s29+s6], $0x80, $0x38;
	[tilespmem:$0x19000] =	vst v63  }
0x10: {  	_ =	swait.ge [sflag:s28], $0x80  }
0x11: {  	[sflag:s28] =	ssyncset.done $0x0  }
0x12: {  	[sflag:s28] =	ssyncadd.s32 $0xFFFFFF80  }
0x13: {  	v0 =	vld [tilespmem:$0x1F80];
	_ =	sdelay $0x4  }
0x14: {  	(v2sf) =	vpush v0, $0x0  }
0x15: {  	v2 =	vimm.s32 $0x61514131;
	v0 =	vimm.s32 $0xE1D1C1B1  }
0x16: {  	v3 =	vimm.s32 $0xA1918171;
	v1 =	vunpack.c.0.s8.s32 v0;
	v0 =	vimm.s32 $0x221202F1  }
0x17: {  	v2 =	vunpack.c.0.s8.s32 v2;
	v3 =	vunpack.c.0.s8.s32 v3;
	v4 =	vunpack.c.0.s8.s32 v0  }
0x18: {  	vm0 =	vcmask $0x1F10  }
0x19: {  	v2 =	vsel vm0, v3, v2;
	v0 =	vlaneseq.u32;
	v1 =	vsel vm0, v4, v1  }
0x1a: {  	v3 =	vmul.u32 $0x10, v0;
	v1 =	vcombine.low v2, v1;
	_ =	sdelay $0x1  }
0x1b: {  	v1 =	vand.u32 $0xFF, v1  }
0x1c: {  	v4 =	vld [tilespmem:$0x2070]  }
0x1d: {  	v2 =	vld [tilespmem:$0x2060];
	_ =	sdelay $0x1  }
0x1e: {  	v3 =	vld.idx.msk [tilespmem:v3+s7+$0x0], $0xffff  }
0x1f: {  	v1 =	vld.idx.msk [tilespmem:v1+s7+$0x0], $0xffff;
	_ =	sdelay $0x1  }
0x20: {  	v5 =	vimm.s32 $0x21211101;
	v4 =	vbroadcast v4, $0x2;
	v2 =	vbroadcast v2, $0x2;
	s8 =	spop (v2sf)  }
0x21: {  	v6 =	vimm.s32 $0x52524232;
	v5 =	vunpack.c.0.s8.s32 v5;
	vm0 =	vmmov $0x3ff;
	p0 =	slt.s32 s8, $0xC8  }
0x22: {  	v6 =	vunpack.c.0.s8.s32 v6;
	v4 =	vsel vm0, v4, v2;
	vm0 =	vcmask $0xF00;
	s8 =	simm.s32 @!p0 $0xC8  }
0x23: {  	v5 =	vnsel vm0, $0x21, v5;
	vm1 =	vlt.s32 v3, v1;
	vm2 =	vlt.s32 v4, s8  }
0x24: {  	v1 =	vsel vm1, v3, v1;
	v3 =	vnsel vm2, s8, v4;
	v4 =	vnsel vm0, $0x52, v6  }
0x25: {  	vm0 =	vlt.s32 v1, v3  }
0x26: {  	v1 =	vsel vm0, v1, v3  }
0x27: {  	[tilespmem:$0x2100] =	vst v1  }
0x28: {  	v3 =	vld.idx.msk [tilespmem:v5+s7+$0x0], $0xffff  }
0x29: {  	s3 =	stileid.u32;
	v4 =	vld.idx.msk [tilespmem:v4+s7+$0x0], $0xffff  }
0x2a: {  	s5 =	smul.u32 $0xF0, s3;
	_ =	sdelay $0x1  }
0x2b: {  	v1 =	vmov s5;
	v5 =	vor.u32 s6, v0  }
0x2c: {  	v6 =	vadd.s32 v1, v5  }
0x2d: {  	vm1 =	vlt.s32 v2, s8;
	vm2 =	vlt.s32 v6, $0xED7;
	vm0 =	vlt.s32 v3, v4  }
0x2e: {  	v2 =	vnsel vm1, s8, v2;
	v6 =	vnsel vm2, $0xED7, v6;
	v3 =	vsel vm0, v3, v4  }
0x2f: {  	v4 =	vmulhi.u32 $0x51EB851F, v6;
	vm0 =	vlt.s32 v3, v2  }
0x30: {  	v2 =	vsel vm0, v3, v2;
	vm0 =	vmmov $0x7  }
0x31: {  	v7 =	vnsel vm0, $0x0, v2;
	v2 =	vshrl.u32 v4, $0x6  }
0x32: {  	s30 =	simm.s32 $0x10;
	v8 =	vadd.s32 $0xED8, v6;
	v4 =	vmul.u32 $0xC8, v2  }
0x33: {  	v3 =	vor.u32 s30, v0;
	vm0 =	vlt.u32 v6, $0x7D0;
	v2 =	vimm.s32 $0x1DB0  }
0x34: {  	v9 =	vadd.s32 v1, v3;
	v10 =	vsel vm0, $0x1E78, v2;
	v4 =	vsub.s32 v6, v4  }
0x35: {  	[tilespmem:$0x2110] =	vst v7;
	vm0 =	vlt.s32 v9, $0xED7;
	v7 =	vadd.s32 v4, v10  }
0x36: {  	v4 =	vnsel vm0, $0xED7, v9  }
0x37: {  	v11 =	vmul.u32 $0x3, v5;
	v5 =	vmulhi.u32 $0x51EB851F, v4  }
0x38: {  	v12 =	vld.idx.msk [tilespmem:v6+s6+$0x0], $0xffff  }
0x39: {  	v14 =	vadd.s32 $0x1, v11;
	v13 =	vld.idx.msk [tilespmem:v8+s6+$0x0], $0xffff;
	v5 =	vshrl.u32 v5, $0x6  }
0x3a: {  	v9 =	vadd.s32 $0x2, v11;
	vm0 =	vlt.u32 v4, $0x7D0;
	v8 =	vmul.u32 $0xC8, v5;
	v6 =	vld.idx.msk [tilespmem:v7+s6+$0x0], $0xffff  }
0x3b: {  	s31 =	simm.s32 $0x20;
	v15 =	vsel vm0, $0x1E78, v2  }
0x3c: {  	s8 =	simm.s32 $0x2180;
	v5 =	vor.u32 s31, v0;
	v7 =	vadd.s32 $0xED8, v4;
	v8 =	vsub.s32 v4, v8  }
0x3d: {  	v10 =	vadd.s32 v1, v5;
	[tilespmem:v11+s8+$0x0] =	vst.idx.msk $0xffff, v12;
	v8 =	vadd.s32 v8, v15  }
0x3e: {  	s9 =	simm.s32 $0x30;
	s7 =	sadd.s32 $0x1600, s4;
	s4 =	sadd.s32 $0x201800, s4;
	vm0 =	vlt.s32 v10, $0xED7;
	[tilespmem:v14+s8+$0x0] =	vst.idx.msk $0xffff, v13  }
.LBB2_1:
0x3f: {  	p0 =	sne.s32 s9, $0xE0;
	v10 =	vnsel vm0, $0xED7, v10;
	[tilespmem:v9+s8+$0x0] =	vst.idx.msk $0xffff, v6;
	s10 =	smov.u32 s9;
	s9 =	sadd.s32 $0x10, s9  }
0x40: {  	v12 =	vmul.u32 $0x3, v3;
	v3 =	vmovc v5;
	v6 =	vmulhi.u32 $0x51EB851F, v10;
	vm0 =	vlt.u32 v10, $0x7D0;
	v11 =	vld.idx.msk [tilespmem:v4+s6+$0x0], $0xffff;
	v4 =	vmovc v10  }
0x41: {  	v13 =	vld.idx.msk [tilespmem:v7+s6+$0x0], $0xffff  }
0x42: {  	v14 =	vadd.s32 $0x1, v12;
	v5 =	vshrl.u32 v6, $0x6;
	v6 =	vld.idx.msk [tilespmem:v8+s6+$0x0], $0xffff  }
.Ltmp0:
0x43: {  	v9 =	vadd.s32 $0x2, v12;
	v8 =	vmul.u32 $0xC8, v5;
	(pc) =	sbr.rel @p0 .LBB2_1-.Ltmp0, $4  }
0x44: {  	v7 =	vadd.s32 $0xED8, v4  }
0x45: {  	v15 =	vsel vm0, $0x1E78, v2;
	v5 =	vor.u32 s10, v0;
	v8 =	vsub.s32 v4, v8  }
0x46: {  	v10 =	vadd.s32 v1, v5;
	v8 =	vadd.s32 v8, v15;
	[tilespmem:v12+s8+$0x0] =	vst.idx.msk $0xffff, v11  }
0x47: {  	vm0 =	vlt.s32 v10, $0xED7;
	[tilespmem:v14+s8+$0x0] =	vst.idx.msk $0xffff, v13  }
0x48: {  	_ =	sdelay $0x2  }
0x49: {  	v0 =	vnsel vm0, $0xED7, v10  }
0x4a: {  	[tilespmem:v9+s8+$0x0] =	vst.idx.msk $0xffff, v6;
	v3 =	vmul.u32 $0x3, v3;
	v1 =	vmulhi.u32 $0x51EB851F, v0  }
0x4b: {  	v4 =	vld.idx.msk [tilespmem:v4+s6+$0x0], $0xffff  }
0x4c: {  	v6 =	vld.idx.msk [tilespmem:v7+s6+$0x0], $0xffff;
	v7 =	vadd.s32 $0x1, v3;
	v1 =	vshrl.u32 v1, $0x6  }
0x4d: {  	v8 =	vld.idx.msk [tilespmem:v8+s6+$0x0], $0xffff;
	v9 =	vadd.s32 $0x2, v3;
	v1 =	vmul.u32 $0xC8, v1  }
0x4e: {  	vm0 =	vlt.u32 v0, $0x7D0  }
0x4f: {  	v10 =	vadd.s32 $0xED8, v0;
	v2 =	vsel vm0, $0x1E78, v2;
	v1 =	vsub.s32 v0, v1  }
0x50: {  	[tilespmem:v3+s8+$0x0] =	vst.idx.msk $0xffff, v4;
	v1 =	vadd.s32 v1, v2  }
0x51: {  	[tilespmem:v7+s8+$0x0] =	vst.idx.msk $0xffff, v6  }
0x52: {  	v2 =	vmul.u32 $0x3, v5;
	[tilespmem:v9+s8+$0x0] =	vst.idx.msk $0xffff, v8  }
0x53: {  	v0 =	vld.idx.msk [tilespmem:v0+s6+$0x0], $0xffff  }
0x54: {  	v3 =	vld.idx.msk [tilespmem:v10+s6+$0x0], $0xffff;
	v4 =	vadd.s32 $0x1, v2  }
0x55: {  	v5 =	vadd.s32 $0x2, v2;
	v1 =	vld.idx.msk [tilespmem:v1+s6+$0x0], $0xffff;
	_ =	sdelay $0x2  }
0x56: {  	[tilespmem:v2+s8+$0x0] =	vst.idx.msk $0xffff, v0  }
0x57: {  	[tilespmem:v4+s8+$0x0] =	vst.idx.msk $0xffff, v3  }
0x58: {  	s14 =	simm.s32 $0x78;
	s15 =	simm.s32 $0x2180;
	s9 =	simm.s32 $0x2480;
	[tilespmem:v5+s8+$0x0] =	vst.idx.msk $0xffff, v1  }
0x59: {  	[tilespmem:s9], [sflag:$0x1] =	stream.indirect.gather [hbm4b:s7+s14], $0x80, s15, s14, $0xb8;
	[tilespmem:$0x19000] =	vst v63  }
0x5a: {  	s16 =	simm.s32 $0x21F8;
	s17 =	simm.s32 $0x6080  }
0x5b: {  	[tilespmem:s17], [sflag:$0x1] =	stream.indirect.gather [hbm4b:s7+s14], $0x80, s16, s14, $0xb8;
	[tilespmem:$0x19000] =	vst v63  }
0x5c: {  	s18 =	simm.s32 $0x2270;
	s19 =	simm.s32 $0x9C80  }
0x5d: {  	[tilespmem:s19], [sflag:$0x1] =	stream.indirect.gather [hbm4b:s7+s14], $0x80, s18, s14, $0xb8;
	[tilespmem:$0x19000] =	vst v63  }
0x5e: {  	s20 =	simm.s32 $0x22E8;
	s21 =	simm.s32 $0xD880  }
0x5f: {  	[tilespmem:s21], [sflag:$0x1] =	stream.indirect.gather [hbm4b:s7+s14], $0x80, s20, s14, $0xb8;
	[tilespmem:$0x19000] =	vst v63  }
0x60: {  	s22 =	simm.s32 $0x2360;
	s23 =	simm.s32 $0x11480  }
0x61: {  	[tilespmem:s23], [sflag:$0x1] =	stream.indirect.gather [hbm4b:s7+s14], $0x80, s22, s14, $0xb8;
	[tilespmem:$0x19000] =	vst v63  }
0x62: {  	s24 =	simm.s32 $0x23D8;
	s25 =	simm.s32 $0x15080;
	s26 =	simm.s32 $0x1  }
0x63: {  	[tilespmem:s25], [sflag:$0x1] =	stream.indirect.gather [hbm4b:s7+s14], $0x80, s24, s14, $0xb8;
	[tilespmem:$0x19000] =	vst v63  }
0x64: {  	_ =	swait.ge [sflag:s26], $0x3C00  }
0x65: {  	[sflag:s26] =	ssyncset.done $0x0  }
0x66: {  	[sflag:s26] =	ssyncadd.s32 $0xFFFFC400  }
0x67: {  	_ =	swait.ge [sflag:s26], $0x3C00  }
0x68: {  	[sflag:s26] =	ssyncset.done $0x0  }
0x69: {  	[sflag:s26] =	ssyncadd.s32 $0xFFFFC400  }
0x6a: {  	_ =	swait.ge [sflag:s26], $0x3C00  }
0x6b: {  	[sflag:s26] =	ssyncset.done $0x0  }
0x6c: {  	[sflag:s26] =	ssyncadd.s32 $0xFFFFC400  }
0x6d: {  	_ =	swait.ge [sflag:s26], $0x3C00  }
0x6e: {  	[sflag:s26] =	ssyncset.done $0x0  }
0x6f: {  	[sflag:s26] =	ssyncadd.s32 $0xFFFFC400  }
0x70: {  	_ =	swait.ge [sflag:s26], $0x3C00  }
0x71: {  	[sflag:s26] =	ssyncset.done $0x0  }
0x72: {  	[sflag:s26] =	ssyncadd.s32 $0xFFFFC400  }
0x73: {  	_ =	swait.ge [sflag:s26], $0x3C00  }
0x74: {  	[sflag:s26] =	ssyncset.done $0x0  }
0x75: {  	[sflag:s26] =	ssyncadd.s32 $0xFFFFC400  }
0x76: {  	v1 =	vld [tilespmem:$0x2100]  }
0x77: {  	s28 =	simm.s32 $0x2600;
	v0 =	vld [tilespmem:$0x2110]  }
0x78: {  	v2 =	vld [tilespmem:s28+$0x50]  }
0x79: {  	v3 =	vld [tilespmem:s28+$0xD0]  }
0x7a: {  	v4 =	vld [tilespmem:s28+$0x150]  }
0x7b: {  	v5 =	vld [tilespmem:s28+$0xFFFFFED0]  }
0x7c: {  	v6 =	vld [tilespmem:s28+$0x40]  }
0x7d: {  	v7 =	vld [tilespmem:s28+$0xC0]  }
0x7e: {  	v8 =	vld [tilespmem:s28+$0x140]  }
0x7f: {  	v9 =	vld [tilespmem:s28+$0xFFFFFEC0]  }
0x80: {  	v10 =	vld [tilespmem:s28+$0x30]  }
0x81: {  	v11 =	vld [tilespmem:s28+$0xB0]  }
0x82: {  	v12 =	vld [tilespmem:s28+$0x130]  }
0x83: {  	v13 =	vld [tilespmem:s28+$0xFFFFFEB0]  }
0x84: {  	v14 =	vld [tilespmem:s28+$0x20]  }
0x85: {  	v15 =	vld [tilespmem:s28+$0xA0]  }
0x86: {  	v16 =	vld [tilespmem:s28+$0x120]  }
0x87: {  	v17 =	vld [tilespmem:s28+$0xFFFFFEA0]  }
0x88: {  	v18 =	vld [tilespmem:s28+$0x0]  }
0x89: {  	v19 =	vld [tilespmem:s28+$0x80]  }
0x8a: {  	v20 =	vld [tilespmem:s28+$0x10]  }
0x8b: {  	v21 =	vld [tilespmem:s28+$0x90]  }
0x8c: {  	v22 =	vld [tilespmem:s28+$0x100]  }
0x8d: {  	v23 =	vld [tilespmem:s28+$0x110]  }
0x8e: {  	v24 =	vld [tilespmem:s28+$0xFFFFFE80]  }
0x8f: {  	v25 =	vld [tilespmem:s28+$0xFFFFFF00]  }
0x90: {  	v26 =	vld [tilespmem:s28+$0xFFFFFE90];
	v19 =	vmul.f32 v19, v18  }
0x91: {  	v28 =	vld [tilespmem:s28+$0xFFFFFF80]  }
0x92: {  	v27 =	vld [tilespmem:s28+$0xFFFFFF10];
	v21 =	vmul.f32 v21, v20;
	v19 =	vadd.f32 $0.0e+00, v19  }
0x93: {  	v52 =	vld [tilespmem:s28+$0xFFFFFF30];
	v18 =	vmul.f32 v22, v18;
	v3 =	vmul.f32 v3, v2  }
0x94: {  	v15 =	vmul.f32 v15, v14;
	v20 =	vmul.f32 v23, v20;
	v19 =	vadd.f32 v21, v19;
	v21 =	vld [tilespmem:s28+$0xFFFFFF90]  }
0x95: {  	v22 =	vld [tilespmem:s28+$0xFFFFFF20];
	v23 =	vmul.f32 v25, v24;
	v7 =	vmul.f32 v7, v6;
	v18 =	vadd.f32 $0.0e+00, v18  }
0x96: {  	v6 =	vmul.f32 v8, v6;
	v8 =	vmul.f32 v28, v24;
	v15 =	vadd.f32 v15, v19;
	v19 =	vld [tilespmem:s28+$0xFFFFFFA0]  }
0x97: {  	v53 =	vld [tilespmem:s28+$0xFFFFFF40];
	v11 =	vmul.f32 v11, v10;
	v14 =	vmul.f32 v16, v14;
	v18 =	vadd.f32 v20, v18  }
0x98: {  	s8 =	simm.s32 $0x2900;
	v16 =	vadd.f32 $0.0e+00, v23;
	v23 =	vmul.f32 v27, v26;
	v8 =	vadd.f32 $0.0e+00, v8;
	v20 =	vld [tilespmem:s28+$0xFFFFFFB0]  }
0x99: {  	v55 =	vld [tilespmem:s8+$0x100];
	v14 =	vadd.f32 v14, v18;
	v11 =	vadd.f32 v11, v15;
	v18 =	vmul.f32 v21, v26  }
0x9a: {  	v10 =	vmul.f32 v12, v10;
	v15 =	vadd.f32 v23, v16;
	v16 =	vmul.f32 v22, v17;
	v21 =	vld [tilespmem:s28+$0xFFFFFFC0]  }
0x9b: {  	v22 =	vld [tilespmem:s28+$0xFFFFFF50];
	v7 =	vadd.f32 v7, v11;
	v8 =	vadd.f32 v18, v8;
	v11 =	vmul.f32 v19, v17  }
0x9c: {  	v10 =	vadd.f32 v10, v14;
	v12 =	vadd.f32 v16, v15;
	v15 =	vmul.f32 v52, v13;
	v17 =	vld [tilespmem:s28+$0xFFFFFFD0]  }
0x9d: {  	s29 =	sadd.s32 $0xFFFFFFFE, s5;
	v57 =	vld [tilespmem:s8+$0x110];
	v3 =	vadd.f32 v3, v7;
	v7 =	vadd.f32 v11, v8;
	v8 =	vmul.f32 v20, v13  }
0x9e: {  	s7 =	sadd.s32 $0x2, s29;
	v58 =	vld [tilespmem:s8+$0xFFFFFE80];
	v2 =	vmul.f32 v4, v2;
	v14 =	vmul.f32 v53, v9;
	v12 =	vadd.f32 v15, v12  }
0x9f: {  	s6 =	sadd.s32 $0x3, s29;
	s11 =	smin.u32 s7, $0xED7;
	v59 =	vld [tilespmem:s8+$0xFFFFFF00];
	v6 =	vadd.f32 v6, v10;
	v7 =	vadd.f32 v8, v7;
	v8 =	vmul.f32 v21, v9  }
0xa0: {  	s30 =	smin.u32 s6, $0xED7;
	s12 =	smul.u32 $0x51F, s11;
	v60 =	vld [tilespmem:s8+$0xFFFFFE90];
	v10 =	vadd.f32 v14, v12;
	v12 =	vmul.f32 v22, v5  }
0xa1: {  	s10 =	smul.u32 $0x51F, s30;
	v29 =	vld [tilespmem:s8+$0xFFFFFF20];
	v6 =	vadd.f32 v2, v6;
	v5 =	vmul.f32 v17, v5;
	v7 =	vadd.f32 v8, v7  }
0xa2: {  	s12 =	sshrl.u32 s12, $0x12;
	v62 =	vld [tilespmem:s8+$0xFFFFFF30];
	(xrf2) =	vadd.scan.msk.f32 $0xffff, v3;
	v9 =	vadd.f32 v12, v10  }
0xa3: {  	s10 =	sshrl.u32 s10, $0x12;
	s14 =	smul.u32 $0xFFFFFF38, s12;
	v4 =	vld [tilespmem:s8+$0xFFFFFED0];
	(xrf2) =	vadd.scan.msk.f32 $0xffff, v6;
	v5 =	vadd.f32 v5, v7  }
0xa4: {  	s13 =	smul.u32 $0xFFFFFF38, s10;
	v16 =	vld [tilespmem:s8+$0x50];
	v2 =	vimm.f32 $0.0e+00;
	v3 =	vlaneseq.u32;
	v8 =	vmov s10;
	s10 =	sadd.s32 $0xFFFFFFF0, s10;
	(xrf2) =	vadd.scan.msk.f32 $0xffff, v9  }
0xa5: {  	s31 =	sadd.s32 s11, s14;
	v18 =	vld [tilespmem:s8+$0xC0];
	vm1 =	veq.s32 v8, v3;
	v8 =	vmov s10;
	v7 =	vmov s12;
	(xrf2) =	vadd.scan.msk.f32 $0xffff, v5  }
0xa6: {  	v19 =	vld [tilespmem:s8+$0x20];
	s12 =	sadd.s32 $0xFFFFFFF0, s12;
	vm2 =	veq.s32 v8, v3;
	v8 =	vmov s31;
	vm3 =	veq.s32 v7, v3  }
0xa7: {  	s9 =	sadd.s32 s30, s13;
	v15 =	vld [tilespmem:s8+$0xD0];
	v9 =	vmov s12;
	vm4 =	vlt.s32 v8, v1;
	vm5 =	vlt.s32 v8, v0  }
0xa8: {  	v11 =	vld [tilespmem:s8+$0x150];
	vm0 =	veq.s32 v9, v3;
	v5 =	vmov s9;
	vm4 =	vmand vm3, vm4  }
0xa9: {  	v20 =	vld [tilespmem:s8+$0x0];
	vm6 =	vlt.s32 v5, v1;
	vm5 =	vmand vm0, vm5;
	vm7 =	vlt.s32 v5, v0  }
0xaa: {  	v14 =	vld [tilespmem:s8+$0x40];
	vm4 =	vmor vm4, vm5;
	vm5 =	vmand vm1, vm6;
	vm15 =	vmand vm2, vm7  }
0xab: {  	v6 =	vld [tilespmem:s8+$0x30];
	v13 =	vsel vm4, $0x3F800000, v2;
	vm4 =	vmor vm5, vm15  }
0xac: {  	v21, _, _ =	vpop (xrf2);
	v22 =	vsel vm4, $0x3F800000, v2;
	(xrf0) =	vmax.scan.msk.f32 $0xffff, v13;
	v13 =	vld [tilespmem:s8+$0x80]  }
0xad: {  	v23, _, _ =	vpop (xrf2);
	(v2sf) =	vpush v21, $0xF;
	v21 =	vld [tilespmem:s8+$0x90];
	(xrf0) =	vmax.scan.msk.f32 $0xffff, v22  }
0xae: {  	v22 =	vld [tilespmem:s8+$0x10];
	v54, _, _ =	vpop (xrf2)  }
0xaf: {  	v12 =	vld [tilespmem:s8+$0xB0];
	(v2sf) =	vpush v54, $0xF;
	v56, _, _ =	vpop (xrf2)  }
0xb0: {  	v8 =	vld [tilespmem:s8+$0xA0];
	(v2sf) =	vpush v56, $0xF  }
0xb1: {  	v17 =	vld [tilespmem:s8+$0x130];
	v13 =	vmul.f32 v13, v20;
	(v2sf) =	vpush v23, $0xF  }
0xb2: {  	v10 =	vld [tilespmem:s8+$0x140];
	v61 =	vmul.f32 v15, v16;
	v18 =	vmul.f32 v18, v14;
	v23, _, _ =	vpop (xrf0)  }
0xb3: {  	v5 =	vld [tilespmem:s8+$0x120];
	v21 =	vmul.f32 v21, v22;
	v13 =	vadd.f32 $0.0e+00, v13;
	(v2sf) =	vpush v23, $0xF;
	v23, _, _ =	vpop (xrf0)  }
0xb4: {  	v15 =	vld [tilespmem:s8+$0xFFFFFF80];
	vm3 =	vmmov vm3;
	v12 =	vmul.f32 v12, v6;
	(v2sf) =	vpush v23, $0xF  }
0xb5: {  	v8 =	vmul.f32 v8, v19;
	v20 =	vmul.f32 v55, v20;
	v21 =	vadd.f32 v21, v13;
	v23 =	vld [tilespmem:s8+$0xFFFFFF10]  }
0xb6: {  	v9 =	vld [tilespmem:s8+$0xFFFFFEA0];
	v6 =	vmul.f32 v17, v6;
	vm1 =	vmmov vm1;
	v13 =	vmul.f32 v11, v16  }
0xb7: {  	v11 =	vadd.f32 $0.0e+00, v20;
	v16 =	vmul.f32 v57, v22;
	v22 =	vld [tilespmem:s8+$0xFFFFFF90];
	v21 =	vadd.f32 v8, v21  }
0xb8: {  	v7 =	vld [tilespmem:s8+$0xFFFFFEB0];
	vm2 =	vmmov vm2;
	v5 =	vmul.f32 v5, v19;
	v20 =	vmul.f32 v59, v58  }
0xb9: {  	v63 =	vadd.f32 v16, v11;
	v8 =	vld [tilespmem:s8+$0xFFFFFEC0];
	v11 =	vmul.f32 v10, v14;
	v12 =	vadd.f32 v12, v21  }
0xba: {  	v10 =	vadd.f32 $0.0e+00, v20;
	v16 =	vld [tilespmem:s8+$0xFFFFFFA0];
	v20 =	vmul.f32 v15, v58;
	v19 =	vmul.f32 v23, v60  }
0xbb: {  	v17 =	vmul.f32 v29, v9;
	v14 =	vld [tilespmem:s8+$0xFFFFFF40];
	v5 =	vadd.f32 v5, v63;
	v18 =	vadd.f32 v18, v12  }
0xbc: {  	s15 =	sadd.s32 $0x0, s5;
	v15 =	vld [tilespmem:s8+$0xFFFFFFB0];
	v20 =	vadd.f32 $0.0e+00, v20;
	v21 =	vmul.f32 v22, v60;
	v10 =	vadd.f32 v19, v10  }
0xbd: {  	s11 =	simm.s32 $0x2C00;
	s10 =	sadd.s32 $0x3, s15;
	v12 =	vld [tilespmem:s8+$0xFFFFFF50];
	s13 =	spop (v2sf);
	v23 =	vmul.f32 v62, v7;
	v19 =	vadd.f32 v6, v5;
	v18 =	vadd.f32 v61, v18  }
0xbe: {  	s12 =	smin.u32 s10, $0xED7;
	s9 =	simm.s32 $0x2;
	v6 =	vimm.f32 $0.0e+00;
	v5 =	vimm.f32 $0.0e+00;
	v22 =	vadd.f32 v17, v10;
	v17 =	vld [tilespmem:s8+$0xFFFFFFC0];
	s14 =	spop (v2sf)  }
.LBB2_3:
0xbf: {  	v10 =	vld [tilespmem:s11+$0x50];
	v20 =	vadd.f32 v21, v20;
	v9 =	vmul.f32 v16, v9;
	s16 =	sadd.s32 $0x2, s15;
	v16 =	vadd.f32 v11, v19;
	s17 =	smul.u32 $0x51F, s12;
	s18 =	spop (v2sf)  }
0xc0: {  	v19 =	vadd.f32 v23, v22;
	v14 =	vmul.f32 v14, v8;
	v21 =	vld [tilespmem:s8+$0xFFFFFFD0];
	s15 =	smin.u32 s16, $0xED7;
	(xrf2) =	vadd.scan.msk.f32 $0xffff, v18;
	s8 =	ssub.f32 s18, s14;
	s14 =	spop (v2sf)  }
0xc1: {  	p0 =	slt.u32 s7, $0xED8;
	v11 =	vld [tilespmem:s11+$0xD0];
	v9 =	vadd.f32 v9, v20;
	v7 =	vmul.f32 v15, v7;
	s18 =	smul.u32 $0x51F, s15;
	v15 =	vadd.f32 v13, v16;
	s7 =	ssub.f32 s14, s13  }
0xc2: {  	s13 =	sshrl.u32 s17, $0x12;
	v13 =	vld [tilespmem:s11+$0x150];
	v14 =	vadd.f32 v14, v19;
	v16 =	vmul.f32 v12, v4;
	s8 =	sadd.f32 $6.000000240e-01, s8;
	s14 =	spop (v2sf)  }
0xc3: {  	v18 =	vld [tilespmem:s11+$0xFFFFFED0];
	v7 =	vadd.f32 v7, v9;
	v8 =	vmul.f32 v17, v8;
	s17 =	sshrl.u32 s18, $0x12;
	(xrf2) =	vadd.scan.msk.f32 $0xffff, v15;
	p1 =	sgt.f32 s14, $0.0e+00;
	s14 =	spop (v2sf)  }
0xc4: {  	v15 =	vmov s13;
	s18 =	sadd.s32 $0xFFFFFFF0, s13;
	s7 =	sadd.f32 $6.000000240e-01, s7;
	v12 =	vld [tilespmem:s11+$0x40];
	v9 =	vadd.f32 v16, v14;
	v14 =	vmov s17;
	s8 =	smax.f32 s8, $0.0e+00  }
0xc5: {  	s19 =	sadd.s32 $0xFFFFFFF0, s17;
	vm5 =	veq.s32 v15, v3;
	v16 =	vld [tilespmem:s11+$0xC0];
	v7 =	vadd.f32 v8, v7;
	v19 =	vmul.f32 v21, v4;
	s8 =	simm.s32 @!p1 $0x0;
	p1 =	sgt.f32 s14, $0.0e+00  }
0xc6: {  	v17 =	vmov s18;
	vm4 =	veq.s32 v14, v3;
	v14 =	vmov s19;
	s14 =	smax.f32 s7, $0.0e+00;
	s7 =	smov.u32 s16;
	v15 =	vld [tilespmem:s11+$0x140];
	(xrf2) =	vadd.scan.msk.f32 $0xffff, v9;
	s8 =	simm.s32 @!p0 $0x0  }
0xc7: {  	s16 =	smul.u32 $0xFFFFFF38, s13;
	vm6 =	veq.s32 v17, v3;
	p0 =	slt.u32 s6, $0xED8;
	v8 =	vld [tilespmem:s11+$0xFFFFFEC0];
	v7 =	vadd.f32 v19, v7;
	v20 =	vmov s8;
	s14 =	simm.s32 @!p1 $0x0  }
0xc8: {  	s17 =	smul.u32 $0xFFFFFF38, s17;
	s13 =	smov.u32 s9;
	v17 =	vld [tilespmem:s11+$0x30];
	v9 =	vnsel vm3, $0x0, v20;
	v20 =	vnsel vm0, $0x0, v20;
	vm0 =	veq.s32 v14, v3;
	s14 =	simm.s32 @!p0 $0x0;
	v4 =	vmovc v18  }
0xc9: {  	s6 =	smov.u32 s10;
	s12 =	sadd.s32 s12, s16;
	s8 =	smov.u32 s11;
	v14 =	vld [tilespmem:s11+$0xB0];
	(xrf2) =	vadd.scan.msk.f32 $0xffff, v7;
	v6 =	vadd.f32 v9, v6;
	v5 =	vadd.f32 v20, v5;
	v7 =	vmov s14  }
0xca: {  	s10 =	sadd.s32 s15, s17;
	v9 =	vmov s12;
	v18 =	vld [tilespmem:s11+$0x130];
	v19, _, _ =	vpop (xrf2);
	v20 =	vnsel vm1, $0x0, v7;
	v21 =	vnsel vm2, $0x0, v7  }
0xcb: {  	v23 =	vmov s10;
	v7 =	vld [tilespmem:s11+$0xFFFFFEB0];
	v6 =	vadd.f32 v20, v6;
	v5 =	vadd.f32 v21, v5  }
0xcc: {  	vm1 =	vlt.s32 v23, v1;
	vm2 =	vlt.s32 v23, v0;
	vm3 =	vlt.s32 v9, v1;
	v20 =	vld [tilespmem:s11+$0x20]  }
0xcd: {  	vm7 =	vlt.s32 v9, v0;
	vm1 =	vmand vm4, vm1;
	vm2 =	vmand vm0, vm2;
	v21 =	vld [tilespmem:s11+$0xA0];
	v22, _, _ =	vpop (xrf2)  }
0xce: {  	vm1 =	vmor vm1, vm2;
	vm2 =	vmand vm5, vm3;
	vm3 =	vmand vm6, vm7;
	v23 =	vld [tilespmem:s11+$0x120]  }
0xcf: {  	v24 =	vsel vm1, $0x3F800000, v2;
	vm2 =	vmor vm2, vm3;
	vm1 =	vmmov vm5;
	v9 =	vld [tilespmem:s11+$0xFFFFFEA0]  }
0xd0: {  	vm3 =	vmmov vm4;
	v26 =	vsel vm2, $0x3F800000, v2;
	vm2 =	vmmov vm6;
	v25 =	vld [tilespmem:s11+$0x0];
	v27, _, _ =	vpop (xrf2);
	(xrf0) =	vmax.scan.msk.f32 $0xffff, v24  }
0xd1: {  	v24 =	vld [tilespmem:s11+$0x80];
	(xrf0) =	vmax.scan.msk.f32 $0xffff, v26  }
0xd2: {  	v26 =	vld [tilespmem:s11+$0x10];
	(v2sf) =	vpush v19, $0xF  }
0xd3: {  	v19 =	vld [tilespmem:s11+$0x90];
	(v2sf) =	vpush v27, $0xF;
	v27, _, _ =	vpop (xrf2)  }
0xd4: {  	v28 =	vld [tilespmem:s11+$0x100];
	(v2sf) =	vpush v27, $0xF  }
0xd5: {  	v27 =	vld [tilespmem:s11+$0x110];
	(v2sf) =	vpush v22, $0xF  }
0xd6: {  	v22 =	vld [tilespmem:s11+$0xFFFFFE80];
	v24 =	vmul.f32 v24, v25;
	v29, _, _ =	vpop (xrf0)  }
0xd7: {  	v30 =	vld [tilespmem:s11+$0xFFFFFF00];
	(v2sf) =	vpush v29, $0xF;
	v29, _, _ =	vpop (xrf0)  }
0xd8: {  	v31 =	vld [tilespmem:s11+$0xFFFFFE90];
	v24 =	vadd.f32 $0.0e+00, v24;
	v19 =	vmul.f32 v19, v26;
	(v2sf) =	vpush v29, $0xF  }
0xd9: {  	v29 =	vld [tilespmem:s11+$0xFFFFFF10];
	v25 =	vmul.f32 v28, v25;
	v28 =	vmul.f32 v11, v10  }
0xda: {  	s9 =	sadd.s32 $0x2, s9;
	v13 =	vmul.f32 v13, v10;
	v32 =	vld [tilespmem:s11+$0xFFFFFF80];
	v11 =	vadd.f32 v19, v24;
	v19 =	vmul.f32 v21, v20  }
0xdb: {  	p0 =	slt.u32 s9, $0xEE;
	v24 =	vmul.f32 v27, v26;
	v10 =	vld [tilespmem:s11+$0xFFFFFF20];
	v21 =	vadd.f32 $0.0e+00, v25;
	v25 =	vmul.f32 v16, v12  }
0xdc: {  	v14 =	vmul.f32 v14, v17;
	v16 =	vmul.f32 v30, v22;
	v26 =	vld [tilespmem:s11+$0xFFFFFF90];
	v19 =	vadd.f32 v19, v11  }
0xdd: {  	v20 =	vmul.f32 v23, v20;
	v11 =	vmul.f32 v15, v12;
	v27 =	vld [tilespmem:s11+$0xFFFFFF30];
	v21 =	vadd.f32 v24, v21  }
.Ltmp1:
0xde: {  	v12 =	vadd.f32 $0.0e+00, v16;
	v15 =	vmul.f32 v29, v31;
	v16 =	vld [tilespmem:s11+$0xFFFFFFA0];
	v19 =	vadd.f32 v14, v19;
	(pc) =	sbr.rel @p0 .LBB2_3-.Ltmp1, $4  }
0xdf: {  	v17 =	vmul.f32 v18, v17;
	v22 =	vmul.f32 v32, v22;
	v14 =	vld [tilespmem:s11+$0xFFFFFF40];
	v23 =	vadd.f32 v20, v21  }
0xe0: {  	s15 =	sadd.s32 s13, s5;
	v18 =	vadd.f32 v15, v12;
	v10 =	vmul.f32 v10, v9;
	v15 =	vld [tilespmem:s11+$0xFFFFFFB0];
	v24 =	vadd.f32 v25, v19  }
0xe1: {  	s10 =	sadd.s32 $0x3, s15;
	v20 =	vadd.f32 $0.0e+00, v22;
	v21 =	vmul.f32 v26, v31;
	v12 =	vld [tilespmem:s11+$0xFFFFFF50];
	v19 =	vadd.f32 v17, v23;
	s13 =	spop (v2sf)  }
0xe2: {  	s12 =	smin.u32 s10, $0xED7;
	s11 =	sadd.s32 $0x300, s11;
	v22 =	vadd.f32 v10, v18;
	v23 =	vmul.f32 v27, v7;
	v17 =	vld [tilespmem:s8+$0xFFFFFFC0];
	v18 =	vadd.f32 v28, v24;
	s14 =	spop (v2sf)  }
0xe3: {  	v10 =	vadd.f32 v21, v20;
	v9 =	vmul.f32 v16, v9  }
0xe4: {  	v45 =	vld [tilespmem:s8+$0xFFFFFFD0]  }
0xe5: {  	v9 =	vadd.f32 v9, v10;
	v7 =	vmul.f32 v15, v7  }
0xe6: {  	s5 =	sadd.s32 $0x2, s15;
	v46 =	vadd.f32 v23, v22;
	v14 =	vmul.f32 v14, v8  }
0xe7: {  	v11 =	vadd.f32 v11, v19;
	s30 =	smul.u32 $0x51F, s12;
	s9 =	smin.u32 s5, $0xED7;
	v7 =	vadd.f32 v7, v9;
	v47 =	vmul.f32 v17, v8  }
0xe8: {  	s11 =	smul.u32 $0x51F, s9;
	v48 =	vadd.f32 v14, v46;
	v49 =	vmul.f32 v12, v4  }
0xe9: {  	v11 =	vadd.f32 v13, v11;
	s8 =	sshrl.u32 s30, $0x12;
	v50 =	vmul.f32 v45, v4;
	v7 =	vadd.f32 v47, v7  }
0xea: {  	(xrf2) =	vadd.scan.msk.f32 $0xffff, v18;
	s31 =	smul.u32 $0xFFFFFF38, s8;
	s11 =	sshrl.u32 s11, $0x12;
	v51 =	vadd.f32 v49, v48  }
0xeb: {  	v52 =	vmov s8;
	s8 =	sadd.s32 $0xFFFFFFF0, s8;
	(xrf2) =	vadd.scan.msk.f32 $0xffff, v11;
	s16 =	smul.u32 $0xFFFFFF38, s11;
	v4 =	vadd.f32 v50, v7  }
0xec: {  	vm5 =	veq.s32 v52, v3;
	v54 =	vmov s8;
	v53 =	vmov s11;
	s11 =	sadd.s32 $0xFFFFFFF0, s11;
	(xrf2) =	vadd.scan.msk.f32 $0xffff, v51  }
0xed: {  	vm4 =	veq.s32 v54, v3;
	s15 =	sadd.s32 s12, s31;
	vm7 =	veq.s32 v53, v3;
	v55 =	vmov s11;
	s9 =	sadd.s32 s9, s16;
	(xrf2) =	vadd.scan.msk.f32 $0xffff, v4  }
0xee: {  	vm6 =	veq.s32 v55, v3;
	v3 =	vmov s15;
	v56 =	vmov s9  }
0xef: {  	vm10 =	vlt.s32 v3, v1;
	vm8 =	vlt.s32 v56, v1;
	vm9 =	vlt.s32 v56, v0  }
0xf0: {  	vm11 =	vlt.s32 v3, v0;
	vm8 =	vmand vm7, vm8;
	vm9 =	vmand vm6, vm9  }
0xf1: {  	vm14 =	vmand vm5, vm10;
	vm15 =	vmand vm4, vm11;
	vm8 =	vmor vm8, vm9  }
0xf2: {  	vm12 =	vmor vm14, vm15;
	v3 =	vsel vm8, $0x3F800000, v2  }
0xf3: {  	v2 =	vsel vm12, $0x3F800000, v2  }
0xf4: {  	v57, _, _ =	vpop (xrf2);
	(xrf0) =	vmax.scan.msk.f32 $0xffff, v3  }
0xf5: {  	(xrf0) =	vmax.scan.msk.f32 $0xffff, v2;
	v3, _, _ =	vpop (xrf2)  }
0xf6: {  	(v2sf) =	vpush v57, $0xF;
	v2, _, _ =	vpop (xrf2)  }
0xf7: {  	(v2sf) =	vpush v2, $0xF;
	v2, _, _ =	vpop (xrf2)  }
0xf8: {  	(v2sf) =	vpush v2, $0xF  }
0xf9: {  	(v2sf) =	vpush v3, $0xF  }
0xfa: {  	v2, _, _ =	vpop (xrf0)  }
0xfb: {  	(v2sf) =	vpush v2, $0xF;
	v2, _, _ =	vpop (xrf0)  }
0xfc: {  	(v2sf) =	vpush v2, $0xF;
	_ =	sdelay $0x2  }
0xfd: {  	s17 =	spop (v2sf)  }
0xfe: {  	s8 =	ssub.f32 s17, s14  }
0xff: {  	s18 =	spop (v2sf)  }
0x100: {  	s19 =	spop (v2sf);
	s8 =	sadd.f32 $6.000000240e-01, s8  }
0x101: {  	s20 =	spop (v2sf);
	s9 =	ssub.f32 s18, s13  }
0x102: {  	p0 =	sgt.f32 s19, $0.0e+00;
	s8 =	smax.f32 s8, $0.0e+00  }
0x103: {  	s9 =	sadd.f32 $6.000000240e-01, s9;
	s21 =	spop (v2sf)  }
0x104: {  	s8 =	simm.s32 @!p0 $0x0;
	p0 =	sgt.f32 s20, $0.0e+00;
	s22 =	spop (v2sf)  }
0x105: {  	s9 =	smax.f32 s9, $0.0e+00;
	s23 =	spop (v2sf)  }
0x106: {  	p1 =	slt.u32 s7, $0xED8;
	s24 =	ssub.f32 s23, s22;
	s25 =	spop (v2sf)  }
0x107: {  	s8 =	simm.s32 @!p1 $0x0;
	s9 =	simm.s32 @!p0 $0x0;
	s7 =	ssub.f32 s25, s21  }
0x108: {  	p0 =	slt.u32 s6, $0xED8;
	s26 =	spop (v2sf);
	s6 =	sadd.f32 $6.000000240e-01, s24  }
0x109: {  	s9 =	simm.s32 @!p0 $0x0;
	v2 =	vmov s8;
	p0 =	sgt.f32 s26, $0.0e+00;
	s28 =	spop (v2sf)  }
0x10a: {  	v3 =	vnsel vm3, $0x0, v2;
	s7 =	sadd.f32 $6.000000240e-01, s7;
	s6 =	smax.f32 s6, $0.0e+00  }
0x10b: {  	p1 =	slt.u32 s5, $0xED8;
	v58 =	vmov s9;
	v2 =	vnsel vm0, $0x0, v2;
	v3 =	vadd.f32 v3, v6;
	s6 =	simm.s32 @!p0 $0x0;
	p0 =	sgt.f32 s28, $0.0e+00  }
0x10c: {  	vm13 =	vmmov vm7;
	v59 =	vnsel vm1, $0x0, v58;
	v2 =	vadd.f32 v2, v5;
	s5 =	smax.f32 s7, $0.0e+00;
	s6 =	simm.s32 @!p1 $0x0  }
0x10d: {  	v4 =	vnsel vm2, $0x0, v58;
	v3 =	vadd.f32 v59, v3;
	p1 =	slt.u32 s10, $0xED8;
	v60 =	vmov s6;
	s5 =	simm.s32 @!p0 $0x0  }
0x10e: {  	vm14 =	vmmov vm5;
	v2 =	vadd.f32 v4, v2;
	v61 =	vnsel vm13, $0x0, v60;
	s5 =	simm.s32 @!p1 $0x0  }
0x10f: {  	v5 =	vnsel vm6, $0x0, v60;
	v3 =	vadd.f32 v61, v3;
	v62 =	vmov s5  }
0x110: {  	vm15 =	vmmov vm4;
	v2 =	vadd.f32 v5, v2;
	v63 =	vnsel vm14, $0x0, v62  }
0x111: {  	v4 =	vnsel vm15, $0x0, v62;
	v3 =	vadd.f32 v63, v3  }
0x112: {  	s29 =	sshll.u32 s3, $0x2;
	v2 =	vadd.f32 v4, v2  }
0x113: {  	s30 =	sadd.s32 s4, s29;
	[tilespmem:$0x18C80] =	vst v3  }
0x114: {  	s31 =	simm.s32 $0x18C80;
	s6 =	simm.s32 $0x2;
	s5 =	simm.s32 $0x0;
	[tilespmem:$0x18C90] =	vst v2  }
0x115: {  	[hbm4b:s30+s5] =	stream.linear.scatter [tilespmem:s31], [sflag:$0x2], $0x20, $0x38;
	[tilespmem:$0x19000] =	vst v63  }
0x116: {  	_ =	swait.ge [sflag:s6], $0x20  }
0x117: {  	[sflag:s6] =	ssyncset.done $0x0  }
0x118: {  	[sflag:s6] =	ssyncadd.s32 $0xFFFFFFE0  }
0x119: {  	p0 =	sne.s32 s3, $0x0;
	[bflag:$0x0] =	sbarrier.arrive $0xFFFF  }
0x11a: {  	_ =	sfence.sel @p0 $0x180000  }
0x11b: {  	[bflag:$0x0] =	sbarrier.arrive @p0 $0xFFFF  }
0x11c: {  	_ =	strace @p0 $0x9000004A  }
0x11d: {  	[bflag:$0x2] =	sbarrier.arrive @p0 $0xFFFF  }
0x11e: {  	_ =	shalt @p0  }
.LBB2_5:
0x11f: {  	s3 =	simm.s32 $0x18D00  }
0x120: {  	[tilespmem:s3], [sflag:$0x2] =	stream.linear.gather [hbm4b:s4+s5], $0x200, $0x38;
	[tilespmem:$0x19000] =	vst v63  }
0x121: {  	_ =	swait.ge [sflag:s6], $0x200  }
0x122: {  	[sflag:s6] =	ssyncset.done $0x0  }
0x123: {  	[sflag:s6] =	ssyncadd.s32 $0xFFFFFE00  }
0x124: {  	v2 =	vld [tilespmem:$0x18D00]  }
0x125: {  	v3 =	vld [tilespmem:$0x18D10]  }
0x126: {  	v4 =	vld [tilespmem:$0x18D20]  }
0x127: {  	v5 =	vld [tilespmem:$0x18D30]  }
0x128: {  	v6 =	vld [tilespmem:$0x18D40]  }
0x129: {  	v7 =	vld [tilespmem:$0x18D50];
	v2 =	vadd.f32 $0.0e+00, v2  }
0x12a: {  	v8 =	vld [tilespmem:$0x18D60]  }
0x12b: {  	v26 =	vld [tilespmem:$0x18D70];
	v3 =	vadd.f32 $0.0e+00, v3;
	v2 =	vadd.f32 v4, v2  }
0x12c: {  	v27 =	vld [tilespmem:$0x18D80]  }
0x12d: {  	v28 =	vld [tilespmem:$0x18D90];
	v3 =	vadd.f32 v5, v3;
	v2 =	vadd.f32 v6, v2  }
0x12e: {  	v29 =	vld [tilespmem:$0x18DA0]  }
0x12f: {  	v30 =	vld [tilespmem:$0x18DB0];
	v3 =	vadd.f32 v7, v3;
	v2 =	vadd.f32 v8, v2  }
0x130: {  	v31 =	vld [tilespmem:$0x18DC0]  }
0x131: {  	v32 =	vld [tilespmem:$0x18DD0];
	v3 =	vadd.f32 v26, v3;
	v2 =	vadd.f32 v27, v2  }
0x132: {  	v33 =	vld [tilespmem:$0x18DE0]  }
0x133: {  	v34 =	vld [tilespmem:$0x18DF0];
	v3 =	vadd.f32 v28, v3;
	v2 =	vadd.f32 v29, v2  }
0x134: {  	v35 =	vld [tilespmem:$0x18E00]  }
0x135: {  	v36 =	vld [tilespmem:$0x18E10];
	v3 =	vadd.f32 v30, v3;
	v2 =	vadd.f32 v31, v2  }
0x136: {  	v37 =	vld [tilespmem:$0x18E20]  }
0x137: {  	v38 =	vld [tilespmem:$0x18E30];
	v3 =	vadd.f32 v32, v3;
	v2 =	vadd.f32 v33, v2  }
0x138: {  	v39 =	vld [tilespmem:$0x18E40]  }
0x139: {  	v40 =	vld [tilespmem:$0x18E50];
	v3 =	vadd.f32 v34, v3;
	v2 =	vadd.f32 v35, v2  }
0x13a: {  	vm0 =	vgt.s32 v1, $0x1;
	v41 =	vld [tilespmem:$0x18E60]  }
0x13b: {  	vm13 =	vgt.s32 v0, $0x1;
	v42 =	vld [tilespmem:$0x18E70];
	v3 =	vadd.f32 v36, v3;
	v2 =	vadd.f32 v37, v2  }
0x13c: {  	v9 =	vnsel vm0, $0x1, v1;
	v10 =	vnsel vm13, $0x1, v0;
	v43 =	vld [tilespmem:$0x18E80]  }
0x13d: {  	v9 =	vcvt.s32.f32 v9;
	v44 =	vld [tilespmem:$0x18E90];
	v3 =	vadd.f32 v38, v3;
	v2 =	vadd.f32 v39, v2  }
0x13e: {  	v47 =	vcvt.s32.f32 v10;
	v45 =	vld [tilespmem:$0x18EA0]  }
0x13f: {  	(erf) = vrcp.f32 v9;
	v46 =	vld [tilespmem:$0x18EB0];
	v3 =	vadd.f32 v40, v3;
	v2 =	vadd.f32 v41, v2  }
0x140: {  	v48 =	vld [tilespmem:$0x18EC0]  }
0x141: {  	v49 =	vld [tilespmem:$0x18ED0];
	(erf) = vrcp.f32 v47;
	v3 =	vadd.f32 v42, v3;
	v2 =	vadd.f32 v43, v2  }
0x142: {  	v50 =	vld [tilespmem:$0x18EE0]  }
0x143: {  	v3 =	vadd.f32 v44, v3;
	v2 =	vadd.f32 v45, v2  }
0x144: {  	v51 =	vld [tilespmem:$0x18EF0]  }
0x145: {  	v3 =	vadd.f32 v46, v3;
	v2 =	vadd.f32 v48, v2;
	_ =	sdelay $0x1  }
0x146: {  	v3 =	vadd.f32 v49, v3;
	v2 =	vadd.f32 v50, v2  }
0x147: {  	v52 =	vpop (erf)  }
0x148: {  	v3 =	vadd.f32 v51, v3;
	v2 =	vmul.f32 v2, v52  }
0x149: {  	vm14 =	vgt.s32 v1, $0x0;
	v53 =	vpop (erf)  }
0x14a: {  	v1 =	vmul.f32 v3, v53;
	v2 =	vnsel vm14, $0x0, v2  }
0x14b: {  	vm1 =	vgt.s32 v0, $0x0;
	(xrf2) =	vadd.scan.msk.f32 $0xffff, v2  }
0x14c: {  	v0 =	vnsel vm1, $0x0, v1  }
0x14d: {  	(xrf2) =	vadd.scan.msk.f32 $0xffff, v0  }
0x14e: {  	v54 =	vimm.s32 $0x0  }
0x14f: {  	v55 =	vsel vm14, $0x1, v54  }
0x150: {  	(xrf0) =	vadd.scan.msk.s32 $0xffff, v55  }
0x151: {  	v0 =	vsel vm1, $0x1, v54  }
0x152: {  	(xrf0) =	vadd.scan.msk.s32 $0xffff, v0;
	_ =	sdelay $0x2  }
0x153: {  	v56, _, _ =	vpop (xrf2)  }
0x154: {  	v1, _, _ =	vpop (xrf0);
	(v2sf) =	vpush v56, $0xF  }
0x155: {  	v57, _, _ =	vpop (xrf2);
	(v2sf) =	vpush v1, $0xF  }
0x156: {  	v58, _, _ =	vpop (xrf0);
	(v2sf) =	vpush v57, $0xF  }
0x157: {  	(v2sf) =	vpush v58, $0xF;
	_ =	sdelay $0xb  }
0x158: {  	s28 =	spop (v2sf)  }
0x159: {  	s29 =	spop (v2sf)  }
0x15a: {  	s7 =	spop (v2sf)  }
0x15b: {  	s8 =	spop (v2sf)  }
0x15c: {  	s4 =	sadd.s32 s29, s8  }
0x15d: {  	p0 =	sgt.s32 s4, $0x1;
	s8 =	smov.u32 s4  }
0x15e: {  	s8 =	simm.s32 @!p0 $0x1  }
0x15f: {  	s8 =	scvt.s32.f32 s8;
	_ =	sdelay $0x1  }
0x160: {  	v59 =	vmov s8  }
0x161: {  	(erf) = vrcp.f32 v59;
	_ =	sdelay $0x5  }
0x162: {  	s3 =	sadd.f32 s7, s28;
	_ =	sdelay $0x1  }
0x163: {  	vm15 =	vcmask $0x300;
	v60 =	vmov s3  }
0x164: {  	v0 =	vnsel vm15, $0x0, v60;
	v61 =	vpop (erf)  }
0x165: {  	v62 =	vmov s4;
	v0 =	vmul.f32 v0, v61  }
0x166: {  	p6 =	sgt.s32 s4, $0x0;
	v63 =	vnsel vm15, $0x0, v62  }
0x167: {  	[tilespmem:$0x18F80] =	vst v63;
	v0 =	vpsel !p6, $0x0, v0  }
0x168: {  	s30 =	simm.s32 $0x18F00;
	[tilespmem:$0x18F00] =	vst v0  }
0x169: {  	[hbm4b:s2+s5] =	stream.linear.scatter [tilespmem:s30], [sflag:$0x2], $0x80, $0x38;
	[tilespmem:$0x19000] =	vst v63  }
0x16a: {  	_ =	swait.ge [sflag:s6], $0x80  }
0x16b: {  	[sflag:s6] =	ssyncset.done $0x0  }
0x16c: {  	s31 =	simm.s32 $0x18F80;
	[sflag:s6] =	ssyncadd.s32 $0xFFFFFF80  }
0x16d: {  	[hbm4b:s1+s5] =	stream.linear.scatter [tilespmem:s31], [sflag:$0x2], $0x80, $0x38;
	[tilespmem:$0x19000] =	vst v63  }
0x16e: {  	_ =	swait.ge [sflag:s6], $0x80  }
0x16f: {  	[sflag:s6] =	ssyncset.done $0x0  }
0x170: {  	[sflag:s6] =	ssyncadd.s32 $0xFFFFFF80  }
0x171: {  	_ =	sfence.sel $0x180000  }
0x172: {  	[bflag:$0x0] =	sbarrier.arrive $0xFFFF  }
0x173: {  	_ =	strace $0x9000004A  }
0x174: {  	s0 =	sadd.s32 $0x100000, s0;
	[bflag:$0x2] =	sbarrier.arrive $0xFFFF  }
0x175: {  	[sflag:s0] =	ssyncadd.tile.s32 $0x1;
	_ =	shalt  }
.Lfunc_end2:
_tile_overlayer_lowered:
.L_overlay_start_2:
0x176: {  	(tag) =	ssettag $0x2  }
0x177: {  	s0 =	rddreg [dreg:$0x0];
	s2 =	stileid.u32  }
0x178: {  	s1 =	rddreg [dreg:$0x1];
	p0 =	sne.s32 s2, $0x0  }
0x179: {  	s3 =	rddreg [dreg:$0x2];
	[bflag:$0x3] =	sbarrier.arrive $0xFFFF;
	s2 =	simm.s32 @!p0 $0x1C02  }
0x17a: {  	[timem:s3], [sflag:s2] =	dma.local @!p0 [hbm:s0], s1  }
0x17b: {  	s0 =	simm.s32 @!p0 $0x2  }
0x17c: {  	_ =	swait.ge @!p0 [sflag:s0], s1  }
0x17d: {  	s1 =	ssub.s32 @!p0 $0x0, s1;
	[sflag:s0] =	ssyncset.done @!p0 $0x0  }
0x17e: {  	[sflag:s0] =	ssyncadd.s32 @!p0 s1  }
0x17f: {  	[bflag:$0x3] =	sbarrier.arrive $0xFFFF  }
0x180: {  	_ =	shalt  }

</sc_bundles>
